<compile_context>
chip_gen: v7x
topology: tpu7x:2x2x1
jax: 0.10.2.dev20260603
libtpu: 0.0.44.dev20260713+nightly
codegen_flags: <defaults>
</compile_context>

<pallas_src>
import functools

import jax
import jax.numpy as jnp
from jax import lax
from jax.experimental import pallas as pl
from jax.experimental.pallas import tpu as pltpu
from jax.experimental.pallas import tpu_sc as plsc

N = 10000
E = 320000
D = 128
H = 128
C = 10
K = 3
G = 64

NC = 2
NS = 16
NW = NC * NS

CH = 128
TPC = 160
Q0 = 80
E_PAD = CH * TPC * NS
N_PAD = 10240
NPT = N_PAD // NS

_f32 = jnp.float32


def _make_propagate(with_deg: bool):
    mesh = plsc.VectorSubcoreMesh(core_axis_name="c", subcore_axis_name="s")

    out_type = [jax.ShapeDtypeStruct((NC, N_PAD, D), _f32)]
    scratch = [
        pltpu.VMEM((2, CH), jnp.int32),
        pltpu.VMEM((2, CH), jnp.int32),
        pltpu.VMEM((CH, D), _f32),
        pltpu.VMEM((CH, D), _f32),
        pltpu.VMEM_SHARED((N_PAD, D), _f32),
        pltpu.SemaphoreType.DMA,
        pltpu.SemaphoreType.DMA,
        pltpu.SemaphoreType.DMA,
        pltpu.SemaphoreType.DMA,
    ]
    if with_deg:
        out_type.append(jax.ShapeDtypeStruct((NC, N_PAD), _f32))
        scratch += [
            pltpu.VMEM((CH,), _f32),
            pltpu.VMEM_SHARED((N_PAD,), _f32),
        ]

    def body(h_hbm, zeros2d, zeros1d, ones_hbm, eidx_hbm, part_h, *rest):
        if with_deg:
            (part_deg, ib0, ib1, gb0, gb1, acc,
             smi0, smi1, smg0, smg1, ones_v, dacc) = rest
        else:
            ib0, ib1, gb0, gb1, acc, smi0, smi1, smg0, smg1 = rest
        ib = (ib0, ib1)
        gb = (gb0, gb1)
        smi = (smi0, smi1)
        smg = (smg0, smg1)

        c = lax.axis_index("c")
        s = lax.axis_index("s")
        r0 = s * NPT
        start = lax.select(c == 0, 0, Q0)
        cnt = lax.select(c == 0, Q0, TPC - Q0)
        end = start + cnt

        pltpu.sync_copy(zeros2d.at[pl.ds(r0, NPT)], acc.at[pl.ds(r0, NPT)])
        if with_deg:
            pltpu.sync_copy(zeros1d.at[pl.ds(r0, NPT)], dacc.at[pl.ds(r0, NPT)])
            pltpu.sync_copy(ones_hbm, ones_v)

        plsc.subcore_barrier()

        @pl.when(cnt > 0)
        def _():
            pltpu.sync_copy(eidx_hbm.at[s, start], ib0)

            @pl.when(cnt > 1)
            def _():
                pltpu.async_copy(eidx_hbm.at[s, start + 1], ib1, smi1)

            pltpu.async_copy(h_hbm.at[ib0.at[0]], gb0, smg0)

        @pl.loop(0, cnt // 2)
        def _(i):
            for b in (0, 1):
                j = start + 2 * i + b

                @pl.when(j + 1 < end)
                def _():
                    pltpu.make_async_copy(eidx_hbm.at[s, j + 1],
                                          ib[1 - b], smi[1 - b]).wait()
                    pltpu.async_copy(h_hbm.at[ib[1 - b].at[0]], gb[1 - b],
                                     smg[1 - b])

                pltpu.make_async_copy(h_hbm.at[ib[b].at[0]], gb[b],
                                      smg[b]).wait()
                pltpu.sync_copy(gb[b], acc.at[ib[b].at[1]], add=True)
                if with_deg:
                    pltpu.sync_copy(ones_v, dacc.at[ib[b].at[1]], add=True)

                @pl.when(j + 2 < end)
                def _():
                    pltpu.async_copy(eidx_hbm.at[s, j + 2], ib[b], smi[b])

        plsc.subcore_barrier()

        pltpu.sync_copy(acc.at[pl.ds(r0, NPT)], part_h.at[c, pl.ds(r0, NPT)])
        if with_deg:
            pltpu.sync_copy(dacc.at[pl.ds(r0, NPT)], part_deg.at[c, pl.ds(r0, NPT)])

    return pl.kernel(body, out_type=out_type, mesh=mesh, scratch_types=scratch)


_prop_deg = _make_propagate(with_deg=True)
_prop = _make_propagate(with_deg=False)


def _combine1_body(ph, pd, hp, h_out, dinv_out):
    deg = pd[0, :, :] + pd[1, :, :] + 1.0
    dinv = 1.0 / deg
    dinv_out[...] = dinv
    h_out[...] = (ph[0, :, :] + ph[1, :, :] + hp[...]) * dinv


_combine1 = pl.pallas_call(
    _combine1_body,
    out_shape=[jax.ShapeDtypeStruct((N_PAD, D), _f32),
               jax.ShapeDtypeStruct((N_PAD, 1), _f32)],
)


def _combine_body(ph, dinv, hp, h_out):
    h_out[...] = (ph[0, :, :] + ph[1, :, :] + hp[...]) * dinv[...]


_combine = pl.pallas_call(
    _combine_body,
    out_shape=jax.ShapeDtypeStruct((N_PAD, D), _f32),
)


def _dot_t(a, b):
    return lax.dot_general(a, b, (((1,), (1,)), ((), ())),
                           preferred_element_type=_f32)


def _head_body(ph, dinv, hp, batch2, w1, b1, w2, b2, wc, bc, out):
    h = (ph[0, :, :] + ph[1, :, :] + hp[...]) * dinv[...]
    hid = jnp.maximum(_dot_t(h, w1[...]) + b1[...], 0.0)
    hid = _dot_t(hid, w2[...]) + b2[...]
    oh = (batch2[...] == lax.broadcasted_iota(jnp.int32, (1, G), 1)).astype(_f32)
    sums = lax.dot_general(oh, hid, (((0,), (0,)), ((), ())),
                           preferred_element_type=_f32)
    cnt = lax.dot_general(oh, jnp.ones((N_PAD, 1), _f32),
                          (((0,), (0,)), ((), ())),
                          preferred_element_type=_f32)
    pooled = sums * (1.0 / jnp.maximum(cnt, 1.0))
    out[...] = _dot_t(pooled, wc[...]) + bc[...]


_head = pl.pallas_call(
    _head_body,
    out_shape=jax.ShapeDtypeStruct((G, C), _f32),
)


def kernel(x, edge_index, batch, fc1_w, fc1_b, fc2_w, fc2_b, cls_w, cls_b):
    i32 = jnp.int32
    row = edge_index[0]
    col = edge_index[1]
    pad_iota = jnp.arange(E_PAD - E, dtype=i32)
    row_p = jnp.concatenate([row, N + pad_iota % (N_PAD - N)])
    col_p = jnp.concatenate([col, pad_iota % N])
    row_p = row_p.reshape(NS, TPC, CH)
    col_p = col_p.reshape(NS, TPC, CH)
    eidx = jnp.stack([col_p, row_p], axis=2)

    x_pad = jnp.pad(x, ((0, N_PAD - N), (0, 0)))
    zeros2d = jnp.zeros((N_PAD, D), _f32)
    zeros1d = jnp.zeros((N_PAD,), _f32)
    batch2 = jnp.concatenate([batch, jnp.full((N_PAD - N,), G, i32)])
    batch2 = batch2.reshape(N_PAD, 1)

    ones1d = jnp.ones((CH,), _f32)
    part_h, part_deg = _prop_deg(x_pad, zeros2d, zeros1d, ones1d, eidx)
    h, dinv = _combine1(part_h, part_deg.reshape(NC, N_PAD, 1), x_pad)
    for _ in range(K - 2):
        (part_h,) = _prop(h, zeros2d, zeros1d, ones1d, eidx)
        h = _combine(part_h, dinv, h)
    (part_h,) = _prop(h, zeros2d, zeros1d, ones1d, eidx)
    return _head(part_h, dinv, h, batch2,
                 fc1_w, fc1_b, fc2_w, fc2_b, cls_w, cls_b)

# --- scband reference (transcript-rebuilt; emitter-appended) ---
"""Pipeline reference for scband-grand-40802189312207 (READ-ONLY COPY).

The authoritative reference and input builder live on the scoring server;
editing this copy changes nothing except your own understanding.
"""

import jax, jax.numpy as jnp
import numpy as np

N = 10000
E = 320000
D = 128
H = 128
C = 10
K = 3
G = 64


def setup_inputs(seed: int = 0) -> dict:
    key = jax.random.key(seed)
    ks = jax.random.split(key, 10)
    x = jax.random.normal(ks[0], (N, D), dtype=jnp.float32)
    edge_index = jax.random.randint(ks[1], (2, E), 0, N, dtype=jnp.int32)
    batch = jnp.sort(jax.random.randint(ks[2], (N,), 0, G, dtype=jnp.int32))
    fc1_w = jax.random.normal(ks[3], (H, D), dtype=jnp.float32) * 0.05
    fc1_b = jnp.zeros((H,), dtype=jnp.float32)
    fc2_w = jax.random.normal(ks[4], (H, H), dtype=jnp.float32) * 0.05
    fc2_b = jnp.zeros((H,), dtype=jnp.float32)
    cls_w = jax.random.normal(ks[5], (C, H), dtype=jnp.float32) * 0.05
    cls_b = jnp.zeros((C,), dtype=jnp.float32)
    return {"x": x, "edge_index": edge_index, "batch": batch,
            "fc1_w": fc1_w, "fc1_b": fc1_b, "fc2_w": fc2_w, "fc2_b": fc2_b,
            "cls_w": cls_w, "cls_b": cls_b}


def reference(x, edge_index, batch, fc1_w, fc1_b, fc2_w, fc2_b, cls_w, cls_b):
    # Eval mode: dropout and drop_node are identity.
    n = x.shape[0]
    self_loops = jnp.arange(n, dtype=edge_index.dtype)
    row = jnp.concatenate([edge_index[0], self_loops])
    col = jnp.concatenate([edge_index[1], self_loops])
    deg = jnp.bincount(row, length=n).astype(jnp.float32)
    deg = jnp.clip(deg, 1.0, None)
    norm = 1.0 / deg[row]
    h = x
    for _ in range(K):
        h = jax.ops.segment_sum(h[col] * norm[:, None], row, num_segments=n)
    h = jax.nn.relu(h @ fc1_w.T + fc1_b)
    h = h @ fc2_w.T + fc2_b
    sums = jax.ops.segment_sum(h, batch, num_segments=G)
    counts = jax.ops.segment_sum(jnp.ones((n, 1), dtype=h.dtype), batch, num_segments=G)
    pooled = sums / jnp.clip(counts, 1.0, None)
    return pooled @ cls_w.T + cls_b

if __name__ == "__main__":
    import jax
    _d = setup_inputs()
    print(jax.jit(kernel)(*tuple(_d.values())))

</pallas_src>

<mosaic_0001>
#map = affine_map<(d0, d1) -> (0, 0)>
#map1 = affine_map<(d0, d1) -> (0)>
#map2 = affine_map<(d0, d1) -> (0, 0, 0, 0)>
#map3 = affine_map<(d0, d1) -> (0, 0, 0)>
module attributes {stable_mosaic.version = 14 : i64} {
  func.func @body(%arg0: i32, %arg1: i32, %arg2: memref<10240x128xf32, #tpu.memory_space<hbm>>, %arg3: memref<10240x128xf32, #tpu.memory_space<hbm>>, %arg4: memref<10240xf32, #tpu.memory_space<hbm>>, %arg5: memref<128xf32, #tpu.memory_space<hbm>>, %arg6: memref<16x160x2x128xi32, #tpu.memory_space<hbm>>, %arg7: memref<2x10240x128xf32, #tpu.memory_space<hbm>>, %arg8: memref<2x128xi32, #tpu.memory_space<vmem>>, %arg9: memref<2x128xi32, #tpu.memory_space<vmem>>, %arg10: memref<128x128xf32, #tpu.memory_space<vmem>>, %arg11: memref<128x128xf32, #tpu.memory_space<vmem>>, %arg12: memref<10240x128xf32, #tpu.memory_space<vmem_shared>>, %arg13: memref<!tpu.dma_semaphore, #tpu.memory_space<semaphore_mem>>, %arg14: memref<!tpu.dma_semaphore, #tpu.memory_space<semaphore_mem>>, %arg15: memref<!tpu.dma_semaphore, #tpu.memory_space<semaphore_mem>>, %arg16: memref<!tpu.dma_semaphore, #tpu.memory_space<semaphore_mem>>) attributes {dimension_semantics = [#tpu.dimension_semantics<core_parallel>, #tpu.dimension_semantics<subcore_parallel>], iteration_bounds = array<i64: 2, 16>, scalar_prefetch = 0 : i64, scratch_operands = 9 : i64, tpu.core_type = #tpu.core_type<sc_vector_subcore>, window_params = [{transform_indices = #map}, {transform_indices = #map}, {transform_indices = #map1}, {transform_indices = #map1}, {transform_indices = #map2}, {transform_indices = #map3}]} {
    %mul3A = arith.constant 640 : i32
    %mul3A_0 = arith.muli %arg1, %mul3A : i32
    %eq3A = arith.constant 0 : i32
    %eq3A_1 = arith.cmpi eq, %arg0, %eq3A : i32
    %select_n3A = arith.constant 80 : i32
    %select_n3A_2 = arith.constant 0 : i32
    %select_n3A_3 = arith.select %eq3A_1, %select_n3A_2, %select_n3A : i32
    %eq3A_4 = arith.constant 0 : i32
    %eq3A_5 = arith.cmpi eq, %arg0, %eq3A_4 : i32
    %select_n3A_6 = arith.constant 80 : i32
    %select_n3A_7 = arith.constant 80 : i32
    %select_n3A_8 = arith.select %eq3A_5, %select_n3A_7, %select_n3A_6 : i32
    %add3A = arith.addi %select_n3A_3, %select_n3A_8 : i32
    "tpu.region"() ({
      %run_scoped3A = tpu.sem_alloc : memref<!tpu.dma_semaphore, #tpu.memory_space<semaphore_mem>>
      %dma_start3A = arith.constant 0 : i32
      %dma_start3A_47 = tpu.memref_slice %arg12[%mul3A_0, %dma_start3A] : memref<10240x128xf32, #tpu.memory_space<vmem_shared>> -> memref<640x128xf32, #tpu.memory_space<vmem_shared>>
      %dma_start3A_48 = arith.constant 0 : i32
      %dma_start3A_49 = tpu.memref_slice %arg3[%mul3A_0, %dma_start3A_48] : memref<10240x128xf32, #tpu.memory_space<hbm>> -> memref<640x128xf32, #tpu.memory_space<hbm>>
      tpu.enqueue_dma source(%dma_start3A_49 : memref<640x128xf32, #tpu.memory_space<hbm>>) target(%dma_start3A_47 : memref<640x128xf32, #tpu.memory_space<vmem_shared>>) target_semaphore(%run_scoped3A : memref<!tpu.dma_semaphore, #tpu.memory_space<semaphore_mem>>)
      %dma_wait3A = arith.constant 0 : i32
      %dma_wait3A_50 = tpu.memref_slice %arg12[%mul3A_0, %dma_wait3A] : memref<10240x128xf32, #tpu.memory_space<vmem_shared>> -> memref<640x128xf32, #tpu.memory_space<vmem_shared>>
      %dma_wait3A_51 = arith.constant 0 : i32
      %dma_wait3A_52 = tpu.memref_slice %arg3[%mul3A_0, %dma_wait3A_51] : memref<10240x128xf32, #tpu.memory_space<hbm>> -> memref<640x128xf32, #tpu.memory_space<hbm>>
      tpu.wait_dma2 semaphore(%run_scoped3A : memref<!tpu.dma_semaphore, #tpu.memory_space<semaphore_mem>>) src(%dma_wait3A_52 : memref<640x128xf32, #tpu.memory_space<hbm>>) dst(%dma_wait3A_50 : memref<640x128xf32, #tpu.memory_space<vmem_shared>>)
      tpu.yield
    }) : () -> ()
    %barrier3A = arith.constant 0 : index
    tpu.barrier barrier_id(%barrier3A)
    %gt3A = arith.constant 0 : i32
    %gt3A_9 = arith.cmpi sgt, %select_n3A_8, %gt3A : i32
    %convert_element_type3A = arith.extui %gt3A_9 : i1 to i32
    %cond3A = arith.constant 0 : i32
    %cond3A_10 = arith.cmpi ne, %convert_element_type3A, %cond3A : i32
    scf.if %cond3A_10 {
      "tpu.region"() ({
        %run_scoped3A = tpu.sem_alloc : memref<!tpu.dma_semaphore, #tpu.memory_space<semaphore_mem>>
        %dma_start3A_58 = arith.constant 0 : i32
        %dma_start3A_59 = arith.constant 0 : i32
        %dma_start3A_60 = tpu.memref_slice %arg6[%arg1, %select_n3A_3, %dma_start3A_58, %dma_start3A_59] : memref<16x160x2x128xi32, #tpu.memory_space<hbm>> -> memref<1x1x2x128xi32, #tpu.memory_space<hbm>>
        %dma_start3A_61 = tpu.memref_squeeze %dma_start3A_60 : memref<1x1x2x128xi32, #tpu.memory_space<hbm>> -> memref<2x128xi32, #tpu.memory_space<hbm>>
        %dma_start3A_62 = arith.constant 0 : i32
        %dma_start3A_63 = arith.constant 0 : i32
        %dma_start3A_64 = tpu.memref_slice %arg6[%arg1, %select_n3A_3, %dma_start3A_62, %dma_start3A_63] : memref<16x160x2x128xi32, #tpu.memory_space<hbm>> -> memref<1x1x2x128xi32, #tpu.memory_space<hbm>>
        %dma_start3A_65 = tpu.memref_squeeze %dma_start3A_64 : memref<1x1x2x128xi32, #tpu.memory_space<hbm>> -> memref<2x128xi32, #tpu.memory_space<hbm>>
        tpu.enqueue_dma source(%dma_start3A_65 : memref<2x128xi32, #tpu.memory_space<hbm>>) target(%arg8 : memref<2x128xi32, #tpu.memory_space<vmem>>) target_semaphore(%run_scoped3A : memref<!tpu.dma_semaphore, #tpu.memory_space<semaphore_mem>>)
        %dma_wait3A = arith.constant 0 : i32
        %dma_wait3A_66 = arith.constant 0 : i32
        %dma_wait3A_67 = tpu.memref_slice %arg6[%arg1, %select_n3A_3, %dma_wait3A, %dma_wait3A_66] : memref<16x160x2x128xi32, #tpu.memory_space<hbm>> -> memref<1x1x2x128xi32, #tpu.memory_space<hbm>>
        %dma_wait3A_68 = tpu.memref_squeeze %dma_wait3A_67 : memref<1x1x2x128xi32, #tpu.memory_space<hbm>> -> memref<2x128xi32, #tpu.memory_space<hbm>>
        %dma_wait3A_69 = arith.constant 0 : i32
        %dma_wait3A_70 = arith.constant 0 : i32
        %dma_wait3A_71 = tpu.memref_slice %arg6[%arg1, %select_n3A_3, %dma_wait3A_69, %dma_wait3A_70] : memref<16x160x2x128xi32, #tpu.memory_space<hbm>> -> memref<1x1x2x128xi32, #tpu.memory_space<hbm>>
        %dma_wait3A_72 = tpu.memref_squeeze %dma_wait3A_71 : memref<1x1x2x128xi32, #tpu.memory_space<hbm>> -> memref<2x128xi32, #tpu.memory_space<hbm>>
        tpu.wait_dma2 semaphore(%run_scoped3A : memref<!tpu.dma_semaphore, #tpu.memory_space<semaphore_mem>>) src(%dma_wait3A_72 : memref<2x128xi32, #tpu.memory_space<hbm>>) dst(%arg8 : memref<2x128xi32, #tpu.memory_space<vmem>>)
        tpu.yield
      }) : () -> ()
      %gt3A_47 = arith.constant 1 : i32
      %gt3A_48 = arith.cmpi sgt, %select_n3A_8, %gt3A_47 : i32
      %convert_element_type3A_49 = arith.extui %gt3A_48 : i1 to i32
      %cond3A_50 = arith.constant 0 : i32
      %cond3A_51 = arith.cmpi ne, %convert_element_type3A_49, %cond3A_50 : i32
      scf.if %cond3A_51 {
        %add3A_58 = arith.constant 1 : i32
        %add3A_59 = arith.addi %select_n3A_3, %add3A_58 : i32
        %dma_start3A_60 = arith.constant 0 : i32
        %dma_start3A_61 = arith.constant 0 : i32
        %dma_start3A_62 = tpu.memref_slice %arg6[%arg1, %add3A_59, %dma_start3A_60, %dma_start3A_61] : memref<16x160x2x128xi32, #tpu.memory_space<hbm>> -> memref<1x1x2x128xi32, #tpu.memory_space<hbm>>
        %dma_start3A_63 = tpu.memref_squeeze %dma_start3A_62 : memref<1x1x2x128xi32, #tpu.memory_space<hbm>> -> memref<2x128xi32, #tpu.memory_space<hbm>>
        %dma_start3A_64 = arith.constant 0 : i32
        %dma_start3A_65 = arith.constant 0 : i32
        %dma_start3A_66 = tpu.memref_slice %arg6[%arg1, %add3A_59, %dma_start3A_64, %dma_start3A_65] : memref<16x160x2x128xi32, #tpu.memory_space<hbm>> -> memref<1x1x2x128xi32, #tpu.memory_space<hbm>>
        %dma_start3A_67 = tpu.memref_squeeze %dma_start3A_66 : memref<1x1x2x128xi32, #tpu.memory_space<hbm>> -> memref<2x128xi32, #tpu.memory_space<hbm>>
        tpu.enqueue_dma source(%dma_start3A_67 : memref<2x128xi32, #tpu.memory_space<hbm>>) target(%arg9 : memref<2x128xi32, #tpu.memory_space<vmem>>) target_semaphore(%arg14 : memref<!tpu.dma_semaphore, #tpu.memory_space<semaphore_mem>>)
      } else {
      }
      %dma_start3A = arith.constant 0 : i32
      %dma_start3A_52 = arith.constant 0 : i32
      %dma_start3A_53 = tpu.memref_slice %arg8[%dma_start3A, %dma_start3A_52] : memref<2x128xi32, #tpu.memory_space<vmem>> -> memref<1x128xi32, #tpu.memory_space<vmem>>
      %dma_start3A_54 = tpu.memref_squeeze %dma_start3A_53 : memref<1x128xi32, #tpu.memory_space<vmem>> -> memref<128xi32, #tpu.memory_space<vmem>>
      %dma_start3A_55 = arith.constant 0 : i32
      %dma_start3A_56 = arith.constant 0 : i32
      %dma_start3A_57 = tpu.memref_slice %arg2[%dma_start3A_55, %dma_start3A_56] : memref<10240x128xf32, #tpu.memory_space<hbm>> -> memref<10240x128xf32, #tpu.memory_space<hbm>>
      tpu.enqueue_indirect_dma source(%dma_start3A_57 : memref<10240x128xf32, #tpu.memory_space<hbm>>) target(%arg10 : memref<128x128xf32, #tpu.memory_space<vmem>>) offsets(%dma_start3A_54 : memref<128xi32, #tpu.memory_space<vmem>>) semaphore(%arg15 : memref<!tpu.dma_semaphore, #tpu.memory_space<semaphore_mem>>)
    } else {
    }
    %jit3A = arith.constant 2 : i32
    %div3A = arith.divsi %select_n3A_8, %jit3A : i32
    %sign3A = arith.constant 0 : i32
    %sign3A_11 = arith.cmpi sgt, %select_n3A_8, %sign3A : i32
    %sign3A_12 = arith.extui %sign3A_11 : i1 to i32
    %sign3A_13 = arith.constant 0 : i32
    %sign3A_14 = arith.cmpi slt, %select_n3A_8, %sign3A_13 : i32
    %sign3A_15 = arith.extui %sign3A_14 : i1 to i32
    %sign3A_16 = arith.subi %sign3A_12, %sign3A_15 : i32
    %sign3A_17 = arith.constant 0 : i32
    %sign3A_18 = arith.cmpi sgt, %jit3A, %sign3A_17 : i32
    %sign3A_19 = arith.extui %sign3A_18 : i1 to i32
    %sign3A_20 = arith.constant 0 : i32
    %sign3A_21 = arith.cmpi slt, %jit3A, %sign3A_20 : i32
    %sign3A_22 = arith.extui %sign3A_21 : i1 to i32
    %sign3A_23 = arith.subi %sign3A_19, %sign3A_22 : i32
    %ne3A = arith.cmpi ne, %sign3A_16, %sign3A_23 : i32
    %rem3A = arith.remsi %select_n3A_8, %jit3A : i32
    %ne3A_24 = arith.constant 0 : i32
    %ne3A_25 = arith.cmpi ne, %rem3A, %ne3A_24 : i32
    %and3A = arith.andi %ne3A, %ne3A_25 : i1
    %sub3A = arith.constant 1 : i32
    %sub3A_26 = arith.subi %div3A, %sub3A : i32
    %select_n3A_27 = arith.select %and3A, %sub3A_26, %div3A : i32
    %sub3A_28 = arith.constant 0 : i32
    %sub3A_29 = arith.subi %select_n3A_27, %sub3A_28 : i32
    %sub3A_30 = arith.constant 1 : i32
    %sub3A_31 = arith.constant 1 : i32
    %sub3A_32 = arith.subi %sub3A_30, %sub3A_31 : i32
    %add3A_33 = arith.addi %sub3A_29, %sub3A_32 : i32
    %div3A_34 = arith.constant 1 : i32
    %div3A_35 = arith.divsi %add3A_33, %div3A_34 : i32
    %while3A = arith.constant 1 : i32
    %while3A_36 = arith.constant 0 : i32
    %while3A_37 = arith.constant 0 : i32
    %while3A_38 = arith.subi %div3A_35, %while3A_37 : i32
    %while3A_39 = arith.addi %while3A_37, %while3A_38 : i32
    %while3A_40 = arith.constant 1 : i32
    %while3A_41 = arith.divsi %while3A_38, %while3A_40 : i32
    %while3A_42 = arith.muli %while3A_41, %while3A_40 : i32
    %while3A_43 = arith.addi %while3A_37, %while3A_42 : i32
    %while3A_44 = arith.constant 1 : i32
    scf.for %while3A_47 = %while3A_37 to %while3A_43 step %while3A_44  : i32 {
      %mul3A_48 = arith.muli %while3A_47, %while3A : i32
      %add3A_49 = arith.addi %while3A_36, %mul3A_48 : i32
      %mul3A_50 = arith.constant 2 : i32
      %mul3A_51 = arith.muli %mul3A_50, %add3A_49 : i32
      %add3A_52 = arith.addi %select_n3A_3, %mul3A_51 : i32
      %add3A_53 = arith.constant 0 : i32
      %add3A_54 = arith.addi %add3A_52, %add3A_53 : i32
      %add3A_55 = arith.constant 1 : i32
      %add3A_56 = arith.addi %add3A_54, %add3A_55 : i32
      %lt3A = arith.cmpi slt, %add3A_56, %add3A : i32
      %convert_element_type3A_57 = arith.extui %lt3A : i1 to i32
      %cond3A_58 = arith.constant 0 : i32
      %cond3A_59 = arith.cmpi ne, %convert_element_type3A_57, %cond3A_58 : i32
      scf.if %cond3A_59 {
        %add3A_97 = arith.constant 1 : i32
        %add3A_98 = arith.addi %add3A_54, %add3A_97 : i32
        %dma_wait3A_99 = arith.constant 0 : i32
        %dma_wait3A_100 = arith.constant 0 : i32
        %dma_wait3A_101 = tpu.memref_slice %arg6[%arg1, %add3A_98, %dma_wait3A_99, %dma_wait3A_100] : memref<16x160x2x128xi32, #tpu.memory_space<hbm>> -> memref<1x1x2x128xi32, #tpu.memory_space<hbm>>
        %dma_wait3A_102 = tpu.memref_squeeze %dma_wait3A_101 : memref<1x1x2x128xi32, #tpu.memory_space<hbm>> -> memref<2x128xi32, #tpu.memory_space<hbm>>
        %dma_wait3A_103 = arith.constant 0 : i32
        %dma_wait3A_104 = arith.constant 0 : i32
        %dma_wait3A_105 = tpu.memref_slice %arg6[%arg1, %add3A_98, %dma_wait3A_103, %dma_wait3A_104] : memref<16x160x2x128xi32, #tpu.memory_space<hbm>> -> memref<1x1x2x128xi32, #tpu.memory_space<hbm>>
        %dma_wait3A_106 = tpu.memref_squeeze %dma_wait3A_105 : memref<1x1x2x128xi32, #tpu.memory_space<hbm>> -> memref<2x128xi32, #tpu.memory_space<hbm>>
        tpu.wait_dma2 semaphore(%arg14 : memref<!tpu.dma_semaphore, #tpu.memory_space<semaphore_mem>>) src(%dma_wait3A_106 : memref<2x128xi32, #tpu.memory_space<hbm>>) dst(%arg9 : memref<2x128xi32, #tpu.memory_space<vmem>>)
        %dma_start3A = arith.constant 0 : i32
        %dma_start3A_107 = arith.constant 0 : i32
        %dma_start3A_108 = tpu.memref_slice %arg9[%dma_start3A, %dma_start3A_107] : memref<2x128xi32, #tpu.memory_space<vmem>> -> memref<1x128xi32, #tpu.memory_space<vmem>>
        %dma_start3A_109 = tpu.memref_squeeze %dma_start3A_108 : memref<1x128xi32, #tpu.memory_space<vmem>> -> memref<128xi32, #tpu.memory_space<vmem>>
        %dma_start3A_110 = arith.constant 0 : i32
        %dma_start3A_111 = arith.constant 0 : i32
        %dma_start3A_112 = tpu.memref_slice %arg2[%dma_start3A_110, %dma_start3A_111] : memref<10240x128xf32, #tpu.memory_space<hbm>> -> memref<10240x128xf32, #tpu.memory_space<hbm>>
        tpu.enqueue_indirect_dma source(%dma_start3A_112 : memref<10240x128xf32, #tpu.memory_space<hbm>>) target(%arg11 : memref<128x128xf32, #tpu.memory_space<vmem>>) offsets(%dma_start3A_109 : memref<128xi32, #tpu.memory_space<vmem>>) semaphore(%arg16 : memref<!tpu.dma_semaphore, #tpu.memory_space<semaphore_mem>>)
      } else {
      }
      %dma_wait3A = arith.constant 0 : i32
      %dma_wait3A_60 = arith.constant 0 : i32
      %dma_wait3A_61 = tpu.memref_slice %arg8[%dma_wait3A, %dma_wait3A_60] : memref<2x128xi32, #tpu.memory_space<vmem>> -> memref<1x128xi32, #tpu.memory_space<vmem>>
      %dma_wait3A_62 = tpu.memref_squeeze %dma_wait3A_61 : memref<1x128xi32, #tpu.memory_space<vmem>> -> memref<128xi32, #tpu.memory_space<vmem>>
      %dma_wait3A_63 = arith.constant 0 : i32
      %dma_wait3A_64 = arith.constant 0 : i32
      %dma_wait3A_65 = tpu.memref_slice %arg2[%dma_wait3A_63, %dma_wait3A_64] : memref<10240x128xf32, #tpu.memory_space<hbm>> -> memref<10240x128xf32, #tpu.memory_space<hbm>>
      tpu.wait_indirect_dma semaphore(%arg15 : memref<!tpu.dma_semaphore, #tpu.memory_space<semaphore_mem>>) src(%dma_wait3A_65 : memref<10240x128xf32, #tpu.memory_space<hbm>>) dst(%arg10 : memref<128x128xf32, #tpu.memory_space<vmem>>)
      %run_scoped3A = arith.constant 1 : i32
      "tpu.region"() ({
        %run_scoped3A_97 = tpu.sem_alloc : memref<!tpu.dma_semaphore, #tpu.memory_space<semaphore_mem>>
        %dma_start3A = arith.constant 0 : i32
        %dma_start3A_98 = tpu.memref_slice %arg8[%run_scoped3A, %dma_start3A] : memref<2x128xi32, #tpu.memory_space<vmem>> -> memref<1x128xi32, #tpu.memory_space<vmem>>
        %dma_start3A_99 = tpu.memref_squeeze %dma_start3A_98 : memref<1x128xi32, #tpu.memory_space<vmem>> -> memref<128xi32, #tpu.memory_space<vmem>>
        %dma_start3A_100 = arith.constant 0 : i32
        %dma_start3A_101 = arith.constant 0 : i32
        %dma_start3A_102 = tpu.memref_slice %arg12[%dma_start3A_100, %dma_start3A_101] : memref<10240x128xf32, #tpu.memory_space<vmem_shared>> -> memref<10240x128xf32, #tpu.memory_space<vmem_shared>>
        tpu.enqueue_indirect_dma source(%arg10 : memref<128x128xf32, #tpu.memory_space<vmem>>) target(%dma_start3A_102 : memref<10240x128xf32, #tpu.memory_space<vmem_shared>>) offsets(%dma_start3A_99 : memref<128xi32, #tpu.memory_space<vmem>>) semaphore(%run_scoped3A_97 : memref<!tpu.dma_semaphore, #tpu.memory_space<semaphore_mem>>) {add = true}
        %dma_wait3A_103 = arith.constant 0 : i32
        %dma_wait3A_104 = tpu.memref_slice %arg8[%run_scoped3A, %dma_wait3A_103] : memref<2x128xi32, #tpu.memory_space<vmem>> -> memref<1x128xi32, #tpu.memory_space<vmem>>
        %dma_wait3A_105 = tpu.memref_squeeze %dma_wait3A_104 : memref<1x128xi32, #tpu.memory_space<vmem>> -> memref<128xi32, #tpu.memory_space<vmem>>
        %dma_wait3A_106 = arith.constant 0 : i32
        %dma_wait3A_107 = arith.constant 0 : i32
        %dma_wait3A_108 = tpu.memref_slice %arg12[%dma_wait3A_106, %dma_wait3A_107] : memref<10240x128xf32, #tpu.memory_space<vmem_shared>> -> memref<10240x128xf32, #tpu.memory_space<vmem_shared>>
        tpu.wait_indirect_dma semaphore(%run_scoped3A_97 : memref<!tpu.dma_semaphore, #tpu.memory_space<semaphore_mem>>) src(%arg10 : memref<128x128xf32, #tpu.memory_space<vmem>>) dst(%dma_wait3A_108 : memref<10240x128xf32, #tpu.memory_space<vmem_shared>>)
        tpu.yield
      }) : () -> ()
      %add3A_66 = arith.constant 2 : i32
      %add3A_67 = arith.addi %add3A_54, %add3A_66 : i32
      %lt3A_68 = arith.cmpi slt, %add3A_67, %add3A : i32
      %convert_element_type3A_69 = arith.extui %lt3A_68 : i1 to i32
      %cond3A_70 = arith.constant 0 : i32
      %cond3A_71 = arith.cmpi ne, %convert_element_type3A_69, %cond3A_70 : i32
      scf.if %cond3A_71 {
        %add3A_97 = arith.constant 2 : i32
        %add3A_98 = arith.addi %add3A_54, %add3A_97 : i32
        %dma_start3A = arith.constant 0 : i32
        %dma_start3A_99 = arith.constant 0 : i32
        %dma_start3A_100 = tpu.memref_slice %arg6[%arg1, %add3A_98, %dma_start3A, %dma_start3A_99] : memref<16x160x2x128xi32, #tpu.memory_space<hbm>> -> memref<1x1x2x128xi32, #tpu.memory_space<hbm>>
        %dma_start3A_101 = tpu.memref_squeeze %dma_start3A_100 : memref<1x1x2x128xi32, #tpu.memory_space<hbm>> -> memref<2x128xi32, #tpu.memory_space<hbm>>
        %dma_start3A_102 = arith.constant 0 : i32
        %dma_start3A_103 = arith.constant 0 : i32
        %dma_start3A_104 = tpu.memref_slice %arg6[%arg1, %add3A_98, %dma_start3A_102, %dma_start3A_103] : memref<16x160x2x128xi32, #tpu.memory_space<hbm>> -> memref<1x1x2x128xi32, #tpu.memory_space<hbm>>
        %dma_start3A_105 = tpu.memref_squeeze %dma_start3A_104 : memref<1x1x2x128xi32, #tpu.memory_space<hbm>> -> memref<2x128xi32, #tpu.memory_space<hbm>>
        tpu.enqueue_dma source(%dma_start3A_105 : memref<2x128xi32, #tpu.memory_space<hbm>>) target(%arg8 : memref<2x128xi32, #tpu.memory_space<vmem>>) target_semaphore(%arg13 : memref<!tpu.dma_semaphore, #tpu.memory_space<semaphore_mem>>)
      } else {
      }
      %mul3A_72 = arith.constant 2 : i32
      %mul3A_73 = arith.muli %mul3A_72, %add3A_49 : i32
      %add3A_74 = arith.addi %select_n3A_3, %mul3A_73 : i32
      %add3A_75 = arith.constant 1 : i32
      %add3A_76 = arith.addi %add3A_74, %add3A_75 : i32
      %add3A_77 = arith.constant 1 : i32
      %add3A_78 = arith.addi %add3A_76, %add3A_77 : i32
      %lt3A_79 = arith.cmpi slt, %add3A_78, %add3A : i32
      %convert_element_type3A_80 = arith.extui %lt3A_79 : i1 to i32
      %cond3A_81 = arith.constant 0 : i32
      %cond3A_82 = arith.cmpi ne, %convert_element_type3A_80, %cond3A_81 : i32
      scf.if %cond3A_82 {
        %add3A_97 = arith.constant 1 : i32
        %add3A_98 = arith.addi %add3A_76, %add3A_97 : i32
        %dma_wait3A_99 = arith.constant 0 : i32
        %dma_wait3A_100 = arith.constant 0 : i32
        %dma_wait3A_101 = tpu.memref_slice %arg6[%arg1, %add3A_98, %dma_wait3A_99, %dma_wait3A_100] : memref<16x160x2x128xi32, #tpu.memory_space<hbm>> -> memref<1x1x2x128xi32, #tpu.memory_space<hbm>>
        %dma_wait3A_102 = tpu.memref_squeeze %dma_wait3A_101 : memref<1x1x2x128xi32, #tpu.memory_space<hbm>> -> memref<2x128xi32, #tpu.memory_space<hbm>>
        %dma_wait3A_103 = arith.constant 0 : i32
        %dma_wait3A_104 = arith.constant 0 : i32
        %dma_wait3A_105 = tpu.memref_slice %arg6[%arg1, %add3A_98, %dma_wait3A_103, %dma_wait3A_104] : memref<16x160x2x128xi32, #tpu.memory_space<hbm>> -> memref<1x1x2x128xi32, #tpu.memory_space<hbm>>
        %dma_wait3A_106 = tpu.memref_squeeze %dma_wait3A_105 : memref<1x1x2x128xi32, #tpu.memory_space<hbm>> -> memref<2x128xi32, #tpu.memory_space<hbm>>
        tpu.wait_dma2 semaphore(%arg13 : memref<!tpu.dma_semaphore, #tpu.memory_space<semaphore_mem>>) src(%dma_wait3A_106 : memref<2x128xi32, #tpu.memory_space<hbm>>) dst(%arg8 : memref<2x128xi32, #tpu.memory_space<vmem>>)
        %dma_start3A = arith.constant 0 : i32
        %dma_start3A_107 = arith.constant 0 : i32
        %dma_start3A_108 = tpu.memref_slice %arg8[%dma_start3A, %dma_start3A_107] : memref<2x128xi32, #tpu.memory_space<vmem>> -> memref<1x128xi32, #tpu.memory_space<vmem>>
        %dma_start3A_109 = tpu.memref_squeeze %dma_start3A_108 : memref<1x128xi32, #tpu.memory_space<vmem>> -> memref<128xi32, #tpu.memory_space<vmem>>
        %dma_start3A_110 = arith.constant 0 : i32
        %dma_start3A_111 = arith.constant 0 : i32
        %dma_start3A_112 = tpu.memref_slice %arg2[%dma_start3A_110, %dma_start3A_111] : memref<10240x128xf32, #tpu.memory_space<hbm>> -> memref<10240x128xf32, #tpu.memory_space<hbm>>
        tpu.enqueue_indirect_dma source(%dma_start3A_112 : memref<10240x128xf32, #tpu.memory_space<hbm>>) target(%arg10 : memref<128x128xf32, #tpu.memory_space<vmem>>) offsets(%dma_start3A_109 : memref<128xi32, #tpu.memory_space<vmem>>) semaphore(%arg15 : memref<!tpu.dma_semaphore, #tpu.memory_space<semaphore_mem>>)
      } else {
      }
      %dma_wait3A_83 = arith.constant 0 : i32
      %dma_wait3A_84 = arith.constant 0 : i32
      %dma_wait3A_85 = tpu.memref_slice %arg9[%dma_wait3A_83, %dma_wait3A_84] : memref<2x128xi32, #tpu.memory_space<vmem>> -> memref<1x128xi32, #tpu.memory_space<vmem>>
      %dma_wait3A_86 = tpu.memref_squeeze %dma_wait3A_85 : memref<1x128xi32, #tpu.memory_space<vmem>> -> memref<128xi32, #tpu.memory_space<vmem>>
      %dma_wait3A_87 = arith.constant 0 : i32
      %dma_wait3A_88 = arith.constant 0 : i32
      %dma_wait3A_89 = tpu.memref_slice %arg2[%dma_wait3A_87, %dma_wait3A_88] : memref<10240x128xf32, #tpu.memory_space<hbm>> -> memref<10240x128xf32, #tpu.memory_space<hbm>>
      tpu.wait_indirect_dma semaphore(%arg16 : memref<!tpu.dma_semaphore, #tpu.memory_space<semaphore_mem>>) src(%dma_wait3A_89 : memref<10240x128xf32, #tpu.memory_space<hbm>>) dst(%arg11 : memref<128x128xf32, #tpu.memory_space<vmem>>)
      %run_scoped3A_90 = arith.constant 1 : i32
      "tpu.region"() ({
        %run_scoped3A_97 = tpu.sem_alloc : memref<!tpu.dma_semaphore, #tpu.memory_space<semaphore_mem>>
        %dma_start3A = arith.constant 0 : i32
        %dma_start3A_98 = tpu.memref_slice %arg9[%run_scoped3A_90, %dma_start3A] : memref<2x128xi32, #tpu.memory_space<vmem>> -> memref<1x128xi32, #tpu.memory_space<vmem>>
        %dma_start3A_99 = tpu.memref_squeeze %dma_start3A_98 : memref<1x128xi32, #tpu.memory_space<vmem>> -> memref<128xi32, #tpu.memory_space<vmem>>
        %dma_start3A_100 = arith.constant 0 : i32
        %dma_start3A_101 = arith.constant 0 : i32
        %dma_start3A_102 = tpu.memref_slice %arg12[%dma_start3A_100, %dma_start3A_101] : memref<10240x128xf32, #tpu.memory_space<vmem_shared>> -> memref<10240x128xf32, #tpu.memory_space<vmem_shared>>
        tpu.enqueue_indirect_dma source(%arg11 : memref<128x128xf32, #tpu.memory_space<vmem>>) target(%dma_start3A_102 : memref<10240x128xf32, #tpu.memory_space<vmem_shared>>) offsets(%dma_start3A_99 : memref<128xi32, #tpu.memory_space<vmem>>) semaphore(%run_scoped3A_97 : memref<!tpu.dma_semaphore, #tpu.memory_space<semaphore_mem>>) {add = true}
        %dma_wait3A_103 = arith.constant 0 : i32
        %dma_wait3A_104 = tpu.memref_slice %arg9[%run_scoped3A_90, %dma_wait3A_103] : memref<2x128xi32, #tpu.memory_space<vmem>> -> memref<1x128xi32, #tpu.memory_space<vmem>>
        %dma_wait3A_105 = tpu.memref_squeeze %dma_wait3A_104 : memref<1x128xi32, #tpu.memory_space<vmem>> -> memref<128xi32, #tpu.memory_space<vmem>>
        %dma_wait3A_106 = arith.constant 0 : i32
        %dma_wait3A_107 = arith.constant 0 : i32
        %dma_wait3A_108 = tpu.memref_slice %arg12[%dma_wait3A_106, %dma_wait3A_107] : memref<10240x128xf32, #tpu.memory_space<vmem_shared>> -> memref<10240x128xf32, #tpu.memory_space<vmem_shared>>
        tpu.wait_indirect_dma semaphore(%run_scoped3A_97 : memref<!tpu.dma_semaphore, #tpu.memory_space<semaphore_mem>>) src(%arg11 : memref<128x128xf32, #tpu.memory_space<vmem>>) dst(%dma_wait3A_108 : memref<10240x128xf32, #tpu.memory_space<vmem_shared>>)
        tpu.yield
      }) : () -> ()
      %add3A_91 = arith.constant 2 : i32
      %add3A_92 = arith.addi %add3A_76, %add3A_91 : i32
      %lt3A_93 = arith.cmpi slt, %add3A_92, %add3A : i32
      %convert_element_type3A_94 = arith.extui %lt3A_93 : i1 to i32
      %cond3A_95 = arith.constant 0 : i32
      %cond3A_96 = arith.cmpi ne, %convert_element_type3A_94, %cond3A_95 : i32
      scf.if %cond3A_96 {
        %add3A_97 = arith.constant 2 : i32
        %add3A_98 = arith.addi %add3A_76, %add3A_97 : i32
        %dma_start3A = arith.constant 0 : i32
        %dma_start3A_99 = arith.constant 0 : i32
        %dma_start3A_100 = tpu.memref_slice %arg6[%arg1, %add3A_98, %dma_start3A, %dma_start3A_99] : memref<16x160x2x128xi32, #tpu.memory_space<hbm>> -> memref<1x1x2x128xi32, #tpu.memory_space<hbm>>
        %dma_start3A_101 = tpu.memref_squeeze %dma_start3A_100 : memref<1x1x2x128xi32, #tpu.memory_space<hbm>> -> memref<2x128xi32, #tpu.memory_space<hbm>>
        %dma_start3A_102 = arith.constant 0 : i32
        %dma_start3A_103 = arith.constant 0 : i32
        %dma_start3A_104 = tpu.memref_slice %arg6[%arg1, %add3A_98, %dma_start3A_102, %dma_start3A_103] : memref<16x160x2x128xi32, #tpu.memory_space<hbm>> -> memref<1x1x2x128xi32, #tpu.memory_space<hbm>>
        %dma_start3A_105 = tpu.memref_squeeze %dma_start3A_104 : memref<1x1x2x128xi32, #tpu.memory_space<hbm>> -> memref<2x128xi32, #tpu.memory_space<hbm>>
        tpu.enqueue_dma source(%dma_start3A_105 : memref<2x128xi32, #tpu.memory_space<hbm>>) target(%arg9 : memref<2x128xi32, #tpu.memory_space<vmem>>) target_semaphore(%arg14 : memref<!tpu.dma_semaphore, #tpu.memory_space<semaphore_mem>>)
      } else {
      }
    }
    %while3A_45 = arith.constant 1 : i32
    scf.for %while3A_47 = %while3A_43 to %while3A_39 step %while3A_45  : i32 {
      %mul3A_48 = arith.muli %while3A_47, %while3A : i32
      %add3A_49 = arith.addi %while3A_36, %mul3A_48 : i32
      %mul3A_50 = arith.constant 2 : i32
      %mul3A_51 = arith.muli %mul3A_50, %add3A_49 : i32
      %add3A_52 = arith.addi %select_n3A_3, %mul3A_51 : i32
      %add3A_53 = arith.constant 0 : i32
      %add3A_54 = arith.addi %add3A_52, %add3A_53 : i32
      %add3A_55 = arith.constant 1 : i32
      %add3A_56 = arith.addi %add3A_54, %add3A_55 : i32
      %lt3A = arith.cmpi slt, %add3A_56, %add3A : i32
      %convert_element_type3A_57 = arith.extui %lt3A : i1 to i32
      %cond3A_58 = arith.constant 0 : i32
      %cond3A_59 = arith.cmpi ne, %convert_element_type3A_57, %cond3A_58 : i32
      scf.if %cond3A_59 {
        %add3A_97 = arith.constant 1 : i32
        %add3A_98 = arith.addi %add3A_54, %add3A_97 : i32
        %dma_wait3A_99 = arith.constant 0 : i32
        %dma_wait3A_100 = arith.constant 0 : i32
        %dma_wait3A_101 = tpu.memref_slice %arg6[%arg1, %add3A_98, %dma_wait3A_99, %dma_wait3A_100] : memref<16x160x2x128xi32, #tpu.memory_space<hbm>> -> memref<1x1x2x128xi32, #tpu.memory_space<hbm>>
        %dma_wait3A_102 = tpu.memref_squeeze %dma_wait3A_101 : memref<1x1x2x128xi32, #tpu.memory_space<hbm>> -> memref<2x128xi32, #tpu.memory_space<hbm>>
        %dma_wait3A_103 = arith.constant 0 : i32
        %dma_wait3A_104 = arith.constant 0 : i32
        %dma_wait3A_105 = tpu.memref_slice %arg6[%arg1, %add3A_98, %dma_wait3A_103, %dma_wait3A_104] : memref<16x160x2x128xi32, #tpu.memory_space<hbm>> -> memref<1x1x2x128xi32, #tpu.memory_space<hbm>>
        %dma_wait3A_106 = tpu.memref_squeeze %dma_wait3A_105 : memref<1x1x2x128xi32, #tpu.memory_space<hbm>> -> memref<2x128xi32, #tpu.memory_space<hbm>>
        tpu.wait_dma2 semaphore(%arg14 : memref<!tpu.dma_semaphore, #tpu.memory_space<semaphore_mem>>) src(%dma_wait3A_106 : memref<2x128xi32, #tpu.memory_space<hbm>>) dst(%arg9 : memref<2x128xi32, #tpu.memory_space<vmem>>)
        %dma_start3A = arith.constant 0 : i32
        %dma_start3A_107 = arith.constant 0 : i32
        %dma_start3A_108 = tpu.memref_slice %arg9[%dma_start3A, %dma_start3A_107] : memref<2x128xi32, #tpu.memory_space<vmem>> -> memref<1x128xi32, #tpu.memory_space<vmem>>
        %dma_start3A_109 = tpu.memref_squeeze %dma_start3A_108 : memref<1x128xi32, #tpu.memory_space<vmem>> -> memref<128xi32, #tpu.memory_space<vmem>>
        %dma_start3A_110 = arith.constant 0 : i32
        %dma_start3A_111 = arith.constant 0 : i32
        %dma_start3A_112 = tpu.memref_slice %arg2[%dma_start3A_110, %dma_start3A_111] : memref<10240x128xf32, #tpu.memory_space<hbm>> -> memref<10240x128xf32, #tpu.memory_space<hbm>>
        tpu.enqueue_indirect_dma source(%dma_start3A_112 : memref<10240x128xf32, #tpu.memory_space<hbm>>) target(%arg11 : memref<128x128xf32, #tpu.memory_space<vmem>>) offsets(%dma_start3A_109 : memref<128xi32, #tpu.memory_space<vmem>>) semaphore(%arg16 : memref<!tpu.dma_semaphore, #tpu.memory_space<semaphore_mem>>)
      } else {
      }
      %dma_wait3A = arith.constant 0 : i32
      %dma_wait3A_60 = arith.constant 0 : i32
      %dma_wait3A_61 = tpu.memref_slice %arg8[%dma_wait3A, %dma_wait3A_60] : memref<2x128xi32, #tpu.memory_space<vmem>> -> memref<1x128xi32, #tpu.memory_space<vmem>>
      %dma_wait3A_62 = tpu.memref_squeeze %dma_wait3A_61 : memref<1x128xi32, #tpu.memory_space<vmem>> -> memref<128xi32, #tpu.memory_space<vmem>>
      %dma_wait3A_63 = arith.constant 0 : i32
      %dma_wait3A_64 = arith.constant 0 : i32
      %dma_wait3A_65 = tpu.memref_slice %arg2[%dma_wait3A_63, %dma_wait3A_64] : memref<10240x128xf32, #tpu.memory_space<hbm>> -> memref<10240x128xf32, #tpu.memory_space<hbm>>
      tpu.wait_indirect_dma semaphore(%arg15 : memref<!tpu.dma_semaphore, #tpu.memory_space<semaphore_mem>>) src(%dma_wait3A_65 : memref<10240x128xf32, #tpu.memory_space<hbm>>) dst(%arg10 : memref<128x128xf32, #tpu.memory_space<vmem>>)
      %run_scoped3A = arith.constant 1 : i32
      "tpu.region"() ({
        %run_scoped3A_97 = tpu.sem_alloc : memref<!tpu.dma_semaphore, #tpu.memory_space<semaphore_mem>>
        %dma_start3A = arith.constant 0 : i32
        %dma_start3A_98 = tpu.memref_slice %arg8[%run_scoped3A, %dma_start3A] : memref<2x128xi32, #tpu.memory_space<vmem>> -> memref<1x128xi32, #tpu.memory_space<vmem>>
        %dma_start3A_99 = tpu.memref_squeeze %dma_start3A_98 : memref<1x128xi32, #tpu.memory_space<vmem>> -> memref<128xi32, #tpu.memory_space<vmem>>
        %dma_start3A_100 = arith.constant 0 : i32
        %dma_start3A_101 = arith.constant 0 : i32
        %dma_start3A_102 = tpu.memref_slice %arg12[%dma_start3A_100, %dma_start3A_101] : memref<10240x128xf32, #tpu.memory_space<vmem_shared>> -> memref<10240x128xf32, #tpu.memory_space<vmem_shared>>
        tpu.enqueue_indirect_dma source(%arg10 : memref<128x128xf32, #tpu.memory_space<vmem>>) target(%dma_start3A_102 : memref<10240x128xf32, #tpu.memory_space<vmem_shared>>) offsets(%dma_start3A_99 : memref<128xi32, #tpu.memory_space<vmem>>) semaphore(%run_scoped3A_97 : memref<!tpu.dma_semaphore, #tpu.memory_space<semaphore_mem>>) {add = true}
        %dma_wait3A_103 = arith.constant 0 : i32
        %dma_wait3A_104 = tpu.memref_slice %arg8[%run_scoped3A, %dma_wait3A_103] : memref<2x128xi32, #tpu.memory_space<vmem>> -> memref<1x128xi32, #tpu.memory_space<vmem>>
        %dma_wait3A_105 = tpu.memref_squeeze %dma_wait3A_104 : memref<1x128xi32, #tpu.memory_space<vmem>> -> memref<128xi32, #tpu.memory_space<vmem>>
        %dma_wait3A_106 = arith.constant 0 : i32
        %dma_wait3A_107 = arith.constant 0 : i32
        %dma_wait3A_108 = tpu.memref_slice %arg12[%dma_wait3A_106, %dma_wait3A_107] : memref<10240x128xf32, #tpu.memory_space<vmem_shared>> -> memref<10240x128xf32, #tpu.memory_space<vmem_shared>>
        tpu.wait_indirect_dma semaphore(%run_scoped3A_97 : memref<!tpu.dma_semaphore, #tpu.memory_space<semaphore_mem>>) src(%arg10 : memref<128x128xf32, #tpu.memory_space<vmem>>) dst(%dma_wait3A_108 : memref<10240x128xf32, #tpu.memory_space<vmem_shared>>)
        tpu.yield
      }) : () -> ()
      %add3A_66 = arith.constant 2 : i32
      %add3A_67 = arith.addi %add3A_54, %add3A_66 : i32
      %lt3A_68 = arith.cmpi slt, %add3A_67, %add3A : i32
      %convert_element_type3A_69 = arith.extui %lt3A_68 : i1 to i32
      %cond3A_70 = arith.constant 0 : i32
      %cond3A_71 = arith.cmpi ne, %convert_element_type3A_69, %cond3A_70 : i32
      scf.if %cond3A_71 {
        %add3A_97 = arith.constant 2 : i32
        %add3A_98 = arith.addi %add3A_54, %add3A_97 : i32
        %dma_start3A = arith.constant 0 : i32
        %dma_start3A_99 = arith.constant 0 : i32
        %dma_start3A_100 = tpu.memref_slice %arg6[%arg1, %add3A_98, %dma_start3A, %dma_start3A_99] : memref<16x160x2x128xi32, #tpu.memory_space<hbm>> -> memref<1x1x2x128xi32, #tpu.memory_space<hbm>>
        %dma_start3A_101 = tpu.memref_squeeze %dma_start3A_100 : memref<1x1x2x128xi32, #tpu.memory_space<hbm>> -> memref<2x128xi32, #tpu.memory_space<hbm>>
        %dma_start3A_102 = arith.constant 0 : i32
        %dma_start3A_103 = arith.constant 0 : i32
        %dma_start3A_104 = tpu.memref_slice %arg6[%arg1, %add3A_98, %dma_start3A_102, %dma_start3A_103] : memref<16x160x2x128xi32, #tpu.memory_space<hbm>> -> memref<1x1x2x128xi32, #tpu.memory_space<hbm>>
        %dma_start3A_105 = tpu.memref_squeeze %dma_start3A_104 : memref<1x1x2x128xi32, #tpu.memory_space<hbm>> -> memref<2x128xi32, #tpu.memory_space<hbm>>
        tpu.enqueue_dma source(%dma_start3A_105 : memref<2x128xi32, #tpu.memory_space<hbm>>) target(%arg8 : memref<2x128xi32, #tpu.memory_space<vmem>>) target_semaphore(%arg13 : memref<!tpu.dma_semaphore, #tpu.memory_space<semaphore_mem>>)
      } else {
      }
      %mul3A_72 = arith.constant 2 : i32
      %mul3A_73 = arith.muli %mul3A_72, %add3A_49 : i32
      %add3A_74 = arith.addi %select_n3A_3, %mul3A_73 : i32
      %add3A_75 = arith.constant 1 : i32
      %add3A_76 = arith.addi %add3A_74, %add3A_75 : i32
      %add3A_77 = arith.constant 1 : i32
      %add3A_78 = arith.addi %add3A_76, %add3A_77 : i32
      %lt3A_79 = arith.cmpi slt, %add3A_78, %add3A : i32
      %convert_element_type3A_80 = arith.extui %lt3A_79 : i1 to i32
      %cond3A_81 = arith.constant 0 : i32
      %cond3A_82 = arith.cmpi ne, %convert_element_type3A_80, %cond3A_81 : i32
      scf.if %cond3A_82 {
        %add3A_97 = arith.constant 1 : i32
        %add3A_98 = arith.addi %add3A_76, %add3A_97 : i32
        %dma_wait3A_99 = arith.constant 0 : i32
        %dma_wait3A_100 = arith.constant 0 : i32
        %dma_wait3A_101 = tpu.memref_slice %arg6[%arg1, %add3A_98, %dma_wait3A_99, %dma_wait3A_100] : memref<16x160x2x128xi32, #tpu.memory_space<hbm>> -> memref<1x1x2x128xi32, #tpu.memory_space<hbm>>
        %dma_wait3A_102 = tpu.memref_squeeze %dma_wait3A_101 : memref<1x1x2x128xi32, #tpu.memory_space<hbm>> -> memref<2x128xi32, #tpu.memory_space<hbm>>
        %dma_wait3A_103 = arith.constant 0 : i32
        %dma_wait3A_104 = arith.constant 0 : i32
        %dma_wait3A_105 = tpu.memref_slice %arg6[%arg1, %add3A_98, %dma_wait3A_103, %dma_wait3A_104] : memref<16x160x2x128xi32, #tpu.memory_space<hbm>> -> memref<1x1x2x128xi32, #tpu.memory_space<hbm>>
        %dma_wait3A_106 = tpu.memref_squeeze %dma_wait3A_105 : memref<1x1x2x128xi32, #tpu.memory_space<hbm>> -> memref<2x128xi32, #tpu.memory_space<hbm>>
        tpu.wait_dma2 semaphore(%arg13 : memref<!tpu.dma_semaphore, #tpu.memory_space<semaphore_mem>>) src(%dma_wait3A_106 : memref<2x128xi32, #tpu.memory_space<hbm>>) dst(%arg8 : memref<2x128xi32, #tpu.memory_space<vmem>>)
        %dma_start3A = arith.constant 0 : i32
        %dma_start3A_107 = arith.constant 0 : i32
        %dma_start3A_108 = tpu.memref_slice %arg8[%dma_start3A, %dma_start3A_107] : memref<2x128xi32, #tpu.memory_space<vmem>> -> memref<1x128xi32, #tpu.memory_space<vmem>>
        %dma_start3A_109 = tpu.memref_squeeze %dma_start3A_108 : memref<1x128xi32, #tpu.memory_space<vmem>> -> memref<128xi32, #tpu.memory_space<vmem>>
        %dma_start3A_110 = arith.constant 0 : i32
        %dma_start3A_111 = arith.constant 0 : i32
        %dma_start3A_112 = tpu.memref_slice %arg2[%dma_start3A_110, %dma_start3A_111] : memref<10240x128xf32, #tpu.memory_space<hbm>> -> memref<10240x128xf32, #tpu.memory_space<hbm>>
        tpu.enqueue_indirect_dma source(%dma_start3A_112 : memref<10240x128xf32, #tpu.memory_space<hbm>>) target(%arg10 : memref<128x128xf32, #tpu.memory_space<vmem>>) offsets(%dma_start3A_109 : memref<128xi32, #tpu.memory_space<vmem>>) semaphore(%arg15 : memref<!tpu.dma_semaphore, #tpu.memory_space<semaphore_mem>>)
      } else {
      }
      %dma_wait3A_83 = arith.constant 0 : i32
      %dma_wait3A_84 = arith.constant 0 : i32
      %dma_wait3A_85 = tpu.memref_slice %arg9[%dma_wait3A_83, %dma_wait3A_84] : memref<2x128xi32, #tpu.memory_space<vmem>> -> memref<1x128xi32, #tpu.memory_space<vmem>>
      %dma_wait3A_86 = tpu.memref_squeeze %dma_wait3A_85 : memref<1x128xi32, #tpu.memory_space<vmem>> -> memref<128xi32, #tpu.memory_space<vmem>>
      %dma_wait3A_87 = arith.constant 0 : i32
      %dma_wait3A_88 = arith.constant 0 : i32
      %dma_wait3A_89 = tpu.memref_slice %arg2[%dma_wait3A_87, %dma_wait3A_88] : memref<10240x128xf32, #tpu.memory_space<hbm>> -> memref<10240x128xf32, #tpu.memory_space<hbm>>
      tpu.wait_indirect_dma semaphore(%arg16 : memref<!tpu.dma_semaphore, #tpu.memory_space<semaphore_mem>>) src(%dma_wait3A_89 : memref<10240x128xf32, #tpu.memory_space<hbm>>) dst(%arg11 : memref<128x128xf32, #tpu.memory_space<vmem>>)
      %run_scoped3A_90 = arith.constant 1 : i32
      "tpu.region"() ({
        %run_scoped3A_97 = tpu.sem_alloc : memref<!tpu.dma_semaphore, #tpu.memory_space<semaphore_mem>>
        %dma_start3A = arith.constant 0 : i32
        %dma_start3A_98 = tpu.memref_slice %arg9[%run_scoped3A_90, %dma_start3A] : memref<2x128xi32, #tpu.memory_space<vmem>> -> memref<1x128xi32, #tpu.memory_space<vmem>>
        %dma_start3A_99 = tpu.memref_squeeze %dma_start3A_98 : memref<1x128xi32, #tpu.memory_space<vmem>> -> memref<128xi32, #tpu.memory_space<vmem>>
        %dma_start3A_100 = arith.constant 0 : i32
        %dma_start3A_101 = arith.constant 0 : i32
        %dma_start3A_102 = tpu.memref_slice %arg12[%dma_start3A_100, %dma_start3A_101] : memref<10240x128xf32, #tpu.memory_space<vmem_shared>> -> memref<10240x128xf32, #tpu.memory_space<vmem_shared>>
        tpu.enqueue_indirect_dma source(%arg11 : memref<128x128xf32, #tpu.memory_space<vmem>>) target(%dma_start3A_102 : memref<10240x128xf32, #tpu.memory_space<vmem_shared>>) offsets(%dma_start3A_99 : memref<128xi32, #tpu.memory_space<vmem>>) semaphore(%run_scoped3A_97 : memref<!tpu.dma_semaphore, #tpu.memory_space<semaphore_mem>>) {add = true}
        %dma_wait3A_103 = arith.constant 0 : i32
        %dma_wait3A_104 = tpu.memref_slice %arg9[%run_scoped3A_90, %dma_wait3A_103] : memref<2x128xi32, #tpu.memory_space<vmem>> -> memref<1x128xi32, #tpu.memory_space<vmem>>
        %dma_wait3A_105 = tpu.memref_squeeze %dma_wait3A_104 : memref<1x128xi32, #tpu.memory_space<vmem>> -> memref<128xi32, #tpu.memory_space<vmem>>
        %dma_wait3A_106 = arith.constant 0 : i32
        %dma_wait3A_107 = arith.constant 0 : i32
        %dma_wait3A_108 = tpu.memref_slice %arg12[%dma_wait3A_106, %dma_wait3A_107] : memref<10240x128xf32, #tpu.memory_space<vmem_shared>> -> memref<10240x128xf32, #tpu.memory_space<vmem_shared>>
        tpu.wait_indirect_dma semaphore(%run_scoped3A_97 : memref<!tpu.dma_semaphore, #tpu.memory_space<semaphore_mem>>) src(%arg11 : memref<128x128xf32, #tpu.memory_space<vmem>>) dst(%dma_wait3A_108 : memref<10240x128xf32, #tpu.memory_space<vmem_shared>>)
        tpu.yield
      }) : () -> ()
      %add3A_91 = arith.constant 2 : i32
      %add3A_92 = arith.addi %add3A_76, %add3A_91 : i32
      %lt3A_93 = arith.cmpi slt, %add3A_92, %add3A : i32
      %convert_element_type3A_94 = arith.extui %lt3A_93 : i1 to i32
      %cond3A_95 = arith.constant 0 : i32
      %cond3A_96 = arith.cmpi ne, %convert_element_type3A_94, %cond3A_95 : i32
      scf.if %cond3A_96 {
        %add3A_97 = arith.constant 2 : i32
        %add3A_98 = arith.addi %add3A_76, %add3A_97 : i32
        %dma_start3A = arith.constant 0 : i32
        %dma_start3A_99 = arith.constant 0 : i32
        %dma_start3A_100 = tpu.memref_slice %arg6[%arg1, %add3A_98, %dma_start3A, %dma_start3A_99] : memref<16x160x2x128xi32, #tpu.memory_space<hbm>> -> memref<1x1x2x128xi32, #tpu.memory_space<hbm>>
        %dma_start3A_101 = tpu.memref_squeeze %dma_start3A_100 : memref<1x1x2x128xi32, #tpu.memory_space<hbm>> -> memref<2x128xi32, #tpu.memory_space<hbm>>
        %dma_start3A_102 = arith.constant 0 : i32
        %dma_start3A_103 = arith.constant 0 : i32
        %dma_start3A_104 = tpu.memref_slice %arg6[%arg1, %add3A_98, %dma_start3A_102, %dma_start3A_103] : memref<16x160x2x128xi32, #tpu.memory_space<hbm>> -> memref<1x1x2x128xi32, #tpu.memory_space<hbm>>
        %dma_start3A_105 = tpu.memref_squeeze %dma_start3A_104 : memref<1x1x2x128xi32, #tpu.memory_space<hbm>> -> memref<2x128xi32, #tpu.memory_space<hbm>>
        tpu.enqueue_dma source(%dma_start3A_105 : memref<2x128xi32, #tpu.memory_space<hbm>>) target(%arg9 : memref<2x128xi32, #tpu.memory_space<vmem>>) target_semaphore(%arg14 : memref<!tpu.dma_semaphore, #tpu.memory_space<semaphore_mem>>)
      } else {
      }
    }
    %barrier3A_46 = arith.constant 0 : index
    tpu.barrier barrier_id(%barrier3A_46)
    "tpu.region"() ({
      %run_scoped3A = tpu.sem_alloc : memref<!tpu.dma_semaphore, #tpu.memory_space<semaphore_mem>>
      %dma_start3A = arith.constant 0 : i32
      %dma_start3A_47 = tpu.memref_slice %arg7[%arg0, %mul3A_0, %dma_start3A] : memref<2x10240x128xf32, #tpu.memory_space<hbm>> -> memref<1x640x128xf32, #tpu.memory_space<hbm>>
      %dma_start3A_48 = tpu.memref_squeeze %dma_start3A_47 : memref<1x640x128xf32, #tpu.memory_space<hbm>> -> memref<640x128xf32, #tpu.memory_space<hbm>>
      %dma_start3A_49 = arith.constant 0 : i32
      %dma_start3A_50 = tpu.memref_slice %arg12[%mul3A_0, %dma_start3A_49] : memref<10240x128xf32, #tpu.memory_space<vmem_shared>> -> memref<640x128xf32, #tpu.memory_space<vmem_shared>>
      tpu.enqueue_dma source(%dma_start3A_50 : memref<640x128xf32, #tpu.memory_space<vmem_shared>>) target(%dma_start3A_48 : memref<640x128xf32, #tpu.memory_space<hbm>>) target_semaphore(%run_scoped3A : memref<!tpu.dma_semaphore, #tpu.memory_space<semaphore_mem>>)
      %dma_wait3A = arith.constant 0 : i32
      %dma_wait3A_51 = tpu.memref_slice %arg7[%arg0, %mul3A_0, %dma_wait3A] : memref<2x10240x128xf32, #tpu.memory_space<hbm>> -> memref<1x640x128xf32, #tpu.memory_space<hbm>>
      %dma_wait3A_52 = tpu.memref_squeeze %dma_wait3A_51 : memref<1x640x128xf32, #tpu.memory_space<hbm>> -> memref<640x128xf32, #tpu.memory_space<hbm>>
      %dma_wait3A_53 = arith.constant 0 : i32
      %dma_wait3A_54 = tpu.memref_slice %arg12[%mul3A_0, %dma_wait3A_53] : memref<10240x128xf32, #tpu.memory_space<vmem_shared>> -> memref<640x128xf32, #tpu.memory_space<vmem_shared>>
      tpu.wait_dma2 semaphore(%run_scoped3A : memref<!tpu.dma_semaphore, #tpu.memory_space<semaphore_mem>>) src(%dma_wait3A_54 : memref<640x128xf32, #tpu.memory_space<vmem_shared>>) dst(%dma_wait3A_52 : memref<640x128xf32, #tpu.memory_space<hbm>>)
      tpu.yield
    }) : () -> ()
    return
  }
}

#map = affine_map<(d0, d1) -> (0, 0)>
#map1 = affine_map<(d0, d1) -> (0)>
#map2 = affine_map<(d0, d1) -> (0, 0, 0, 0)>
#map3 = affine_map<(d0, d1) -> (0, 0, 0)>
module attributes {stable_mosaic.version = 14 : i64} {
  func.func @body(%arg0: i32, %arg1: i32, %arg2: memref<10240x128xf32, #tpu.memory_space<hbm>>, %arg3: memref<10240x128xf32, #tpu.memory_space<hbm>>, %arg4: memref<10240xf32, #tpu.memory_space<hbm>>, %arg5: memref<128xf32, #tpu.memory_space<hbm>>, %arg6: memref<16x160x2x128xi32, #tpu.memory_space<hbm>>, %arg7: memref<2x10240x128xf32, #tpu.memory_space<hbm>>, %arg8: memref<2x128xi32, #tpu.memory_space<vmem>>, %arg9: memref<2x128xi32, #tpu.memory_space<vmem>>, %arg10: memref<128x128xf32, #tpu.memory_space<vmem>>, %arg11: memref<128x128xf32, #tpu.memory_space<vmem>>, %arg12: memref<10240x128xf32, #tpu.memory_space<vmem_shared>>, %arg13: memref<!tpu.dma_semaphore, #tpu.memory_space<semaphore_mem>>, %arg14: memref<!tpu.dma_semaphore, #tpu.memory_space<semaphore_mem>>, %arg15: memref<!tpu.dma_semaphore, #tpu.memory_space<semaphore_mem>>, %arg16: memref<!tpu.dma_semaphore, #tpu.memory_space<semaphore_mem>>) attributes {dimension_semantics = [#tpu.dimension_semantics<core_parallel>, #tpu.dimension_semantics<subcore_parallel>], iteration_bounds = array<i64: 2, 16>, scalar_prefetch = 0 : i64, scratch_operands = 9 : i64, tpu.core_type = #tpu.core_type<sc_vector_subcore>, window_params = [{transform_indices = #map}, {transform_indices = #map}, {transform_indices = #map1}, {transform_indices = #map1}, {transform_indices = #map2}, {transform_indices = #map3}]} {
    %mul3A = arith.constant 640 : i32
    %mul3A_0 = arith.muli %arg1, %mul3A : i32
    %eq3A = arith.constant 0 : i32
    %eq3A_1 = arith.cmpi eq, %arg0, %eq3A : i32
    %select_n3A = arith.constant 80 : i32
    %select_n3A_2 = arith.constant 0 : i32
    %select_n3A_3 = arith.select %eq3A_1, %select_n3A_2, %select_n3A : i32
    %eq3A_4 = arith.constant 0 : i32
    %eq3A_5 = arith.cmpi eq, %arg0, %eq3A_4 : i32
    %select_n3A_6 = arith.constant 80 : i32
    %select_n3A_7 = arith.constant 80 : i32
    %select_n3A_8 = arith.select %eq3A_5, %select_n3A_7, %select_n3A_6 : i32
    %add3A = arith.addi %select_n3A_3, %select_n3A_8 : i32
    "tpu.region"() ({
      %run_scoped3A = tpu.sem_alloc : memref<!tpu.dma_semaphore, #tpu.memory_space<semaphore_mem>>
      %dma_start3A = arith.constant 0 : i32
      %dma_start3A_47 = tpu.memref_slice %arg12[%mul3A_0, %dma_start3A] : memref<10240x128xf32, #tpu.memory_space<vmem_shared>> -> memref<640x128xf32, #tpu.memory_space<vmem_shared>>
      %dma_start3A_48 = arith.constant 0 : i32
      %dma_start3A_49 = tpu.memref_slice %arg3[%mul3A_0, %dma_start3A_48] : memref<10240x128xf32, #tpu.memory_space<hbm>> -> memref<640x128xf32, #tpu.memory_space<hbm>>
      tpu.enqueue_dma source(%dma_start3A_49 : memref<640x128xf32, #tpu.memory_space<hbm>>) target(%dma_start3A_47 : memref<640x128xf32, #tpu.memory_space<vmem_shared>>) target_semaphore(%run_scoped3A : memref<!tpu.dma_semaphore, #tpu.memory_space<semaphore_mem>>)
      %dma_wait3A = arith.constant 0 : i32
      %dma_wait3A_50 = tpu.memref_slice %arg12[%mul3A_0, %dma_wait3A] : memref<10240x128xf32, #tpu.memory_space<vmem_shared>> -> memref<640x128xf32, #tpu.memory_space<vmem_shared>>
      %dma_wait3A_51 = arith.constant 0 : i32
      %dma_wait3A_52 = tpu.memref_slice %arg3[%mul3A_0, %dma_wait3A_51] : memref<10240x128xf32, #tpu.memory_space<hbm>> -> memref<640x128xf32, #tpu.memory_space<hbm>>
      tpu.wait_dma2 semaphore(%run_scoped3A : memref<!tpu.dma_semaphore, #tpu.memory_space<semaphore_mem>>) src(%dma_wait3A_52 : memref<640x128xf32, #tpu.memory_space<hbm>>) dst(%dma_wait3A_50 : memref<640x128xf32, #tpu.memory_space<vmem_shared>>)
      tpu.yield
    }) : () -> ()
    %barrier3A = arith.constant 0 : index
    tpu.barrier barrier_id(%barrier3A)
    %gt3A = arith.constant 0 : i32
    %gt3A_9 = arith.cmpi sgt, %select_n3A_8, %gt3A : i32
    %convert_element_type3A = arith.extui %gt3A_9 : i1 to i32
    %cond3A = arith.constant 0 : i32
    %cond3A_10 = arith.cmpi ne, %convert_element_type3A, %cond3A : i32
    scf.if %cond3A_10 {
      "tpu.region"() ({
        %run_scoped3A = tpu.sem_alloc : memref<!tpu.dma_semaphore, #tpu.memory_space<semaphore_mem>>
        %dma_start3A_58 = arith.constant 0 : i32
        %dma_start3A_59 = arith.constant 0 : i32
        %dma_start3A_60 = tpu.memref_slice %arg6[%arg1, %select_n3A_3, %dma_start3A_58, %dma_start3A_59] : memref<16x160x2x128xi32, #tpu.memory_space<hbm>> -> memref<1x1x2x128xi32, #tpu.memory_space<hbm>>
        %dma_start3A_61 = tpu.memref_squeeze %dma_start3A_60 : memref<1x1x2x128xi32, #tpu.memory_space<hbm>> -> memref<2x128xi32, #tpu.memory_space<hbm>>
        %dma_start3A_62 = arith.constant 0 : i32
        %dma_start3A_63 = arith.constant 0 : i32
        %dma_start3A_64 = tpu.memref_slice %arg6[%arg1, %select_n3A_3, %dma_start3A_62, %dma_start3A_63] : memref<16x160x2x128xi32, #tpu.memory_space<hbm>> -> memref<1x1x2x128xi32, #tpu.memory_space<hbm>>
        %dma_start3A_65 = tpu.memref_squeeze %dma_start3A_64 : memref<1x1x2x128xi32, #tpu.memory_space<hbm>> -> memref<2x128xi32, #tpu.memory_space<hbm>>
        tpu.enqueue_dma source(%dma_start3A_65 : memref<2x128xi32, #tpu.memory_space<hbm>>) target(%arg8 : memref<2x128xi32, #tpu.memory_space<vmem>>) target_semaphore(%run_scoped3A : memref<!tpu.dma_semaphore, #tpu.memory_space<semaphore_mem>>)
        %dma_wait3A = arith.constant 0 : i32
        %dma_wait3A_66 = arith.constant 0 : i32
        %dma_wait3A_67 = tpu.memref_slice %arg6[%arg1, %select_n3A_3, %dma_wait3A, %dma_wait3A_66] : memref<16x160x2x128xi32, #tpu.memory_space<hbm>> -> memref<1x1x2x128xi32, #tpu.memory_space<hbm>>
        %dma_wait3A_68 = tpu.memref_squeeze %dma_wait3A_67 : memref<1x1x2x128xi32, #tpu.memory_space<hbm>> -> memref<2x128xi32, #tpu.memory_space<hbm>>
        %dma_wait3A_69 = arith.constant 0 : i32
        %dma_wait3A_70 = arith.constant 0 : i32
        %dma_wait3A_71 = tpu.memref_slice %arg6[%arg1, %select_n3A_3, %dma_wait3A_69, %dma_wait3A_70] : memref<16x160x2x128xi32, #tpu.memory_space<hbm>> -> memref<1x1x2x128xi32, #tpu.memory_space<hbm>>
        %dma_wait3A_72 = tpu.memref_squeeze %dma_wait3A_71 : memref<1x1x2x128xi32, #tpu.memory_space<hbm>> -> memref<2x128xi32, #tpu.memory_space<hbm>>
        tpu.wait_dma2 semaphore(%run_scoped3A : memref<!tpu.dma_semaphore, #tpu.memory_space<semaphore_mem>>) src(%dma_wait3A_72 : memref<2x128xi32, #tpu.memory_space<hbm>>) dst(%arg8 : memref<2x128xi32, #tpu.memory_space<vmem>>)
        tpu.yield
      }) : () -> ()
      %gt3A_47 = arith.constant 1 : i32
      %gt3A_48 = arith.cmpi sgt, %select_n3A_8, %gt3A_47 : i32
      %convert_element_type3A_49 = arith.extui %gt3A_48 : i1 to i32
      %cond3A_50 = arith.constant 0 : i32
      %cond3A_51 = arith.cmpi ne, %convert_element_type3A_49, %cond3A_50 : i32
      scf.if %cond3A_51 {
        %add3A_58 = arith.constant 1 : i32
        %add3A_59 = arith.addi %select_n3A_3, %add3A_58 : i32
        %dma_start3A_60 = arith.constant 0 : i32
        %dma_start3A_61 = arith.constant 0 : i32
        %dma_start3A_62 = tpu.memref_slice %arg6[%arg1, %add3A_59, %dma_start3A_60, %dma_start3A_61] : memref<16x160x2x128xi32, #tpu.memory_space<hbm>> -> memref<1x1x2x128xi32, #tpu.memory_space<hbm>>
        %dma_start3A_63 = tpu.memref_squeeze %dma_start3A_62 : memref<1x1x2x128xi32, #tpu.memory_space<hbm>> -> memref<2x128xi32, #tpu.memory_space<hbm>>
        %dma_start3A_64 = arith.constant 0 : i32
        %dma_start3A_65 = arith.constant 0 : i32
        %dma_start3A_66 = tpu.memref_slice %arg6[%arg1, %add3A_59, %dma_start3A_64, %dma_start3A_65] : memref<16x160x2x128xi32, #tpu.memory_space<hbm>> -> memref<1x1x2x128xi32, #tpu.memory_space<hbm>>
        %dma_start3A_67 = tpu.memref_squeeze %dma_start3A_66 : memref<1x1x2x128xi32, #tpu.memory_space<hbm>> -> memref<2x128xi32, #tpu.memory_space<hbm>>
        tpu.enqueue_dma source(%dma_start3A_67 : memref<2x128xi32, #tpu.memory_space<hbm>>) target(%arg9 : memref<2x128xi32, #tpu.memory_space<vmem>>) target_semaphore(%arg14 : memref<!tpu.dma_semaphore, #tpu.memory_space<semaphore_mem>>)
      } else {
      }
      %dma_start3A = arith.constant 0 : i32
      %dma_start3A_52 = arith.constant 0 : i32
      %dma_start3A_53 = tpu.memref_slice %arg8[%dma_start3A, %dma_start3A_52] : memref<2x128xi32, #tpu.memory_space<vmem>> -> memref<1x128xi32, #tpu.memory_space<vmem>>
      %dma_start3A_54 = tpu.memref_squeeze %dma_start3A_53 : memref<1x128xi32, #tpu.memory_space<vmem>> -> memref<128xi32, #tpu.memory_space<vmem>>
      %dma_start3A_55 = arith.constant 0 : i32
      %dma_start3A_56 = arith.constant 0 : i32
      %dma_start3A_57 = tpu.memref_slice %arg2[%dma_start3A_55, %dma_start3A_56] : memref<10240x128xf32, #tpu.memory_space<hbm>> -> memref<10240x128xf32, #tpu.memory_space<hbm>>
      tpu.enqueue_indirect_dma source(%dma_start3A_57 : memref<10240x128xf32, #tpu.memory_space<hbm>>) target(%arg10 : memref<128x128xf32, #tpu.memory_space<vmem>>) offsets(%dma_start3A_54 : memref<128xi32, #tpu.memory_space<vmem>>) semaphore(%arg15 : memref<!tpu.dma_semaphore, #tpu.memory_space<semaphore_mem>>)
    } else {
    }
    %jit3A = arith.constant 2 : i32
    %div3A = arith.divsi %select_n3A_8, %jit3A : i32
    %sign3A = arith.constant 0 : i32
    %sign3A_11 = arith.cmpi sgt, %select_n3A_8, %sign3A : i32
    %sign3A_12 = arith.extui %sign3A_11 : i1 to i32
    %sign3A_13 = arith.constant 0 : i32
    %sign3A_14 = arith.cmpi slt, %select_n3A_8, %sign3A_13 : i32
    %sign3A_15 = arith.extui %sign3A_14 : i1 to i32
    %sign3A_16 = arith.subi %sign3A_12, %sign3A_15 : i32
    %sign3A_17 = arith.constant 0 : i32
    %sign3A_18 = arith.cmpi sgt, %jit3A, %sign3A_17 : i32
    %sign3A_19 = arith.extui %sign3A_18 : i1 to i32
    %sign3A_20 = arith.constant 0 : i32
    %sign3A_21 = arith.cmpi slt, %jit3A, %sign3A_20 : i32
    %sign3A_22 = arith.extui %sign3A_21 : i1 to i32
    %sign3A_23 = arith.subi %sign3A_19, %sign3A_22 : i32
    %ne3A = arith.cmpi ne, %sign3A_16, %sign3A_23 : i32
    %rem3A = arith.remsi %select_n3A_8, %jit3A : i32
    %ne3A_24 = arith.constant 0 : i32
    %ne3A_25 = arith.cmpi ne, %rem3A, %ne3A_24 : i32
    %and3A = arith.andi %ne3A, %ne3A_25 : i1
    %sub3A = arith.constant 1 : i32
    %sub3A_26 = arith.subi %div3A, %sub3A : i32
    %select_n3A_27 = arith.select %and3A, %sub3A_26, %div3A : i32
    %sub3A_28 = arith.constant 0 : i32
    %sub3A_29 = arith.subi %select_n3A_27, %sub3A_28 : i32
    %sub3A_30 = arith.constant 1 : i32
    %sub3A_31 = arith.constant 1 : i32
    %sub3A_32 = arith.subi %sub3A_30, %sub3A_31 : i32
    %add3A_33 = arith.addi %sub3A_29, %sub3A_32 : i32
    %div3A_34 = arith.constant 1 : i32
    %div3A_35 = arith.divsi %add3A_33, %div3A_34 : i32
    %while3A = arith.constant 1 : i32
    %while3A_36 = arith.constant 0 : i32
    %while3A_37 = arith.constant 0 : i32
    %while3A_38 = arith.subi %div3A_35, %while3A_37 : i32
    %while3A_39 = arith.addi %while3A_37, %while3A_38 : i32
    %while3A_40 = arith.constant 1 : i32
    %while3A_41 = arith.divsi %while3A_38, %while3A_40 : i32
    %while3A_42 = arith.muli %while3A_41, %while3A_40 : i32
    %while3A_43 = arith.addi %while3A_37, %while3A_42 : i32
    %while3A_44 = arith.constant 1 : i32
    scf.for %while3A_47 = %while3A_37 to %while3A_43 step %while3A_44  : i32 {
      %mul3A_48 = arith.muli %while3A_47, %while3A : i32
      %add3A_49 = arith.addi %while3A_36, %mul3A_48 : i32
      %mul3A_50 = arith.constant 2 : i32
      %mul3A_51 = arith.muli %mul3A_50, %add3A_49 : i32
      %add3A_52 = arith.addi %select_n3A_3, %mul3A_51 : i32
      %add3A_53 = arith.constant 0 : i32
      %add3A_54 = arith.addi %add3A_52, %add3A_53 : i32
      %add3A_55 = arith.constant 1 : i32
      %add3A_56 = arith.addi %add3A_54, %add3A_55 : i32
      %lt3A = arith.cmpi slt, %add3A_56, %add3A : i32
      %convert_element_type3A_57 = arith.extui %lt3A : i1 to i32
      %cond3A_58 = arith.constant 0 : i32
      %cond3A_59 = arith.cmpi ne, %convert_element_type3A_57, %cond3A_58 : i32
      scf.if %cond3A_59 {
        %add3A_97 = arith.constant 1 : i32
        %add3A_98 = arith.addi %add3A_54, %add3A_97 : i32
        %dma_wait3A_99 = arith.constant 0 : i32
        %dma_wait3A_100 = arith.constant 0 : i32
        %dma_wait3A_101 = tpu.memref_slice %arg6[%arg1, %add3A_98, %dma_wait3A_99, %dma_wait3A_100] : memref<16x160x2x128xi32, #tpu.memory_space<hbm>> -> memref<1x1x2x128xi32, #tpu.memory_space<hbm>>
        %dma_wait3A_102 = tpu.memref_squeeze %dma_wait3A_101 : memref<1x1x2x128xi32, #tpu.memory_space<hbm>> -> memref<2x128xi32, #tpu.memory_space<hbm>>
        %dma_wait3A_103 = arith.constant 0 : i32
        %dma_wait3A_104 = arith.constant 0 : i32
        %dma_wait3A_105 = tpu.memref_slice %arg6[%arg1, %add3A_98, %dma_wait3A_103, %dma_wait3A_104] : memref<16x160x2x128xi32, #tpu.memory_space<hbm>> -> memref<1x1x2x128xi32, #tpu.memory_space<hbm>>
        %dma_wait3A_106 = tpu.memref_squeeze %dma_wait3A_105 : memref<1x1x2x128xi32, #tpu.memory_space<hbm>> -> memref<2x128xi32, #tpu.memory_space<hbm>>
        tpu.wait_dma2 semaphore(%arg14 : memref<!tpu.dma_semaphore, #tpu.memory_space<semaphore_mem>>) src(%dma_wait3A_106 : memref<2x128xi32, #tpu.memory_space<hbm>>) dst(%arg9 : memref<2x128xi32, #tpu.memory_space<vmem>>)
        %dma_start3A = arith.constant 0 : i32
        %dma_start3A_107 = arith.constant 0 : i32
        %dma_start3A_108 = tpu.memref_slice %arg9[%dma_start3A, %dma_start3A_107] : memref<2x128xi32, #tpu.memory_space<vmem>> -> memref<1x128xi32, #tpu.memory_space<vmem>>
        %dma_start3A_109 = tpu.memref_squeeze %dma_start3A_108 : memref<1x128xi32, #tpu.memory_space<vmem>> -> memref<128xi32, #tpu.memory_space<vmem>>
        %dma_start3A_110 = arith.constant 0 : i32
        %dma_start3A_111 = arith.constant 0 : i32
        %dma_start3A_112 = tpu.memref_slice %arg2[%dma_start3A_110, %dma_start3A_111] : memref<10240x128xf32, #tpu.memory_space<hbm>> -> memref<10240x128xf32, #tpu.memory_space<hbm>>
        tpu.enqueue_indirect_dma source(%dma_start3A_112 : memref<10240x128xf32, #tpu.memory_space<hbm>>) target(%arg11 : memref<128x128xf32, #tpu.memory_space<vmem>>) offsets(%dma_start3A_109 : memref<128xi32, #tpu.memory_space<vmem>>) semaphore(%arg16 : memref<!tpu.dma_semaphore, #tpu.memory_space<semaphore_mem>>)
      } else {
      }
      %dma_wait3A = arith.constant 0 : i32
      %dma_wait3A_60 = arith.constant 0 : i32
      %dma_wait3A_61 = tpu.memref_slice %arg8[%dma_wait3A, %dma_wait3A_60] : memref<2x128xi32, #tpu.memory_space<vmem>> -> memref<1x128xi32, #tpu.memory_space<vmem>>
      %dma_wait3A_62 = tpu.memref_squeeze %dma_wait3A_61 : memref<1x128xi32, #tpu.memory_space<vmem>> -> memref<128xi32, #tpu.memory_space<vmem>>
      %dma_wait3A_63 = arith.constant 0 : i32
      %dma_wait3A_64 = arith.constant 0 : i32
      %dma_wait3A_65 = tpu.memref_slice %arg2[%dma_wait3A_63, %dma_wait3A_64] : memref<10240x128xf32, #tpu.memory_space<hbm>> -> memref<10240x128xf32, #tpu.memory_space<hbm>>
      tpu.wait_indirect_dma semaphore(%arg15 : memref<!tpu.dma_semaphore, #tpu.memory_space<semaphore_mem>>) src(%dma_wait3A_65 : memref<10240x128xf32, #tpu.memory_space<hbm>>) dst(%arg10 : memref<128x128xf32, #tpu.memory_space<vmem>>)
      %run_scoped3A = arith.constant 1 : i32
      "tpu.region"() ({
        %run_scoped3A_97 = tpu.sem_alloc : memref<!tpu.dma_semaphore, #tpu.memory_space<semaphore_mem>>
        %dma_start3A = arith.constant 0 : i32
        %dma_start3A_98 = tpu.memref_slice %arg8[%run_scoped3A, %dma_start3A] : memref<2x128xi32, #tpu.memory_space<vmem>> -> memref<1x128xi32, #tpu.memory_space<vmem>>
        %dma_start3A_99 = tpu.memref_squeeze %dma_start3A_98 : memref<1x128xi32, #tpu.memory_space<vmem>> -> memref<128xi32, #tpu.memory_space<vmem>>
        %dma_start3A_100 = arith.constant 0 : i32
        %dma_start3A_101 = arith.constant 0 : i32
        %dma_start3A_102 = tpu.memref_slice %arg12[%dma_start3A_100, %dma_start3A_101] : memref<10240x128xf32, #tpu.memory_space<vmem_shared>> -> memref<10240x128xf32, #tpu.memory_space<vmem_shared>>
        tpu.enqueue_indirect_dma source(%arg10 : memref<128x128xf32, #tpu.memory_space<vmem>>) target(%dma_start3A_102 : memref<10240x128xf32, #tpu.memory_space<vmem_shared>>) offsets(%dma_start3A_99 : memref<128xi32, #tpu.memory_space<vmem>>) semaphore(%run_scoped3A_97 : memref<!tpu.dma_semaphore, #tpu.memory_space<semaphore_mem>>) {add = true}
        %dma_wait3A_103 = arith.constant 0 : i32
        %dma_wait3A_104 = tpu.memref_slice %arg8[%run_scoped3A, %dma_wait3A_103] : memref<2x128xi32, #tpu.memory_space<vmem>> -> memref<1x128xi32, #tpu.memory_space<vmem>>
        %dma_wait3A_105 = tpu.memref_squeeze %dma_wait3A_104 : memref<1x128xi32, #tpu.memory_space<vmem>> -> memref<128xi32, #tpu.memory_space<vmem>>
        %dma_wait3A_106 = arith.constant 0 : i32
        %dma_wait3A_107 = arith.constant 0 : i32
        %dma_wait3A_108 = tpu.memref_slice %arg12[%dma_wait3A_106, %dma_wait3A_107] : memref<10240x128xf32, #tpu.memory_space<vmem_shared>> -> memref<10240x128xf32, #tpu.memory_space<vmem_shared>>
        tpu.wait_indirect_dma semaphore(%run_scoped3A_97 : memref<!tpu.dma_semaphore, #tpu.memory_space<semaphore_mem>>) src(%arg10 : memref<128x128xf32, #tpu.memory_space<vmem>>) dst(%dma_wait3A_108 : memref<10240x128xf32, #tpu.memory_space<vmem_shared>>)
        tpu.yield
      }) : () -> ()
      %add3A_66 = arith.constant 2 : i32
      %add3A_67 = arith.addi %add3A_54, %add3A_66 : i32
      %lt3A_68 = arith.cmpi slt, %add3A_67, %add3A : i32
      %convert_element_type3A_69 = arith.extui %lt3A_68 : i1 to i32
      %cond3A_70 = arith.constant 0 : i32
      %cond3A_71 = arith.cmpi ne, %convert_element_type3A_69, %cond3A_70 : i32
      scf.if %cond3A_71 {
        %add3A_97 = arith.constant 2 : i32
        %add3A_98 = arith.addi %add3A_54, %add3A_97 : i32
        %dma_start3A = arith.constant 0 : i32
        %dma_start3A_99 = arith.constant 0 : i32
        %dma_start3A_100 = tpu.memref_slice %arg6[%arg1, %add3A_98, %dma_start3A, %dma_start3A_99] : memref<16x160x2x128xi32, #tpu.memory_space<hbm>> -> memref<1x1x2x128xi32, #tpu.memory_space<hbm>>
        %dma_start3A_101 = tpu.memref_squeeze %dma_start3A_100 : memref<1x1x2x128xi32, #tpu.memory_space<hbm>> -> memref<2x128xi32, #tpu.memory_space<hbm>>
        %dma_start3A_102 = arith.constant 0 : i32
        %dma_start3A_103 = arith.constant 0 : i32
        %dma_start3A_104 = tpu.memref_slice %arg6[%arg1, %add3A_98, %dma_start3A_102, %dma_start3A_103] : memref<16x160x2x128xi32, #tpu.memory_space<hbm>> -> memref<1x1x2x128xi32, #tpu.memory_space<hbm>>
        %dma_start3A_105 = tpu.memref_squeeze %dma_start3A_104 : memref<1x1x2x128xi32, #tpu.memory_space<hbm>> -> memref<2x128xi32, #tpu.memory_space<hbm>>
        tpu.enqueue_dma source(%dma_start3A_105 : memref<2x128xi32, #tpu.memory_space<hbm>>) target(%arg8 : memref<2x128xi32, #tpu.memory_space<vmem>>) target_semaphore(%arg13 : memref<!tpu.dma_semaphore, #tpu.memory_space<semaphore_mem>>)
      } else {
      }
      %mul3A_72 = arith.constant 2 : i32
      %mul3A_73 = arith.muli %mul3A_72, %add3A_49 : i32
      %add3A_74 = arith.addi %select_n3A_3, %mul3A_73 : i32
      %add3A_75 = arith.constant 1 : i32
      %add3A_76 = arith.addi %add3A_74, %add3A_75 : i32
      %add3A_77 = arith.constant 1 : i32
      %add3A_78 = arith.addi %add3A_76, %add3A_77 : i32
      %lt3A_79 = arith.cmpi slt, %add3A_78, %add3A : i32
      %convert_element_type3A_80 = arith.extui %lt3A_79 : i1 to i32
      %cond3A_81 = arith.constant 0 : i32
      %cond3A_82 = arith.cmpi ne, %convert_element_type3A_80, %cond3A_81 : i32
      scf.if %cond3A_82 {
        %add3A_97 = arith.constant 1 : i32
        %add3A_98 = arith.addi %add3A_76, %add3A_97 : i32
        %dma_wait3A_99 = arith.constant 0 : i32
        %dma_wait3A_100 = arith.constant 0 : i32
        %dma_wait3A_101 = tpu.memref_slice %arg6[%arg1, %add3A_98, %dma_wait3A_99, %dma_wait3A_100] : memref<16x160x2x128xi32, #tpu.memory_space<hbm>> -> memref<1x1x2x128xi32, #tpu.memory_space<hbm>>
        %dma_wait3A_102 = tpu.memref_squeeze %dma_wait3A_101 : memref<1x1x2x128xi32, #tpu.memory_space<hbm>> -> memref<2x128xi32, #tpu.memory_space<hbm>>
        %dma_wait3A_103 = arith.constant 0 : i32
        %dma_wait3A_104 = arith.constant 0 : i32
        %dma_wait3A_105 = tpu.memref_slice %arg6[%arg1, %add3A_98, %dma_wait3A_103, %dma_wait3A_104] : memref<16x160x2x128xi32, #tpu.memory_space<hbm>> -> memref<1x1x2x128xi32, #tpu.memory_space<hbm>>
        %dma_wait3A_106 = tpu.memref_squeeze %dma_wait3A_105 : memref<1x1x2x128xi32, #tpu.memory_space<hbm>> -> memref<2x128xi32, #tpu.memory_space<hbm>>
        tpu.wait_dma2 semaphore(%arg13 : memref<!tpu.dma_semaphore, #tpu.memory_space<semaphore_mem>>) src(%dma_wait3A_106 : memref<2x128xi32, #tpu.memory_space<hbm>>) dst(%arg8 : memref<2x128xi32, #tpu.memory_space<vmem>>)
        %dma_start3A = arith.constant 0 : i32
        %dma_start3A_107 = arith.constant 0 : i32
        %dma_start3A_108 = tpu.memref_slice %arg8[%dma_start3A, %dma_start3A_107] : memref<2x128xi32, #tpu.memory_space<vmem>> -> memref<1x128xi32, #tpu.memory_space<vmem>>
        %dma_start3A_109 = tpu.memref_squeeze %dma_start3A_108 : memref<1x128xi32, #tpu.memory_space<vmem>> -> memref<128xi32, #tpu.memory_space<vmem>>
        %dma_start3A_110 = arith.constant 0 : i32
        %dma_start3A_111 = arith.constant 0 : i32
        %dma_start3A_112 = tpu.memref_slice %arg2[%dma_start3A_110, %dma_start3A_111] : memref<10240x128xf32, #tpu.memory_space<hbm>> -> memref<10240x128xf32, #tpu.memory_space<hbm>>
        tpu.enqueue_indirect_dma source(%dma_start3A_112 : memref<10240x128xf32, #tpu.memory_space<hbm>>) target(%arg10 : memref<128x128xf32, #tpu.memory_space<vmem>>) offsets(%dma_start3A_109 : memref<128xi32, #tpu.memory_space<vmem>>) semaphore(%arg15 : memref<!tpu.dma_semaphore, #tpu.memory_space<semaphore_mem>>)
      } else {
      }
      %dma_wait3A_83 = arith.constant 0 : i32
      %dma_wait3A_84 = arith.constant 0 : i32
      %dma_wait3A_85 = tpu.memref_slice %arg9[%dma_wait3A_83, %dma_wait3A_84] : memref<2x128xi32, #tpu.memory_space<vmem>> -> memref<1x128xi32, #tpu.memory_space<vmem>>
      %dma_wait3A_86 = tpu.memref_squeeze %dma_wait3A_85 : memref<1x128xi32, #tpu.memory_space<vmem>> -> memref<128xi32, #tpu.memory_space<vmem>>
      %dma_wait3A_87 = arith.constant 0 : i32
      %dma_wait3A_88 = arith.constant 0 : i32
      %dma_wait3A_89 = tpu.memref_slice %arg2[%dma_wait3A_87, %dma_wait3A_88] : memref<10240x128xf32, #tpu.memory_space<hbm>> -> memref<10240x128xf32, #tpu.memory_space<hbm>>
      tpu.wait_indirect_dma semaphore(%arg16 : memref<!tpu.dma_semaphore, #tpu.memory_space<semaphore_mem>>) src(%dma_wait3A_89 : memref<10240x128xf32, #tpu.memory_space<hbm>>) dst(%arg11 : memref<128x128xf32, #tpu.memory_space<vmem>>)
      %run_scoped3A_90 = arith.constant 1 : i32
      "tpu.region"() ({
        %run_scoped3A_97 = tpu.sem_alloc : memref<!tpu.dma_semaphore, #tpu.memory_space<semaphore_mem>>
        %dma_start3A = arith.constant 0 : i32
        %dma_start3A_98 = tpu.memref_slice %arg9[%run_scoped3A_90, %dma_start3A] : memref<2x128xi32, #tpu.memory_space<vmem>> -> memref<1x128xi32, #tpu.memory_space<vmem>>
        %dma_start3A_99 = tpu.memref_squeeze %dma_start3A_98 : memref<1x128xi32, #tpu.memory_space<vmem>> -> memref<128xi32, #tpu.memory_space<vmem>>
        %dma_start3A_100 = arith.constant 0 : i32
        %dma_start3A_101 = arith.constant 0 : i32
        %dma_start3A_102 = tpu.memref_slice %arg12[%dma_start3A_100, %dma_start3A_101] : memref<10240x128xf32, #tpu.memory_space<vmem_shared>> -> memref<10240x128xf32, #tpu.memory_space<vmem_shared>>
        tpu.enqueue_indirect_dma source(%arg11 : memref<128x128xf32, #tpu.memory_space<vmem>>) target(%dma_start3A_102 : memref<10240x128xf32, #tpu.memory_space<vmem_shared>>) offsets(%dma_start3A_99 : memref<128xi32, #tpu.memory_space<vmem>>) semaphore(%run_scoped3A_97 : memref<!tpu.dma_semaphore, #tpu.memory_space<semaphore_mem>>) {add = true}
        %dma_wait3A_103 = arith.constant 0 : i32
        %dma_wait3A_104 = tpu.memref_slice %arg9[%run_scoped3A_90, %dma_wait3A_103] : memref<2x128xi32, #tpu.memory_space<vmem>> -> memref<1x128xi32, #tpu.memory_space<vmem>>
        %dma_wait3A_105 = tpu.memref_squeeze %dma_wait3A_104 : memref<1x128xi32, #tpu.memory_space<vmem>> -> memref<128xi32, #tpu.memory_space<vmem>>
        %dma_wait3A_106 = arith.constant 0 : i32
        %dma_wait3A_107 = arith.constant 0 : i32
        %dma_wait3A_108 = tpu.memref_slice %arg12[%dma_wait3A_106, %dma_wait3A_107] : memref<10240x128xf32, #tpu.memory_space<vmem_shared>> -> memref<10240x128xf32, #tpu.memory_space<vmem_shared>>
        tpu.wait_indirect_dma semaphore(%run_scoped3A_97 : memref<!tpu.dma_semaphore, #tpu.memory_space<semaphore_mem>>) src(%arg11 : memref<128x128xf32, #tpu.memory_space<vmem>>) dst(%dma_wait3A_108 : memref<10240x128xf32, #tpu.memory_space<vmem_shared>>)
        tpu.yield
      }) : () -> ()
      %add3A_91 = arith.constant 2 : i32
      %add3A_92 = arith.addi %add3A_76, %add3A_91 : i32
      %lt3A_93 = arith.cmpi slt, %add3A_92, %add3A : i32
      %convert_element_type3A_94 = arith.extui %lt3A_93 : i1 to i32
      %cond3A_95 = arith.constant 0 : i32
      %cond3A_96 = arith.cmpi ne, %convert_element_type3A_94, %cond3A_95 : i32
      scf.if %cond3A_96 {
        %add3A_97 = arith.constant 2 : i32
        %add3A_98 = arith.addi %add3A_76, %add3A_97 : i32
        %dma_start3A = arith.constant 0 : i32
        %dma_start3A_99 = arith.constant 0 : i32
        %dma_start3A_100 = tpu.memref_slice %arg6[%arg1, %add3A_98, %dma_start3A, %dma_start3A_99] : memref<16x160x2x128xi32, #tpu.memory_space<hbm>> -> memref<1x1x2x128xi32, #tpu.memory_space<hbm>>
        %dma_start3A_101 = tpu.memref_squeeze %dma_start3A_100 : memref<1x1x2x128xi32, #tpu.memory_space<hbm>> -> memref<2x128xi32, #tpu.memory_space<hbm>>
        %dma_start3A_102 = arith.constant 0 : i32
        %dma_start3A_103 = arith.constant 0 : i32
        %dma_start3A_104 = tpu.memref_slice %arg6[%arg1, %add3A_98, %dma_start3A_102, %dma_start3A_103] : memref<16x160x2x128xi32, #tpu.memory_space<hbm>> -> memref<1x1x2x128xi32, #tpu.memory_space<hbm>>
        %dma_start3A_105 = tpu.memref_squeeze %dma_start3A_104 : memref<1x1x2x128xi32, #tpu.memory_space<hbm>> -> memref<2x128xi32, #tpu.memory_space<hbm>>
        tpu.enqueue_dma source(%dma_start3A_105 : memref<2x128xi32, #tpu.memory_space<hbm>>) target(%arg9 : memref<2x128xi32, #tpu.memory_space<vmem>>) target_semaphore(%arg14 : memref<!tpu.dma_semaphore, #tpu.memory_space<semaphore_mem>>)
      } else {
      }
    }
    %while3A_45 = arith.constant 1 : i32
    scf.for %while3A_47 = %while3A_43 to %while3A_39 step %while3A_45  : i32 {
      %mul3A_48 = arith.muli %while3A_47, %while3A : i32
      %add3A_49 = arith.addi %while3A_36, %mul3A_48 : i32
      %mul3A_50 = arith.constant 2 : i32
      %mul3A_51 = arith.muli %mul3A_50, %add3A_49 : i32
      %add3A_52 = arith.addi %select_n3A_3, %mul3A_51 : i32
      %add3A_53 = arith.constant 0 : i32
      %add3A_54 = arith.addi %add3A_52, %add3A_53 : i32
      %add3A_55 = arith.constant 1 : i32
      %add3A_56 = arith.addi %add3A_54, %add3A_55 : i32
      %lt3A = arith.cmpi slt, %add3A_56, %add3A : i32
      %convert_element_type3A_57 = arith.extui %lt3A : i1 to i32
      %cond3A_58 = arith.constant 0 : i32
      %cond3A_59 = arith.cmpi ne, %convert_element_type3A_57, %cond3A_58 : i32
      scf.if %cond3A_59 {
        %add3A_97 = arith.constant 1 : i32
        %add3A_98 = arith.addi %add3A_54, %add3A_97 : i32
        %dma_wait3A_99 = arith.constant 0 : i32
        %dma_wait3A_100 = arith.constant 0 : i32
        %dma_wait3A_101 = tpu.memref_slice %arg6[%arg1, %add3A_98, %dma_wait3A_99, %dma_wait3A_100] : memref<16x160x2x128xi32, #tpu.memory_space<hbm>> -> memref<1x1x2x128xi32, #tpu.memory_space<hbm>>
        %dma_wait3A_102 = tpu.memref_squeeze %dma_wait3A_101 : memref<1x1x2x128xi32, #tpu.memory_space<hbm>> -> memref<2x128xi32, #tpu.memory_space<hbm>>
        %dma_wait3A_103 = arith.constant 0 : i32
        %dma_wait3A_104 = arith.constant 0 : i32
        %dma_wait3A_105 = tpu.memref_slice %arg6[%arg1, %add3A_98, %dma_wait3A_103, %dma_wait3A_104] : memref<16x160x2x128xi32, #tpu.memory_space<hbm>> -> memref<1x1x2x128xi32, #tpu.memory_space<hbm>>
        %dma_wait3A_106 = tpu.memref_squeeze %dma_wait3A_105 : memref<1x1x2x128xi32, #tpu.memory_space<hbm>> -> memref<2x128xi32, #tpu.memory_space<hbm>>
        tpu.wait_dma2 semaphore(%arg14 : memref<!tpu.dma_semaphore, #tpu.memory_space<semaphore_mem>>) src(%dma_wait3A_106 : memref<2x128xi32, #tpu.memory_space<hbm>>) dst(%arg9 : memref<2x128xi32, #tpu.memory_space<vmem>>)
        %dma_start3A = arith.constant 0 : i32
        %dma_start3A_107 = arith.constant 0 : i32
        %dma_start3A_108 = tpu.memref_slice %arg9[%dma_start3A, %dma_start3A_107] : memref<2x128xi32, #tpu.memory_space<vmem>> -> memref<1x128xi32, #tpu.memory_space<vmem>>
        %dma_start3A_109 = tpu.memref_squeeze %dma_start3A_108 : memref<1x128xi32, #tpu.memory_space<vmem>> -> memref<128xi32, #tpu.memory_space<vmem>>
        %dma_start3A_110 = arith.constant 0 : i32
        %dma_start3A_111 = arith.constant 0 : i32
        %dma_start3A_112 = tpu.memref_slice %arg2[%dma_start3A_110, %dma_start3A_111] : memref<10240x128xf32, #tpu.memory_space<hbm>> -> memref<10240x128xf32, #tpu.memory_space<hbm>>
        tpu.enqueue_indirect_dma source(%dma_start3A_112 : memref<10240x128xf32, #tpu.memory_space<hbm>>) target(%arg11 : memref<128x128xf32, #tpu.memory_space<vmem>>) offsets(%dma_start3A_109 : memref<128xi32, #tpu.memory_space<vmem>>) semaphore(%arg16 : memref<!tpu.dma_semaphore, #tpu.memory_space<semaphore_mem>>)
      } else {
      }
      %dma_wait3A = arith.constant 0 : i32
      %dma_wait3A_60 = arith.constant 0 : i32
      %dma_wait3A_61 = tpu.memref_slice %arg8[%dma_wait3A, %dma_wait3A_60] : memref<2x128xi32, #tpu.memory_space<vmem>> -> memref<1x128xi32, #tpu.memory_space<vmem>>
      %dma_wait3A_62 = tpu.memref_squeeze %dma_wait3A_61 : memref<1x128xi32, #tpu.memory_space<vmem>> -> memref<128xi32, #tpu.memory_space<vmem>>
      %dma_wait3A_63 = arith.constant 0 : i32
      %dma_wait3A_64 = arith.constant 0 : i32
      %dma_wait3A_65 = tpu.memref_slice %arg2[%dma_wait3A_63, %dma_wait3A_64] : memref<10240x128xf32, #tpu.memory_space<hbm>> -> memref<10240x128xf32, #tpu.memory_space<hbm>>
      tpu.wait_indirect_dma semaphore(%arg15 : memref<!tpu.dma_semaphore, #tpu.memory_space<semaphore_mem>>) src(%dma_wait3A_65 : memref<10240x128xf32, #tpu.memory_space<hbm>>) dst(%arg10 : memref<128x128xf32, #tpu.memory_space<vmem>>)
      %run_scoped3A = arith.constant 1 : i32
      "tpu.region"() ({
        %run_scoped3A_97 = tpu.sem_alloc : memref<!tpu.dma_semaphore, #tpu.memory_space<semaphore_mem>>
        %dma_start3A = arith.constant 0 : i32
        %dma_start3A_98 = tpu.memref_slice %arg8[%run_scoped3A, %dma_start3A] : memref<2x128xi32, #tpu.memory_space<vmem>> -> memref<1x128xi32, #tpu.memory_space<vmem>>
        %dma_start3A_99 = tpu.memref_squeeze %dma_start3A_98 : memref<1x128xi32, #tpu.memory_space<vmem>> -> memref<128xi32, #tpu.memory_space<vmem>>
        %dma_start3A_100 = arith.constant 0 : i32
        %dma_start3A_101 = arith.constant 0 : i32
        %dma_start3A_102 = tpu.memref_slice %arg12[%dma_start3A_100, %dma_start3A_101] : memref<10240x128xf32, #tpu.memory_space<vmem_shared>> -> memref<10240x128xf32, #tpu.memory_space<vmem_shared>>
        tpu.enqueue_indirect_dma source(%arg10 : memref<128x128xf32, #tpu.memory_space<vmem>>) target(%dma_start3A_102 : memref<10240x128xf32, #tpu.memory_space<vmem_shared>>) offsets(%dma_start3A_99 : memref<128xi32, #tpu.memory_space<vmem>>) semaphore(%run_scoped3A_97 : memref<!tpu.dma_semaphore, #tpu.memory_space<semaphore_mem>>) {add = true}
        %dma_wait3A_103 = arith.constant 0 : i32
        %dma_wait3A_104 = tpu.memref_slice %arg8[%run_scoped3A, %dma_wait3A_103] : memref<2x128xi32, #tpu.memory_space<vmem>> -> memref<1x128xi32, #tpu.memory_space<vmem>>
        %dma_wait3A_105 = tpu.memref_squeeze %dma_wait3A_104 : memref<1x128xi32, #tpu.memory_space<vmem>> -> memref<128xi32, #tpu.memory_space<vmem>>
        %dma_wait3A_106 = arith.constant 0 : i32
        %dma_wait3A_107 = arith.constant 0 : i32
        %dma_wait3A_108 = tpu.memref_slice %arg12[%dma_wait3A_106, %dma_wait3A_107] : memref<10240x128xf32, #tpu.memory_space<vmem_shared>> -> memref<10240x128xf32, #tpu.memory_space<vmem_shared>>
        tpu.wait_indirect_dma semaphore(%run_scoped3A_97 : memref<!tpu.dma_semaphore, #tpu.memory_space<semaphore_mem>>) src(%arg10 : memref<128x128xf32, #tpu.memory_space<vmem>>) dst(%dma_wait3A_108 : memref<10240x128xf32, #tpu.memory_space<vmem_shared>>)
        tpu.yield
      }) : () -> ()
      %add3A_66 = arith.constant 2 : i32
      %add3A_67 = arith.addi %add3A_54, %add3A_66 : i32
      %lt3A_68 = arith.cmpi slt, %add3A_67, %add3A : i32
      %convert_element_type3A_69 = arith.extui %lt3A_68 : i1 to i32
      %cond3A_70 = arith.constant 0 : i32
      %cond3A_71 = arith.cmpi ne, %convert_element_type3A_69, %cond3A_70 : i32
      scf.if %cond3A_71 {
        %add3A_97 = arith.constant 2 : i32
        %add3A_98 = arith.addi %add3A_54, %add3A_97 : i32
        %dma_start3A = arith.constant 0 : i32
        %dma_start3A_99 = arith.constant 0 : i32
        %dma_start3A_100 = tpu.memref_slice %arg6[%arg1, %add3A_98, %dma_start3A, %dma_start3A_99] : memref<16x160x2x128xi32, #tpu.memory_space<hbm>> -> memref<1x1x2x128xi32, #tpu.memory_space<hbm>>
        %dma_start3A_101 = tpu.memref_squeeze %dma_start3A_100 : memref<1x1x2x128xi32, #tpu.memory_space<hbm>> -> memref<2x128xi32, #tpu.memory_space<hbm>>
        %dma_start3A_102 = arith.constant 0 : i32
        %dma_start3A_103 = arith.constant 0 : i32
        %dma_start3A_104 = tpu.memref_slice %arg6[%arg1, %add3A_98, %dma_start3A_102, %dma_start3A_103] : memref<16x160x2x128xi32, #tpu.memory_space<hbm>> -> memref<1x1x2x128xi32, #tpu.memory_space<hbm>>
        %dma_start3A_105 = tpu.memref_squeeze %dma_start3A_104 : memref<1x1x2x128xi32, #tpu.memory_space<hbm>> -> memref<2x128xi32, #tpu.memory_space<hbm>>
        tpu.enqueue_dma source(%dma_start3A_105 : memref<2x128xi32, #tpu.memory_space<hbm>>) target(%arg8 : memref<2x128xi32, #tpu.memory_space<vmem>>) target_semaphore(%arg13 : memref<!tpu.dma_semaphore, #tpu.memory_space<semaphore_mem>>)
      } else {
      }
      %mul3A_72 = arith.constant 2 : i32
      %mul3A_73 = arith.muli %mul3A_72, %add3A_49 : i32
      %add3A_74 = arith.addi %select_n3A_3, %mul3A_73 : i32
      %add3A_75 = arith.constant 1 : i32
      %add3A_76 = arith.addi %add3A_74, %add3A_75 : i32
      %add3A_77 = arith.constant 1 : i32
      %add3A_78 = arith.addi %add3A_76, %add3A_77 : i32
      %lt3A_79 = arith.cmpi slt, %add3A_78, %add3A : i32
      %convert_element_type3A_80 = arith.extui %lt3A_79 : i1 to i32
      %cond3A_81 = arith.constant 0 : i32
      %cond3A_82 = arith.cmpi ne, %convert_element_type3A_80, %cond3A_81 : i32
      scf.if %cond3A_82 {
        %add3A_97 = arith.constant 1 : i32
        %add3A_98 = arith.addi %add3A_76, %add3A_97 : i32
        %dma_wait3A_99 = arith.constant 0 : i32
        %dma_wait3A_100 = arith.constant 0 : i32
        %dma_wait3A_101 = tpu.memref_slice %arg6[%arg1, %add3A_98, %dma_wait3A_99, %dma_wait3A_100] : memref<16x160x2x128xi32, #tpu.memory_space<hbm>> -> memref<1x1x2x128xi32, #tpu.memory_space<hbm>>
        %dma_wait3A_102 = tpu.memref_squeeze %dma_wait3A_101 : memref<1x1x2x128xi32, #tpu.memory_space<hbm>> -> memref<2x128xi32, #tpu.memory_space<hbm>>
        %dma_wait3A_103 = arith.constant 0 : i32
        %dma_wait3A_104 = arith.constant 0 : i32
        %dma_wait3A_105 = tpu.memref_slice %arg6[%arg1, %add3A_98, %dma_wait3A_103, %dma_wait3A_104] : memref<16x160x2x128xi32, #tpu.memory_space<hbm>> -> memref<1x1x2x128xi32, #tpu.memory_space<hbm>>
        %dma_wait3A_106 = tpu.memref_squeeze %dma_wait3A_105 : memref<1x1x2x128xi32, #tpu.memory_space<hbm>> -> memref<2x128xi32, #tpu.memory_space<hbm>>
        tpu.wait_dma2 semaphore(%arg13 : memref<!tpu.dma_semaphore, #tpu.memory_space<semaphore_mem>>) src(%dma_wait3A_106 : memref<2x128xi32, #tpu.memory_space<hbm>>) dst(%arg8 : memref<2x128xi32, #tpu.memory_space<vmem>>)
        %dma_start3A = arith.constant 0 : i32
        %dma_start3A_107 = arith.constant 0 : i32
        %dma_start3A_108 = tpu.memref_slice %arg8[%dma_start3A, %dma_start3A_107] : memref<2x128xi32, #tpu.memory_space<vmem>> -> memref<1x128xi32, #tpu.memory_space<vmem>>
        %dma_start3A_109 = tpu.memref_squeeze %dma_start3A_108 : memref<1x128xi32, #tpu.memory_space<vmem>> -> memref<128xi32, #tpu.memory_space<vmem>>
        %dma_start3A_110 = arith.constant 0 : i32
        %dma_start3A_111 = arith.constant 0 : i32
        %dma_start3A_112 = tpu.memref_slice %arg2[%dma_start3A_110, %dma_start3A_111] : memref<10240x128xf32, #tpu.memory_space<hbm>> -> memref<10240x128xf32, #tpu.memory_space<hbm>>
        tpu.enqueue_indirect_dma source(%dma_start3A_112 : memref<10240x128xf32, #tpu.memory_space<hbm>>) target(%arg10 : memref<128x128xf32, #tpu.memory_space<vmem>>) offsets(%dma_start3A_109 : memref<128xi32, #tpu.memory_space<vmem>>) semaphore(%arg15 : memref<!tpu.dma_semaphore, #tpu.memory_space<semaphore_mem>>)
      } else {
      }
      %dma_wait3A_83 = arith.constant 0 : i32
      %dma_wait3A_84 = arith.constant 0 : i32
      %dma_wait3A_85 = tpu.memref_slice %arg9[%dma_wait3A_83, %dma_wait3A_84] : memref<2x128xi32, #tpu.memory_space<vmem>> -> memref<1x128xi32, #tpu.memory_space<vmem>>
      %dma_wait3A_86 = tpu.memref_squeeze %dma_wait3A_85 : memref<1x128xi32, #tpu.memory_space<vmem>> -> memref<128xi32, #tpu.memory_space<vmem>>
      %dma_wait3A_87 = arith.constant 0 : i32
      %dma_wait3A_88 = arith.constant 0 : i32
      %dma_wait3A_89 = tpu.memref_slice %arg2[%dma_wait3A_87, %dma_wait3A_88] : memref<10240x128xf32, #tpu.memory_space<hbm>> -> memref<10240x128xf32, #tpu.memory_space<hbm>>
      tpu.wait_indirect_dma semaphore(%arg16 : memref<!tpu.dma_semaphore, #tpu.memory_space<semaphore_mem>>) src(%dma_wait3A_89 : memref<10240x128xf32, #tpu.memory_space<hbm>>) dst(%arg11 : memref<128x128xf32, #tpu.memory_space<vmem>>)
      %run_scoped3A_90 = arith.constant 1 : i32
      "tpu.region"() ({
        %run_scoped3A_97 = tpu.sem_alloc : memref<!tpu.dma_semaphore, #tpu.memory_space<semaphore_mem>>
        %dma_start3A = arith.constant 0 : i32
        %dma_start3A_98 = tpu.memref_slice %arg9[%run_scoped3A_90, %dma_start3A] : memref<2x128xi32, #tpu.memory_space<vmem>> -> memref<1x128xi32, #tpu.memory_space<vmem>>
        %dma_start3A_99 = tpu.memref_squeeze %dma_start3A_98 : memref<1x128xi32, #tpu.memory_space<vmem>> -> memref<128xi32, #tpu.memory_space<vmem>>
        %dma_start3A_100 = arith.constant 0 : i32
        %dma_start3A_101 = arith.constant 0 : i32
        %dma_start3A_102 = tpu.memref_slice %arg12[%dma_start3A_100, %dma_start3A_101] : memref<10240x128xf32, #tpu.memory_space<vmem_shared>> -> memref<10240x128xf32, #tpu.memory_space<vmem_shared>>
        tpu.enqueue_indirect_dma source(%arg11 : memref<128x128xf32, #tpu.memory_space<vmem>>) target(%dma_start3A_102 : memref<10240x128xf32, #tpu.memory_space<vmem_shared>>) offsets(%dma_start3A_99 : memref<128xi32, #tpu.memory_space<vmem>>) semaphore(%run_scoped3A_97 : memref<!tpu.dma_semaphore, #tpu.memory_space<semaphore_mem>>) {add = true}
        %dma_wait3A_103 = arith.constant 0 : i32
        %dma_wait3A_104 = tpu.memref_slice %arg9[%run_scoped3A_90, %dma_wait3A_103] : memref<2x128xi32, #tpu.memory_space<vmem>> -> memref<1x128xi32, #tpu.memory_space<vmem>>
        %dma_wait3A_105 = tpu.memref_squeeze %dma_wait3A_104 : memref<1x128xi32, #tpu.memory_space<vmem>> -> memref<128xi32, #tpu.memory_space<vmem>>
        %dma_wait3A_106 = arith.constant 0 : i32
        %dma_wait3A_107 = arith.constant 0 : i32
        %dma_wait3A_108 = tpu.memref_slice %arg12[%dma_wait3A_106, %dma_wait3A_107] : memref<10240x128xf32, #tpu.memory_space<vmem_shared>> -> memref<10240x128xf32, #tpu.memory_space<vmem_shared>>
        tpu.wait_indirect_dma semaphore(%run_scoped3A_97 : memref<!tpu.dma_semaphore, #tpu.memory_space<semaphore_mem>>) src(%arg11 : memref<128x128xf32, #tpu.memory_space<vmem>>) dst(%dma_wait3A_108 : memref<10240x128xf32, #tpu.memory_space<vmem_shared>>)
        tpu.yield
      }) : () -> ()
      %add3A_91 = arith.constant 2 : i32
      %add3A_92 = arith.addi %add3A_76, %add3A_91 : i32
      %lt3A_93 = arith.cmpi slt, %add3A_92, %add3A : i32
      %convert_element_type3A_94 = arith.extui %lt3A_93 : i1 to i32
      %cond3A_95 = arith.constant 0 : i32
      %cond3A_96 = arith.cmpi ne, %convert_element_type3A_94, %cond3A_95 : i32
      scf.if %cond3A_96 {
        %add3A_97 = arith.constant 2 : i32
        %add3A_98 = arith.addi %add3A_76, %add3A_97 : i32
        %dma_start3A = arith.constant 0 : i32
        %dma_start3A_99 = arith.constant 0 : i32
        %dma_start3A_100 = tpu.memref_slice %arg6[%arg1, %add3A_98, %dma_start3A, %dma_start3A_99] : memref<16x160x2x128xi32, #tpu.memory_space<hbm>> -> memref<1x1x2x128xi32, #tpu.memory_space<hbm>>
        %dma_start3A_101 = tpu.memref_squeeze %dma_start3A_100 : memref<1x1x2x128xi32, #tpu.memory_space<hbm>> -> memref<2x128xi32, #tpu.memory_space<hbm>>
        %dma_start3A_102 = arith.constant 0 : i32
        %dma_start3A_103 = arith.constant 0 : i32
        %dma_start3A_104 = tpu.memref_slice %arg6[%arg1, %add3A_98, %dma_start3A_102, %dma_start3A_103] : memref<16x160x2x128xi32, #tpu.memory_space<hbm>> -> memref<1x1x2x128xi32, #tpu.memory_space<hbm>>
        %dma_start3A_105 = tpu.memref_squeeze %dma_start3A_104 : memref<1x1x2x128xi32, #tpu.memory_space<hbm>> -> memref<2x128xi32, #tpu.memory_space<hbm>>
        tpu.enqueue_dma source(%dma_start3A_105 : memref<2x128xi32, #tpu.memory_space<hbm>>) target(%arg9 : memref<2x128xi32, #tpu.memory_space<vmem>>) target_semaphore(%arg14 : memref<!tpu.dma_semaphore, #tpu.memory_space<semaphore_mem>>)
      } else {
      }
    }
    %barrier3A_46 = arith.constant 0 : index
    tpu.barrier barrier_id(%barrier3A_46)
    "tpu.region"() ({
      %run_scoped3A = tpu.sem_alloc : memref<!tpu.dma_semaphore, #tpu.memory_space<semaphore_mem>>
      %dma_start3A = arith.constant 0 : i32
      %dma_start3A_47 = tpu.memref_slice %arg7[%arg0, %mul3A_0, %dma_start3A] : memref<2x10240x128xf32, #tpu.memory_space<hbm>> -> memref<1x640x128xf32, #tpu.memory_space<hbm>>
      %dma_start3A_48 = tpu.memref_squeeze %dma_start3A_47 : memref<1x640x128xf32, #tpu.memory_space<hbm>> -> memref<640x128xf32, #tpu.memory_space<hbm>>
      %dma_start3A_49 = arith.constant 0 : i32
      %dma_start3A_50 = tpu.memref_slice %arg12[%mul3A_0, %dma_start3A_49] : memref<10240x128xf32, #tpu.memory_space<vmem_shared>> -> memref<640x128xf32, #tpu.memory_space<vmem_shared>>
      tpu.enqueue_dma source(%dma_start3A_50 : memref<640x128xf32, #tpu.memory_space<vmem_shared>>) target(%dma_start3A_48 : memref<640x128xf32, #tpu.memory_space<hbm>>) target_semaphore(%run_scoped3A : memref<!tpu.dma_semaphore, #tpu.memory_space<semaphore_mem>>)
      %dma_wait3A = arith.constant 0 : i32
      %dma_wait3A_51 = tpu.memref_slice %arg7[%arg0, %mul3A_0, %dma_wait3A] : memref<2x10240x128xf32, #tpu.memory_space<hbm>> -> memref<1x640x128xf32, #tpu.memory_space<hbm>>
      %dma_wait3A_52 = tpu.memref_squeeze %dma_wait3A_51 : memref<1x640x128xf32, #tpu.memory_space<hbm>> -> memref<640x128xf32, #tpu.memory_space<hbm>>
      %dma_wait3A_53 = arith.constant 0 : i32
      %dma_wait3A_54 = tpu.memref_slice %arg12[%mul3A_0, %dma_wait3A_53] : memref<10240x128xf32, #tpu.memory_space<vmem_shared>> -> memref<640x128xf32, #tpu.memory_space<vmem_shared>>
      tpu.wait_dma2 semaphore(%run_scoped3A : memref<!tpu.dma_semaphore, #tpu.memory_space<semaphore_mem>>) src(%dma_wait3A_54 : memref<640x128xf32, #tpu.memory_space<vmem_shared>>) dst(%dma_wait3A_52 : memref<640x128xf32, #tpu.memory_space<hbm>>)
      tpu.yield
    }) : () -> ()
    return
  }
}

#map = affine_map<(d0, d1) -> (0, 0)>
#map1 = affine_map<(d0, d1) -> (0)>
#map2 = affine_map<(d0, d1) -> (0, 0, 0, 0)>
#map3 = affine_map<(d0, d1) -> (0, 0, 0)>
module attributes {stable_mosaic.version = 14 : i64} {
  func.func @body(%arg0: i32, %arg1: i32, %arg2: memref<10240x128xf32, #tpu.memory_space<hbm>>, %arg3: memref<10240x128xf32, #tpu.memory_space<hbm>>, %arg4: memref<10240xf32, #tpu.memory_space<hbm>>, %arg5: memref<128xf32, #tpu.memory_space<hbm>>, %arg6: memref<16x160x2x128xi32, #tpu.memory_space<hbm>>, %arg7: memref<2x10240x128xf32, #tpu.memory_space<hbm>>, %arg8: memref<2x10240xf32, #tpu.memory_space<hbm>>, %arg9: memref<2x128xi32, #tpu.memory_space<vmem>>, %arg10: memref<2x128xi32, #tpu.memory_space<vmem>>, %arg11: memref<128x128xf32, #tpu.memory_space<vmem>>, %arg12: memref<128x128xf32, #tpu.memory_space<vmem>>, %arg13: memref<10240x128xf32, #tpu.memory_space<vmem_shared>>, %arg14: memref<!tpu.dma_semaphore, #tpu.memory_space<semaphore_mem>>, %arg15: memref<!tpu.dma_semaphore, #tpu.memory_space<semaphore_mem>>, %arg16: memref<!tpu.dma_semaphore, #tpu.memory_space<semaphore_mem>>, %arg17: memref<!tpu.dma_semaphore, #tpu.memory_space<semaphore_mem>>, %arg18: memref<128xf32, #tpu.memory_space<vmem>>, %arg19: memref<10240xf32, #tpu.memory_space<vmem_shared>>) attributes {dimension_semantics = [#tpu.dimension_semantics<core_parallel>, #tpu.dimension_semantics<subcore_parallel>], iteration_bounds = array<i64: 2, 16>, scalar_prefetch = 0 : i64, scratch_operands = 11 : i64, tpu.core_type = #tpu.core_type<sc_vector_subcore>, window_params = [{transform_indices = #map}, {transform_indices = #map}, {transform_indices = #map1}, {transform_indices = #map1}, {transform_indices = #map2}, {transform_indices = #map3}, {transform_indices = #map}]} {
    %mul3A = arith.constant 640 : i32
    %mul3A_0 = arith.muli %arg1, %mul3A : i32
    %eq3A = arith.constant 0 : i32
    %eq3A_1 = arith.cmpi eq, %arg0, %eq3A : i32
    %select_n3A = arith.constant 80 : i32
    %select_n3A_2 = arith.constant 0 : i32
    %select_n3A_3 = arith.select %eq3A_1, %select_n3A_2, %select_n3A : i32
    %eq3A_4 = arith.constant 0 : i32
    %eq3A_5 = arith.cmpi eq, %arg0, %eq3A_4 : i32
    %select_n3A_6 = arith.constant 80 : i32
    %select_n3A_7 = arith.constant 80 : i32
    %select_n3A_8 = arith.select %eq3A_5, %select_n3A_7, %select_n3A_6 : i32
    %add3A = arith.addi %select_n3A_3, %select_n3A_8 : i32
    "tpu.region"() ({
      %run_scoped3A = tpu.sem_alloc : memref<!tpu.dma_semaphore, #tpu.memory_space<semaphore_mem>>
      %dma_start3A = arith.constant 0 : i32
      %dma_start3A_47 = tpu.memref_slice %arg13[%mul3A_0, %dma_start3A] : memref<10240x128xf32, #tpu.memory_space<vmem_shared>> -> memref<640x128xf32, #tpu.memory_space<vmem_shared>>
      %dma_start3A_48 = arith.constant 0 : i32
      %dma_start3A_49 = tpu.memref_slice %arg3[%mul3A_0, %dma_start3A_48] : memref<10240x128xf32, #tpu.memory_space<hbm>> -> memref<640x128xf32, #tpu.memory_space<hbm>>
      tpu.enqueue_dma source(%dma_start3A_49 : memref<640x128xf32, #tpu.memory_space<hbm>>) target(%dma_start3A_47 : memref<640x128xf32, #tpu.memory_space<vmem_shared>>) target_semaphore(%run_scoped3A : memref<!tpu.dma_semaphore, #tpu.memory_space<semaphore_mem>>)
      %dma_wait3A = arith.constant 0 : i32
      %dma_wait3A_50 = tpu.memref_slice %arg13[%mul3A_0, %dma_wait3A] : memref<10240x128xf32, #tpu.memory_space<vmem_shared>> -> memref<640x128xf32, #tpu.memory_space<vmem_shared>>
      %dma_wait3A_51 = arith.constant 0 : i32
      %dma_wait3A_52 = tpu.memref_slice %arg3[%mul3A_0, %dma_wait3A_51] : memref<10240x128xf32, #tpu.memory_space<hbm>> -> memref<640x128xf32, #tpu.memory_space<hbm>>
      tpu.wait_dma2 semaphore(%run_scoped3A : memref<!tpu.dma_semaphore, #tpu.memory_space<semaphore_mem>>) src(%dma_wait3A_52 : memref<640x128xf32, #tpu.memory_space<hbm>>) dst(%dma_wait3A_50 : memref<640x128xf32, #tpu.memory_space<vmem_shared>>)
      tpu.yield
    }) : () -> ()
    "tpu.region"() ({
      %run_scoped3A = tpu.sem_alloc : memref<!tpu.dma_semaphore, #tpu.memory_space<semaphore_mem>>
      %dma_start3A = tpu.memref_slice %arg19[%mul3A_0] : memref<10240xf32, #tpu.memory_space<vmem_shared>> -> memref<640xf32, #tpu.memory_space<vmem_shared>>
      %dma_start3A_47 = tpu.memref_slice %arg4[%mul3A_0] : memref<10240xf32, #tpu.memory_space<hbm>> -> memref<640xf32, #tpu.memory_space<hbm>>
      tpu.enqueue_dma source(%dma_start3A_47 : memref<640xf32, #tpu.memory_space<hbm>>) target(%dma_start3A : memref<640xf32, #tpu.memory_space<vmem_shared>>) target_semaphore(%run_scoped3A : memref<!tpu.dma_semaphore, #tpu.memory_space<semaphore_mem>>)
      %dma_wait3A = tpu.memref_slice %arg19[%mul3A_0] : memref<10240xf32, #tpu.memory_space<vmem_shared>> -> memref<640xf32, #tpu.memory_space<vmem_shared>>
      %dma_wait3A_48 = tpu.memref_slice %arg4[%mul3A_0] : memref<10240xf32, #tpu.memory_space<hbm>> -> memref<640xf32, #tpu.memory_space<hbm>>
      tpu.wait_dma2 semaphore(%run_scoped3A : memref<!tpu.dma_semaphore, #tpu.memory_space<semaphore_mem>>) src(%dma_wait3A_48 : memref<640xf32, #tpu.memory_space<hbm>>) dst(%dma_wait3A : memref<640xf32, #tpu.memory_space<vmem_shared>>)
      tpu.yield
    }) : () -> ()
    "tpu.region"() ({
      %run_scoped3A = tpu.sem_alloc : memref<!tpu.dma_semaphore, #tpu.memory_space<semaphore_mem>>
      tpu.enqueue_dma source(%arg5 : memref<128xf32, #tpu.memory_space<hbm>>) target(%arg18 : memref<128xf32, #tpu.memory_space<vmem>>) target_semaphore(%run_scoped3A : memref<!tpu.dma_semaphore, #tpu.memory_space<semaphore_mem>>)
      tpu.wait_dma2 semaphore(%run_scoped3A : memref<!tpu.dma_semaphore, #tpu.memory_space<semaphore_mem>>) src(%arg5 : memref<128xf32, #tpu.memory_space<hbm>>) dst(%arg18 : memref<128xf32, #tpu.memory_space<vmem>>)
      tpu.yield
    }) : () -> ()
    %barrier3A = arith.constant 0 : index
    tpu.barrier barrier_id(%barrier3A)
    %gt3A = arith.constant 0 : i32
    %gt3A_9 = arith.cmpi sgt, %select_n3A_8, %gt3A : i32
    %convert_element_type3A = arith.extui %gt3A_9 : i1 to i32
    %cond3A = arith.constant 0 : i32
    %cond3A_10 = arith.cmpi ne, %convert_element_type3A, %cond3A : i32
    scf.if %cond3A_10 {
      "tpu.region"() ({
        %run_scoped3A = tpu.sem_alloc : memref<!tpu.dma_semaphore, #tpu.memory_space<semaphore_mem>>
        %dma_start3A_58 = arith.constant 0 : i32
        %dma_start3A_59 = arith.constant 0 : i32
        %dma_start3A_60 = tpu.memref_slice %arg6[%arg1, %select_n3A_3, %dma_start3A_58, %dma_start3A_59] : memref<16x160x2x128xi32, #tpu.memory_space<hbm>> -> memref<1x1x2x128xi32, #tpu.memory_space<hbm>>
        %dma_start3A_61 = tpu.memref_squeeze %dma_start3A_60 : memref<1x1x2x128xi32, #tpu.memory_space<hbm>> -> memref<2x128xi32, #tpu.memory_space<hbm>>
        %dma_start3A_62 = arith.constant 0 : i32
        %dma_start3A_63 = arith.constant 0 : i32
        %dma_start3A_64 = tpu.memref_slice %arg6[%arg1, %select_n3A_3, %dma_start3A_62, %dma_start3A_63] : memref<16x160x2x128xi32, #tpu.memory_space<hbm>> -> memref<1x1x2x128xi32, #tpu.memory_space<hbm>>
        %dma_start3A_65 = tpu.memref_squeeze %dma_start3A_64 : memref<1x1x2x128xi32, #tpu.memory_space<hbm>> -> memref<2x128xi32, #tpu.memory_space<hbm>>
        tpu.enqueue_dma source(%dma_start3A_65 : memref<2x128xi32, #tpu.memory_space<hbm>>) target(%arg9 : memref<2x128xi32, #tpu.memory_space<vmem>>) target_semaphore(%run_scoped3A : memref<!tpu.dma_semaphore, #tpu.memory_space<semaphore_mem>>)
        %dma_wait3A = arith.constant 0 : i32
        %dma_wait3A_66 = arith.constant 0 : i32
        %dma_wait3A_67 = tpu.memref_slice %arg6[%arg1, %select_n3A_3, %dma_wait3A, %dma_wait3A_66] : memref<16x160x2x128xi32, #tpu.memory_space<hbm>> -> memref<1x1x2x128xi32, #tpu.memory_space<hbm>>
        %dma_wait3A_68 = tpu.memref_squeeze %dma_wait3A_67 : memref<1x1x2x128xi32, #tpu.memory_space<hbm>> -> memref<2x128xi32, #tpu.memory_space<hbm>>
        %dma_wait3A_69 = arith.constant 0 : i32
        %dma_wait3A_70 = arith.constant 0 : i32
        %dma_wait3A_71 = tpu.memref_slice %arg6[%arg1, %select_n3A_3, %dma_wait3A_69, %dma_wait3A_70] : memref<16x160x2x128xi32, #tpu.memory_space<hbm>> -> memref<1x1x2x128xi32, #tpu.memory_space<hbm>>
        %dma_wait3A_72 = tpu.memref_squeeze %dma_wait3A_71 : memref<1x1x2x128xi32, #tpu.memory_space<hbm>> -> memref<2x128xi32, #tpu.memory_space<hbm>>
        tpu.wait_dma2 semaphore(%run_scoped3A : memref<!tpu.dma_semaphore, #tpu.memory_space<semaphore_mem>>) src(%dma_wait3A_72 : memref<2x128xi32, #tpu.memory_space<hbm>>) dst(%arg9 : memref<2x128xi32, #tpu.memory_space<vmem>>)
        tpu.yield
      }) : () -> ()
      %gt3A_47 = arith.constant 1 : i32
      %gt3A_48 = arith.cmpi sgt, %select_n3A_8, %gt3A_47 : i32
      %convert_element_type3A_49 = arith.extui %gt3A_48 : i1 to i32
      %cond3A_50 = arith.constant 0 : i32
      %cond3A_51 = arith.cmpi ne, %convert_element_type3A_49, %cond3A_50 : i32
      scf.if %cond3A_51 {
        %add3A_58 = arith.constant 1 : i32
        %add3A_59 = arith.addi %select_n3A_3, %add3A_58 : i32
        %dma_start3A_60 = arith.constant 0 : i32
        %dma_start3A_61 = arith.constant 0 : i32
        %dma_start3A_62 = tpu.memref_slice %arg6[%arg1, %add3A_59, %dma_start3A_60, %dma_start3A_61] : memref<16x160x2x128xi32, #tpu.memory_space<hbm>> -> memref<1x1x2x128xi32, #tpu.memory_space<hbm>>
        %dma_start3A_63 = tpu.memref_squeeze %dma_start3A_62 : memref<1x1x2x128xi32, #tpu.memory_space<hbm>> -> memref<2x128xi32, #tpu.memory_space<hbm>>
        %dma_start3A_64 = arith.constant 0 : i32
        %dma_start3A_65 = arith.constant 0 : i32
        %dma_start3A_66 = tpu.memref_slice %arg6[%arg1, %add3A_59, %dma_start3A_64, %dma_start3A_65] : memref<16x160x2x128xi32, #tpu.memory_space<hbm>> -> memref<1x1x2x128xi32, #tpu.memory_space<hbm>>
        %dma_start3A_67 = tpu.memref_squeeze %dma_start3A_66 : memref<1x1x2x128xi32, #tpu.memory_space<hbm>> -> memref<2x128xi32, #tpu.memory_space<hbm>>
        tpu.enqueue_dma source(%dma_start3A_67 : memref<2x128xi32, #tpu.memory_space<hbm>>) target(%arg10 : memref<2x128xi32, #tpu.memory_space<vmem>>) target_semaphore(%arg15 : memref<!tpu.dma_semaphore, #tpu.memory_space<semaphore_mem>>)
      } else {
      }
      %dma_start3A = arith.constant 0 : i32
      %dma_start3A_52 = arith.constant 0 : i32
      %dma_start3A_53 = tpu.memref_slice %arg9[%dma_start3A, %dma_start3A_52] : memref<2x128xi32, #tpu.memory_space<vmem>> -> memref<1x128xi32, #tpu.memory_space<vmem>>
      %dma_start3A_54 = tpu.memref_squeeze %dma_start3A_53 : memref<1x128xi32, #tpu.memory_space<vmem>> -> memref<128xi32, #tpu.memory_space<vmem>>
      %dma_start3A_55 = arith.constant 0 : i32
      %dma_start3A_56 = arith.constant 0 : i32
      %dma_start3A_57 = tpu.memref_slice %arg2[%dma_start3A_55, %dma_start3A_56] : memref<10240x128xf32, #tpu.memory_space<hbm>> -> memref<10240x128xf32, #tpu.memory_space<hbm>>
      tpu.enqueue_indirect_dma source(%dma_start3A_57 : memref<10240x128xf32, #tpu.memory_space<hbm>>) target(%arg11 : memref<128x128xf32, #tpu.memory_space<vmem>>) offsets(%dma_start3A_54 : memref<128xi32, #tpu.memory_space<vmem>>) semaphore(%arg16 : memref<!tpu.dma_semaphore, #tpu.memory_space<semaphore_mem>>)
    } else {
    }
    %jit3A = arith.constant 2 : i32
    %div3A = arith.divsi %select_n3A_8, %jit3A : i32
    %sign3A = arith.constant 0 : i32
    %sign3A_11 = arith.cmpi sgt, %select_n3A_8, %sign3A : i32
    %sign3A_12 = arith.extui %sign3A_11 : i1 to i32
    %sign3A_13 = arith.constant 0 : i32
    %sign3A_14 = arith.cmpi slt, %select_n3A_8, %sign3A_13 : i32
    %sign3A_15 = arith.extui %sign3A_14 : i1 to i32
    %sign3A_16 = arith.subi %sign3A_12, %sign3A_15 : i32
    %sign3A_17 = arith.constant 0 : i32
    %sign3A_18 = arith.cmpi sgt, %jit3A, %sign3A_17 : i32
    %sign3A_19 = arith.extui %sign3A_18 : i1 to i32
    %sign3A_20 = arith.constant 0 : i32
    %sign3A_21 = arith.cmpi slt, %jit3A, %sign3A_20 : i32
    %sign3A_22 = arith.extui %sign3A_21 : i1 to i32
    %sign3A_23 = arith.subi %sign3A_19, %sign3A_22 : i32
    %ne3A = arith.cmpi ne, %sign3A_16, %sign3A_23 : i32
    %rem3A = arith.remsi %select_n3A_8, %jit3A : i32
    %ne3A_24 = arith.constant 0 : i32
    %ne3A_25 = arith.cmpi ne, %rem3A, %ne3A_24 : i32
    %and3A = arith.andi %ne3A, %ne3A_25 : i1
    %sub3A = arith.constant 1 : i32
    %sub3A_26 = arith.subi %div3A, %sub3A : i32
    %select_n3A_27 = arith.select %and3A, %sub3A_26, %div3A : i32
    %sub3A_28 = arith.constant 0 : i32
    %sub3A_29 = arith.subi %select_n3A_27, %sub3A_28 : i32
    %sub3A_30 = arith.constant 1 : i32
    %sub3A_31 = arith.constant 1 : i32
    %sub3A_32 = arith.subi %sub3A_30, %sub3A_31 : i32
    %add3A_33 = arith.addi %sub3A_29, %sub3A_32 : i32
    %div3A_34 = arith.constant 1 : i32
    %div3A_35 = arith.divsi %add3A_33, %div3A_34 : i32
    %while3A = arith.constant 1 : i32
    %while3A_36 = arith.constant 0 : i32
    %while3A_37 = arith.constant 0 : i32
    %while3A_38 = arith.subi %div3A_35, %while3A_37 : i32
    %while3A_39 = arith.addi %while3A_37, %while3A_38 : i32
    %while3A_40 = arith.constant 1 : i32
    %while3A_41 = arith.divsi %while3A_38, %while3A_40 : i32
    %while3A_42 = arith.muli %while3A_41, %while3A_40 : i32
    %while3A_43 = arith.addi %while3A_37, %while3A_42 : i32
    %while3A_44 = arith.constant 1 : i32
    scf.for %while3A_47 = %while3A_37 to %while3A_43 step %while3A_44  : i32 {
      %mul3A_48 = arith.muli %while3A_47, %while3A : i32
      %add3A_49 = arith.addi %while3A_36, %mul3A_48 : i32
      %mul3A_50 = arith.constant 2 : i32
      %mul3A_51 = arith.muli %mul3A_50, %add3A_49 : i32
      %add3A_52 = arith.addi %select_n3A_3, %mul3A_51 : i32
      %add3A_53 = arith.constant 0 : i32
      %add3A_54 = arith.addi %add3A_52, %add3A_53 : i32
      %add3A_55 = arith.constant 1 : i32
      %add3A_56 = arith.addi %add3A_54, %add3A_55 : i32
      %lt3A = arith.cmpi slt, %add3A_56, %add3A : i32
      %convert_element_type3A_57 = arith.extui %lt3A : i1 to i32
      %cond3A_58 = arith.constant 0 : i32
      %cond3A_59 = arith.cmpi ne, %convert_element_type3A_57, %cond3A_58 : i32
      scf.if %cond3A_59 {
        %add3A_99 = arith.constant 1 : i32
        %add3A_100 = arith.addi %add3A_54, %add3A_99 : i32
        %dma_wait3A_101 = arith.constant 0 : i32
        %dma_wait3A_102 = arith.constant 0 : i32
        %dma_wait3A_103 = tpu.memref_slice %arg6[%arg1, %add3A_100, %dma_wait3A_101, %dma_wait3A_102] : memref<16x160x2x128xi32, #tpu.memory_space<hbm>> -> memref<1x1x2x128xi32, #tpu.memory_space<hbm>>
        %dma_wait3A_104 = tpu.memref_squeeze %dma_wait3A_103 : memref<1x1x2x128xi32, #tpu.memory_space<hbm>> -> memref<2x128xi32, #tpu.memory_space<hbm>>
        %dma_wait3A_105 = arith.constant 0 : i32
        %dma_wait3A_106 = arith.constant 0 : i32
        %dma_wait3A_107 = tpu.memref_slice %arg6[%arg1, %add3A_100, %dma_wait3A_105, %dma_wait3A_106] : memref<16x160x2x128xi32, #tpu.memory_space<hbm>> -> memref<1x1x2x128xi32, #tpu.memory_space<hbm>>
        %dma_wait3A_108 = tpu.memref_squeeze %dma_wait3A_107 : memref<1x1x2x128xi32, #tpu.memory_space<hbm>> -> memref<2x128xi32, #tpu.memory_space<hbm>>
        tpu.wait_dma2 semaphore(%arg15 : memref<!tpu.dma_semaphore, #tpu.memory_space<semaphore_mem>>) src(%dma_wait3A_108 : memref<2x128xi32, #tpu.memory_space<hbm>>) dst(%arg10 : memref<2x128xi32, #tpu.memory_space<vmem>>)
        %dma_start3A = arith.constant 0 : i32
        %dma_start3A_109 = arith.constant 0 : i32
        %dma_start3A_110 = tpu.memref_slice %arg10[%dma_start3A, %dma_start3A_109] : memref<2x128xi32, #tpu.memory_space<vmem>> -> memref<1x128xi32, #tpu.memory_space<vmem>>
        %dma_start3A_111 = tpu.memref_squeeze %dma_start3A_110 : memref<1x128xi32, #tpu.memory_space<vmem>> -> memref<128xi32, #tpu.memory_space<vmem>>
        %dma_start3A_112 = arith.constant 0 : i32
        %dma_start3A_113 = arith.constant 0 : i32
        %dma_start3A_114 = tpu.memref_slice %arg2[%dma_start3A_112, %dma_start3A_113] : memref<10240x128xf32, #tpu.memory_space<hbm>> -> memref<10240x128xf32, #tpu.memory_space<hbm>>
        tpu.enqueue_indirect_dma source(%dma_start3A_114 : memref<10240x128xf32, #tpu.memory_space<hbm>>) target(%arg12 : memref<128x128xf32, #tpu.memory_space<vmem>>) offsets(%dma_start3A_111 : memref<128xi32, #tpu.memory_space<vmem>>) semaphore(%arg17 : memref<!tpu.dma_semaphore, #tpu.memory_space<semaphore_mem>>)
      } else {
      }
      %dma_wait3A = arith.constant 0 : i32
      %dma_wait3A_60 = arith.constant 0 : i32
      %dma_wait3A_61 = tpu.memref_slice %arg9[%dma_wait3A, %dma_wait3A_60] : memref<2x128xi32, #tpu.memory_space<vmem>> -> memref<1x128xi32, #tpu.memory_space<vmem>>
      %dma_wait3A_62 = tpu.memref_squeeze %dma_wait3A_61 : memref<1x128xi32, #tpu.memory_space<vmem>> -> memref<128xi32, #tpu.memory_space<vmem>>
      %dma_wait3A_63 = arith.constant 0 : i32
      %dma_wait3A_64 = arith.constant 0 : i32
      %dma_wait3A_65 = tpu.memref_slice %arg2[%dma_wait3A_63, %dma_wait3A_64] : memref<10240x128xf32, #tpu.memory_space<hbm>> -> memref<10240x128xf32, #tpu.memory_space<hbm>>
      tpu.wait_indirect_dma semaphore(%arg16 : memref<!tpu.dma_semaphore, #tpu.memory_space<semaphore_mem>>) src(%dma_wait3A_65 : memref<10240x128xf32, #tpu.memory_space<hbm>>) dst(%arg11 : memref<128x128xf32, #tpu.memory_space<vmem>>)
      %run_scoped3A = arith.constant 1 : i32
      "tpu.region"() ({
        %run_scoped3A_99 = tpu.sem_alloc : memref<!tpu.dma_semaphore, #tpu.memory_space<semaphore_mem>>
        %dma_start3A = arith.constant 0 : i32
        %dma_start3A_100 = tpu.memref_slice %arg9[%run_scoped3A, %dma_start3A] : memref<2x128xi32, #tpu.memory_space<vmem>> -> memref<1x128xi32, #tpu.memory_space<vmem>>
        %dma_start3A_101 = tpu.memref_squeeze %dma_start3A_100 : memref<1x128xi32, #tpu.memory_space<vmem>> -> memref<128xi32, #tpu.memory_space<vmem>>
        %dma_start3A_102 = arith.constant 0 : i32
        %dma_start3A_103 = arith.constant 0 : i32
        %dma_start3A_104 = tpu.memref_slice %arg13[%dma_start3A_102, %dma_start3A_103] : memref<10240x128xf32, #tpu.memory_space<vmem_shared>> -> memref<10240x128xf32, #tpu.memory_space<vmem_shared>>
        tpu.enqueue_indirect_dma source(%arg11 : memref<128x128xf32, #tpu.memory_space<vmem>>) target(%dma_start3A_104 : memref<10240x128xf32, #tpu.memory_space<vmem_shared>>) offsets(%dma_start3A_101 : memref<128xi32, #tpu.memory_space<vmem>>) semaphore(%run_scoped3A_99 : memref<!tpu.dma_semaphore, #tpu.memory_space<semaphore_mem>>) {add = true}
        %dma_wait3A_105 = arith.constant 0 : i32
        %dma_wait3A_106 = tpu.memref_slice %arg9[%run_scoped3A, %dma_wait3A_105] : memref<2x128xi32, #tpu.memory_space<vmem>> -> memref<1x128xi32, #tpu.memory_space<vmem>>
        %dma_wait3A_107 = tpu.memref_squeeze %dma_wait3A_106 : memref<1x128xi32, #tpu.memory_space<vmem>> -> memref<128xi32, #tpu.memory_space<vmem>>
        %dma_wait3A_108 = arith.constant 0 : i32
        %dma_wait3A_109 = arith.constant 0 : i32
        %dma_wait3A_110 = tpu.memref_slice %arg13[%dma_wait3A_108, %dma_wait3A_109] : memref<10240x128xf32, #tpu.memory_space<vmem_shared>> -> memref<10240x128xf32, #tpu.memory_space<vmem_shared>>
        tpu.wait_indirect_dma semaphore(%run_scoped3A_99 : memref<!tpu.dma_semaphore, #tpu.memory_space<semaphore_mem>>) src(%arg11 : memref<128x128xf32, #tpu.memory_space<vmem>>) dst(%dma_wait3A_110 : memref<10240x128xf32, #tpu.memory_space<vmem_shared>>)
        tpu.yield
      }) : () -> ()
      %run_scoped3A_66 = arith.constant 1 : i32
      "tpu.region"() ({
        %run_scoped3A_99 = tpu.sem_alloc : memref<!tpu.dma_semaphore, #tpu.memory_space<semaphore_mem>>
        %dma_start3A = arith.constant 0 : i32
        %dma_start3A_100 = tpu.memref_slice %arg9[%run_scoped3A_66, %dma_start3A] : memref<2x128xi32, #tpu.memory_space<vmem>> -> memref<1x128xi32, #tpu.memory_space<vmem>>
        %dma_start3A_101 = tpu.memref_squeeze %dma_start3A_100 : memref<1x128xi32, #tpu.memory_space<vmem>> -> memref<128xi32, #tpu.memory_space<vmem>>
        %dma_start3A_102 = arith.constant 0 : i32
        %dma_start3A_103 = tpu.memref_slice %arg19[%dma_start3A_102] : memref<10240xf32, #tpu.memory_space<vmem_shared>> -> memref<10240xf32, #tpu.memory_space<vmem_shared>>
        tpu.enqueue_indirect_dma source(%arg18 : memref<128xf32, #tpu.memory_space<vmem>>) target(%dma_start3A_103 : memref<10240xf32, #tpu.memory_space<vmem_shared>>) offsets(%dma_start3A_101 : memref<128xi32, #tpu.memory_space<vmem>>) semaphore(%run_scoped3A_99 : memref<!tpu.dma_semaphore, #tpu.memory_space<semaphore_mem>>) {add = true}
        %dma_wait3A_104 = arith.constant 0 : i32
        %dma_wait3A_105 = tpu.memref_slice %arg9[%run_scoped3A_66, %dma_wait3A_104] : memref<2x128xi32, #tpu.memory_space<vmem>> -> memref<1x128xi32, #tpu.memory_space<vmem>>
        %dma_wait3A_106 = tpu.memref_squeeze %dma_wait3A_105 : memref<1x128xi32, #tpu.memory_space<vmem>> -> memref<128xi32, #tpu.memory_space<vmem>>
        %dma_wait3A_107 = arith.constant 0 : i32
        %dma_wait3A_108 = tpu.memref_slice %arg19[%dma_wait3A_107] : memref<10240xf32, #tpu.memory_space<vmem_shared>> -> memref<10240xf32, #tpu.memory_space<vmem_shared>>
        tpu.wait_indirect_dma semaphore(%run_scoped3A_99 : memref<!tpu.dma_semaphore, #tpu.memory_space<semaphore_mem>>) src(%arg18 : memref<128xf32, #tpu.memory_space<vmem>>) dst(%dma_wait3A_108 : memref<10240xf32, #tpu.memory_space<vmem_shared>>)
        tpu.yield
      }) : () -> ()
      %add3A_67 = arith.constant 2 : i32
      %add3A_68 = arith.addi %add3A_54, %add3A_67 : i32
      %lt3A_69 = arith.cmpi slt, %add3A_68, %add3A : i32
      %convert_element_type3A_70 = arith.extui %lt3A_69 : i1 to i32
      %cond3A_71 = arith.constant 0 : i32
      %cond3A_72 = arith.cmpi ne, %convert_element_type3A_70, %cond3A_71 : i32
      scf.if %cond3A_72 {
        %add3A_99 = arith.constant 2 : i32
        %add3A_100 = arith.addi %add3A_54, %add3A_99 : i32
        %dma_start3A = arith.constant 0 : i32
        %dma_start3A_101 = arith.constant 0 : i32
        %dma_start3A_102 = tpu.memref_slice %arg6[%arg1, %add3A_100, %dma_start3A, %dma_start3A_101] : memref<16x160x2x128xi32, #tpu.memory_space<hbm>> -> memref<1x1x2x128xi32, #tpu.memory_space<hbm>>
        %dma_start3A_103 = tpu.memref_squeeze %dma_start3A_102 : memref<1x1x2x128xi32, #tpu.memory_space<hbm>> -> memref<2x128xi32, #tpu.memory_space<hbm>>
        %dma_start3A_104 = arith.constant 0 : i32
        %dma_start3A_105 = arith.constant 0 : i32
        %dma_start3A_106 = tpu.memref_slice %arg6[%arg1, %add3A_100, %dma_start3A_104, %dma_start3A_105] : memref<16x160x2x128xi32, #tpu.memory_space<hbm>> -> memref<1x1x2x128xi32, #tpu.memory_space<hbm>>
        %dma_start3A_107 = tpu.memref_squeeze %dma_start3A_106 : memref<1x1x2x128xi32, #tpu.memory_space<hbm>> -> memref<2x128xi32, #tpu.memory_space<hbm>>
        tpu.enqueue_dma source(%dma_start3A_107 : memref<2x128xi32, #tpu.memory_space<hbm>>) target(%arg9 : memref<2x128xi32, #tpu.memory_space<vmem>>) target_semaphore(%arg14 : memref<!tpu.dma_semaphore, #tpu.memory_space<semaphore_mem>>)
      } else {
      }
      %mul3A_73 = arith.constant 2 : i32
      %mul3A_74 = arith.muli %mul3A_73, %add3A_49 : i32
      %add3A_75 = arith.addi %select_n3A_3, %mul3A_74 : i32
      %add3A_76 = arith.constant 1 : i32
      %add3A_77 = arith.addi %add3A_75, %add3A_76 : i32
      %add3A_78 = arith.constant 1 : i32
      %add3A_79 = arith.addi %add3A_77, %add3A_78 : i32
      %lt3A_80 = arith.cmpi slt, %add3A_79, %add3A : i32
      %convert_element_type3A_81 = arith.extui %lt3A_80 : i1 to i32
      %cond3A_82 = arith.constant 0 : i32
      %cond3A_83 = arith.cmpi ne, %convert_element_type3A_81, %cond3A_82 : i32
      scf.if %cond3A_83 {
        %add3A_99 = arith.constant 1 : i32
        %add3A_100 = arith.addi %add3A_77, %add3A_99 : i32
        %dma_wait3A_101 = arith.constant 0 : i32
        %dma_wait3A_102 = arith.constant 0 : i32
        %dma_wait3A_103 = tpu.memref_slice %arg6[%arg1, %add3A_100, %dma_wait3A_101, %dma_wait3A_102] : memref<16x160x2x128xi32, #tpu.memory_space<hbm>> -> memref<1x1x2x128xi32, #tpu.memory_space<hbm>>
        %dma_wait3A_104 = tpu.memref_squeeze %dma_wait3A_103 : memref<1x1x2x128xi32, #tpu.memory_space<hbm>> -> memref<2x128xi32, #tpu.memory_space<hbm>>
        %dma_wait3A_105 = arith.constant 0 : i32
        %dma_wait3A_106 = arith.constant 0 : i32
        %dma_wait3A_107 = tpu.memref_slice %arg6[%arg1, %add3A_100, %dma_wait3A_105, %dma_wait3A_106] : memref<16x160x2x128xi32, #tpu.memory_space<hbm>> -> memref<1x1x2x128xi32, #tpu.memory_space<hbm>>
        %dma_wait3A_108 = tpu.memref_squeeze %dma_wait3A_107 : memref<1x1x2x128xi32, #tpu.memory_space<hbm>> -> memref<2x128xi32, #tpu.memory_space<hbm>>
        tpu.wait_dma2 semaphore(%arg14 : memref<!tpu.dma_semaphore, #tpu.memory_space<semaphore_mem>>) src(%dma_wait3A_108 : memref<2x128xi32, #tpu.memory_space<hbm>>) dst(%arg9 : memref<2x128xi32, #tpu.memory_space<vmem>>)
        %dma_start3A = arith.constant 0 : i32
        %dma_start3A_109 = arith.constant 0 : i32
        %dma_start3A_110 = tpu.memref_slice %arg9[%dma_start3A, %dma_start3A_109] : memref<2x128xi32, #tpu.memory_space<vmem>> -> memref<1x128xi32, #tpu.memory_space<vmem>>
        %dma_start3A_111 = tpu.memref_squeeze %dma_start3A_110 : memref<1x128xi32, #tpu.memory_space<vmem>> -> memref<128xi32, #tpu.memory_space<vmem>>
        %dma_start3A_112 = arith.constant 0 : i32
        %dma_start3A_113 = arith.constant 0 : i32
        %dma_start3A_114 = tpu.memref_slice %arg2[%dma_start3A_112, %dma_start3A_113] : memref<10240x128xf32, #tpu.memory_space<hbm>> -> memref<10240x128xf32, #tpu.memory_space<hbm>>
        tpu.enqueue_indirect_dma source(%dma_start3A_114 : memref<10240x128xf32, #tpu.memory_space<hbm>>) target(%arg11 : memref<128x128xf32, #tpu.memory_space<vmem>>) offsets(%dma_start3A_111 : memref<128xi32, #tpu.memory_space<vmem>>) semaphore(%arg16 : memref<!tpu.dma_semaphore, #tpu.memory_space<semaphore_mem>>)
      } else {
      }
      %dma_wait3A_84 = arith.constant 0 : i32
      %dma_wait3A_85 = arith.constant 0 : i32
      %dma_wait3A_86 = tpu.memref_slice %arg10[%dma_wait3A_84, %dma_wait3A_85] : memref<2x128xi32, #tpu.memory_space<vmem>> -> memref<1x128xi32, #tpu.memory_space<vmem>>
      %dma_wait3A_87 = tpu.memref_squeeze %dma_wait3A_86 : memref<1x128xi32, #tpu.memory_space<vmem>> -> memref<128xi32, #tpu.memory_space<vmem>>
      %dma_wait3A_88 = arith.constant 0 : i32
      %dma_wait3A_89 = arith.constant 0 : i32
      %dma_wait3A_90 = tpu.memref_slice %arg2[%dma_wait3A_88, %dma_wait3A_89] : memref<10240x128xf32, #tpu.memory_space<hbm>> -> memref<10240x128xf32, #tpu.memory_space<hbm>>
      tpu.wait_indirect_dma semaphore(%arg17 : memref<!tpu.dma_semaphore, #tpu.memory_space<semaphore_mem>>) src(%dma_wait3A_90 : memref<10240x128xf32, #tpu.memory_space<hbm>>) dst(%arg12 : memref<128x128xf32, #tpu.memory_space<vmem>>)
      %run_scoped3A_91 = arith.constant 1 : i32
      "tpu.region"() ({
        %run_scoped3A_99 = tpu.sem_alloc : memref<!tpu.dma_semaphore, #tpu.memory_space<semaphore_mem>>
        %dma_start3A = arith.constant 0 : i32
        %dma_start3A_100 = tpu.memref_slice %arg10[%run_scoped3A_91, %dma_start3A] : memref<2x128xi32, #tpu.memory_space<vmem>> -> memref<1x128xi32, #tpu.memory_space<vmem>>
        %dma_start3A_101 = tpu.memref_squeeze %dma_start3A_100 : memref<1x128xi32, #tpu.memory_space<vmem>> -> memref<128xi32, #tpu.memory_space<vmem>>
        %dma_start3A_102 = arith.constant 0 : i32
        %dma_start3A_103 = arith.constant 0 : i32
        %dma_start3A_104 = tpu.memref_slice %arg13[%dma_start3A_102, %dma_start3A_103] : memref<10240x128xf32, #tpu.memory_space<vmem_shared>> -> memref<10240x128xf32, #tpu.memory_space<vmem_shared>>
        tpu.enqueue_indirect_dma source(%arg12 : memref<128x128xf32, #tpu.memory_space<vmem>>) target(%dma_start3A_104 : memref<10240x128xf32, #tpu.memory_space<vmem_shared>>) offsets(%dma_start3A_101 : memref<128xi32, #tpu.memory_space<vmem>>) semaphore(%run_scoped3A_99 : memref<!tpu.dma_semaphore, #tpu.memory_space<semaphore_mem>>) {add = true}
        %dma_wait3A_105 = arith.constant 0 : i32
        %dma_wait3A_106 = tpu.memref_slice %arg10[%run_scoped3A_91, %dma_wait3A_105] : memref<2x128xi32, #tpu.memory_space<vmem>> -> memref<1x128xi32, #tpu.memory_space<vmem>>
        %dma_wait3A_107 = tpu.memref_squeeze %dma_wait3A_106 : memref<1x128xi32, #tpu.memory_space<vmem>> -> memref<128xi32, #tpu.memory_space<vmem>>
        %dma_wait3A_108 = arith.constant 0 : i32
        %dma_wait3A_109 = arith.constant 0 : i32
        %dma_wait3A_110 = tpu.memref_slice %arg13[%dma_wait3A_108, %dma_wait3A_109] : memref<10240x128xf32, #tpu.memory_space<vmem_shared>> -> memref<10240x128xf32, #tpu.memory_space<vmem_shared>>
        tpu.wait_indirect_dma semaphore(%run_scoped3A_99 : memref<!tpu.dma_semaphore, #tpu.memory_space<semaphore_mem>>) src(%arg12 : memref<128x128xf32, #tpu.memory_space<vmem>>) dst(%dma_wait3A_110 : memref<10240x128xf32, #tpu.memory_space<vmem_shared>>)
        tpu.yield
      }) : () -> ()
      %run_scoped3A_92 = arith.constant 1 : i32
      "tpu.region"() ({
        %run_scoped3A_99 = tpu.sem_alloc : memref<!tpu.dma_semaphore, #tpu.memory_space<semaphore_mem>>
        %dma_start3A = arith.constant 0 : i32
        %dma_start3A_100 = tpu.memref_slice %arg10[%run_scoped3A_92, %dma_start3A] : memref<2x128xi32, #tpu.memory_space<vmem>> -> memref<1x128xi32, #tpu.memory_space<vmem>>
        %dma_start3A_101 = tpu.memref_squeeze %dma_start3A_100 : memref<1x128xi32, #tpu.memory_space<vmem>> -> memref<128xi32, #tpu.memory_space<vmem>>
        %dma_start3A_102 = arith.constant 0 : i32
        %dma_start3A_103 = tpu.memref_slice %arg19[%dma_start3A_102] : memref<10240xf32, #tpu.memory_space<vmem_shared>> -> memref<10240xf32, #tpu.memory_space<vmem_shared>>
        tpu.enqueue_indirect_dma source(%arg18 : memref<128xf32, #tpu.memory_space<vmem>>) target(%dma_start3A_103 : memref<10240xf32, #tpu.memory_space<vmem_shared>>) offsets(%dma_start3A_101 : memref<128xi32, #tpu.memory_space<vmem>>) semaphore(%run_scoped3A_99 : memref<!tpu.dma_semaphore, #tpu.memory_space<semaphore_mem>>) {add = true}
        %dma_wait3A_104 = arith.constant 0 : i32
        %dma_wait3A_105 = tpu.memref_slice %arg10[%run_scoped3A_92, %dma_wait3A_104] : memref<2x128xi32, #tpu.memory_space<vmem>> -> memref<1x128xi32, #tpu.memory_space<vmem>>
        %dma_wait3A_106 = tpu.memref_squeeze %dma_wait3A_105 : memref<1x128xi32, #tpu.memory_space<vmem>> -> memref<128xi32, #tpu.memory_space<vmem>>
        %dma_wait3A_107 = arith.constant 0 : i32
        %dma_wait3A_108 = tpu.memref_slice %arg19[%dma_wait3A_107] : memref<10240xf32, #tpu.memory_space<vmem_shared>> -> memref<10240xf32, #tpu.memory_space<vmem_shared>>
        tpu.wait_indirect_dma semaphore(%run_scoped3A_99 : memref<!tpu.dma_semaphore, #tpu.memory_space<semaphore_mem>>) src(%arg18 : memref<128xf32, #tpu.memory_space<vmem>>) dst(%dma_wait3A_108 : memref<10240xf32, #tpu.memory_space<vmem_shared>>)
        tpu.yield
      }) : () -> ()
      %add3A_93 = arith.constant 2 : i32
      %add3A_94 = arith.addi %add3A_77, %add3A_93 : i32
      %lt3A_95 = arith.cmpi slt, %add3A_94, %add3A : i32
      %convert_element_type3A_96 = arith.extui %lt3A_95 : i1 to i32
      %cond3A_97 = arith.constant 0 : i32
      %cond3A_98 = arith.cmpi ne, %convert_element_type3A_96, %cond3A_97 : i32
      scf.if %cond3A_98 {
        %add3A_99 = arith.constant 2 : i32
        %add3A_100 = arith.addi %add3A_77, %add3A_99 : i32
        %dma_start3A = arith.constant 0 : i32
        %dma_start3A_101 = arith.constant 0 : i32
        %dma_start3A_102 = tpu.memref_slice %arg6[%arg1, %add3A_100, %dma_start3A, %dma_start3A_101] : memref<16x160x2x128xi32, #tpu.memory_space<hbm>> -> memref<1x1x2x128xi32, #tpu.memory_space<hbm>>
        %dma_start3A_103 = tpu.memref_squeeze %dma_start3A_102 : memref<1x1x2x128xi32, #tpu.memory_space<hbm>> -> memref<2x128xi32, #tpu.memory_space<hbm>>
        %dma_start3A_104 = arith.constant 0 : i32
        %dma_start3A_105 = arith.constant 0 : i32
        %dma_start3A_106 = tpu.memref_slice %arg6[%arg1, %add3A_100, %dma_start3A_104, %dma_start3A_105] : memref<16x160x2x128xi32, #tpu.memory_space<hbm>> -> memref<1x1x2x128xi32, #tpu.memory_space<hbm>>
        %dma_start3A_107 = tpu.memref_squeeze %dma_start3A_106 : memref<1x1x2x128xi32, #tpu.memory_space<hbm>> -> memref<2x128xi32, #tpu.memory_space<hbm>>
        tpu.enqueue_dma source(%dma_start3A_107 : memref<2x128xi32, #tpu.memory_space<hbm>>) target(%arg10 : memref<2x128xi32, #tpu.memory_space<vmem>>) target_semaphore(%arg15 : memref<!tpu.dma_semaphore, #tpu.memory_space<semaphore_mem>>)
      } else {
      }
    }
    %while3A_45 = arith.constant 1 : i32
    scf.for %while3A_47 = %while3A_43 to %while3A_39 step %while3A_45  : i32 {
      %mul3A_48 = arith.muli %while3A_47, %while3A : i32
      %add3A_49 = arith.addi %while3A_36, %mul3A_48 : i32
      %mul3A_50 = arith.constant 2 : i32
      %mul3A_51 = arith.muli %mul3A_50, %add3A_49 : i32
      %add3A_52 = arith.addi %select_n3A_3, %mul3A_51 : i32
      %add3A_53 = arith.constant 0 : i32
      %add3A_54 = arith.addi %add3A_52, %add3A_53 : i32
      %add3A_55 = arith.constant 1 : i32
      %add3A_56 = arith.addi %add3A_54, %add3A_55 : i32
      %lt3A = arith.cmpi slt, %add3A_56, %add3A : i32
      %convert_element_type3A_57 = arith.extui %lt3A : i1 to i32
      %cond3A_58 = arith.constant 0 : i32
      %cond3A_59 = arith.cmpi ne, %convert_element_type3A_57, %cond3A_58 : i32
      scf.if %cond3A_59 {
        %add3A_99 = arith.constant 1 : i32
        %add3A_100 = arith.addi %add3A_54, %add3A_99 : i32
        %dma_wait3A_101 = arith.constant 0 : i32
        %dma_wait3A_102 = arith.constant 0 : i32
        %dma_wait3A_103 = tpu.memref_slice %arg6[%arg1, %add3A_100, %dma_wait3A_101, %dma_wait3A_102] : memref<16x160x2x128xi32, #tpu.memory_space<hbm>> -> memref<1x1x2x128xi32, #tpu.memory_space<hbm>>
        %dma_wait3A_104 = tpu.memref_squeeze %dma_wait3A_103 : memref<1x1x2x128xi32, #tpu.memory_space<hbm>> -> memref<2x128xi32, #tpu.memory_space<hbm>>
        %dma_wait3A_105 = arith.constant 0 : i32
        %dma_wait3A_106 = arith.constant 0 : i32
        %dma_wait3A_107 = tpu.memref_slice %arg6[%arg1, %add3A_100, %dma_wait3A_105, %dma_wait3A_106] : memref<16x160x2x128xi32, #tpu.memory_space<hbm>> -> memref<1x1x2x128xi32, #tpu.memory_space<hbm>>
        %dma_wait3A_108 = tpu.memref_squeeze %dma_wait3A_107 : memref<1x1x2x128xi32, #tpu.memory_space<hbm>> -> memref<2x128xi32, #tpu.memory_space<hbm>>
        tpu.wait_dma2 semaphore(%arg15 : memref<!tpu.dma_semaphore, #tpu.memory_space<semaphore_mem>>) src(%dma_wait3A_108 : memref<2x128xi32, #tpu.memory_space<hbm>>) dst(%arg10 : memref<2x128xi32, #tpu.memory_space<vmem>>)
        %dma_start3A = arith.constant 0 : i32
        %dma_start3A_109 = arith.constant 0 : i32
        %dma_start3A_110 = tpu.memref_slice %arg10[%dma_start3A, %dma_start3A_109] : memref<2x128xi32, #tpu.memory_space<vmem>> -> memref<1x128xi32, #tpu.memory_space<vmem>>
        %dma_start3A_111 = tpu.memref_squeeze %dma_start3A_110 : memref<1x128xi32, #tpu.memory_space<vmem>> -> memref<128xi32, #tpu.memory_space<vmem>>
        %dma_start3A_112 = arith.constant 0 : i32
        %dma_start3A_113 = arith.constant 0 : i32
        %dma_start3A_114 = tpu.memref_slice %arg2[%dma_start3A_112, %dma_start3A_113] : memref<10240x128xf32, #tpu.memory_space<hbm>> -> memref<10240x128xf32, #tpu.memory_space<hbm>>
        tpu.enqueue_indirect_dma source(%dma_start3A_114 : memref<10240x128xf32, #tpu.memory_space<hbm>>) target(%arg12 : memref<128x128xf32, #tpu.memory_space<vmem>>) offsets(%dma_start3A_111 : memref<128xi32, #tpu.memory_space<vmem>>) semaphore(%arg17 : memref<!tpu.dma_semaphore, #tpu.memory_space<semaphore_mem>>)
      } else {
      }
      %dma_wait3A = arith.constant 0 : i32
      %dma_wait3A_60 = arith.constant 0 : i32
      %dma_wait3A_61 = tpu.memref_slice %arg9[%dma_wait3A, %dma_wait3A_60] : memref<2x128xi32, #tpu.memory_space<vmem>> -> memref<1x128xi32, #tpu.memory_space<vmem>>
      %dma_wait3A_62 = tpu.memref_squeeze %dma_wait3A_61 : memref<1x128xi32, #tpu.memory_space<vmem>> -> memref<128xi32, #tpu.memory_space<vmem>>
      %dma_wait3A_63 = arith.constant 0 : i32
      %dma_wait3A_64 = arith.constant 0 : i32
      %dma_wait3A_65 = tpu.memref_slice %arg2[%dma_wait3A_63, %dma_wait3A_64] : memref<10240x128xf32, #tpu.memory_space<hbm>> -> memref<10240x128xf32, #tpu.memory_space<hbm>>
      tpu.wait_indirect_dma semaphore(%arg16 : memref<!tpu.dma_semaphore, #tpu.memory_space<semaphore_mem>>) src(%dma_wait3A_65 : memref<10240x128xf32, #tpu.memory_space<hbm>>) dst(%arg11 : memref<128x128xf32, #tpu.memory_space<vmem>>)
      %run_scoped3A = arith.constant 1 : i32
      "tpu.region"() ({
        %run_scoped3A_99 = tpu.sem_alloc : memref<!tpu.dma_semaphore, #tpu.memory_space<semaphore_mem>>
        %dma_start3A = arith.constant 0 : i32
        %dma_start3A_100 = tpu.memref_slice %arg9[%run_scoped3A, %dma_start3A] : memref<2x128xi32, #tpu.memory_space<vmem>> -> memref<1x128xi32, #tpu.memory_space<vmem>>
        %dma_start3A_101 = tpu.memref_squeeze %dma_start3A_100 : memref<1x128xi32, #tpu.memory_space<vmem>> -> memref<128xi32, #tpu.memory_space<vmem>>
        %dma_start3A_102 = arith.constant 0 : i32
        %dma_start3A_103 = arith.constant 0 : i32
        %dma_start3A_104 = tpu.memref_slice %arg13[%dma_start3A_102, %dma_start3A_103] : memref<10240x128xf32, #tpu.memory_space<vmem_shared>> -> memref<10240x128xf32, #tpu.memory_space<vmem_shared>>
        tpu.enqueue_indirect_dma source(%arg11 : memref<128x128xf32, #tpu.memory_space<vmem>>) target(%dma_start3A_104 : memref<10240x128xf32, #tpu.memory_space<vmem_shared>>) offsets(%dma_start3A_101 : memref<128xi32, #tpu.memory_space<vmem>>) semaphore(%run_scoped3A_99 : memref<!tpu.dma_semaphore, #tpu.memory_space<semaphore_mem>>) {add = true}
        %dma_wait3A_105 = arith.constant 0 : i32
        %dma_wait3A_106 = tpu.memref_slice %arg9[%run_scoped3A, %dma_wait3A_105] : memref<2x128xi32, #tpu.memory_space<vmem>> -> memref<1x128xi32, #tpu.memory_space<vmem>>
        %dma_wait3A_107 = tpu.memref_squeeze %dma_wait3A_106 : memref<1x128xi32, #tpu.memory_space<vmem>> -> memref<128xi32, #tpu.memory_space<vmem>>
        %dma_wait3A_108 = arith.constant 0 : i32
        %dma_wait3A_109 = arith.constant 0 : i32
        %dma_wait3A_110 = tpu.memref_slice %arg13[%dma_wait3A_108, %dma_wait3A_109] : memref<10240x128xf32, #tpu.memory_space<vmem_shared>> -> memref<10240x128xf32, #tpu.memory_space<vmem_shared>>
        tpu.wait_indirect_dma semaphore(%run_scoped3A_99 : memref<!tpu.dma_semaphore, #tpu.memory_space<semaphore_mem>>) src(%arg11 : memref<128x128xf32, #tpu.memory_space<vmem>>) dst(%dma_wait3A_110 : memref<10240x128xf32, #tpu.memory_space<vmem_shared>>)
        tpu.yield
      }) : () -> ()
      %run_scoped3A_66 = arith.constant 1 : i32
      "tpu.region"() ({
        %run_scoped3A_99 = tpu.sem_alloc : memref<!tpu.dma_semaphore, #tpu.memory_space<semaphore_mem>>
        %dma_start3A = arith.constant 0 : i32
        %dma_start3A_100 = tpu.memref_slice %arg9[%run_scoped3A_66, %dma_start3A] : memref<2x128xi32, #tpu.memory_space<vmem>> -> memref<1x128xi32, #tpu.memory_space<vmem>>
        %dma_start3A_101 = tpu.memref_squeeze %dma_start3A_100 : memref<1x128xi32, #tpu.memory_space<vmem>> -> memref<128xi32, #tpu.memory_space<vmem>>
        %dma_start3A_102 = arith.constant 0 : i32
        %dma_start3A_103 = tpu.memref_slice %arg19[%dma_start3A_102] : memref<10240xf32, #tpu.memory_space<vmem_shared>> -> memref<10240xf32, #tpu.memory_space<vmem_shared>>
        tpu.enqueue_indirect_dma source(%arg18 : memref<128xf32, #tpu.memory_space<vmem>>) target(%dma_start3A_103 : memref<10240xf32, #tpu.memory_space<vmem_shared>>) offsets(%dma_start3A_101 : memref<128xi32, #tpu.memory_space<vmem>>) semaphore(%run_scoped3A_99 : memref<!tpu.dma_semaphore, #tpu.memory_space<semaphore_mem>>) {add = true}
        %dma_wait3A_104 = arith.constant 0 : i32
        %dma_wait3A_105 = tpu.memref_slice %arg9[%run_scoped3A_66, %dma_wait3A_104] : memref<2x128xi32, #tpu.memory_space<vmem>> -> memref<1x128xi32, #tpu.memory_space<vmem>>
        %dma_wait3A_106 = tpu.memref_squeeze %dma_wait3A_105 : memref<1x128xi32, #tpu.memory_space<vmem>> -> memref<128xi32, #tpu.memory_space<vmem>>
        %dma_wait3A_107 = arith.constant 0 : i32
        %dma_wait3A_108 = tpu.memref_slice %arg19[%dma_wait3A_107] : memref<10240xf32, #tpu.memory_space<vmem_shared>> -> memref<10240xf32, #tpu.memory_space<vmem_shared>>
        tpu.wait_indirect_dma semaphore(%run_scoped3A_99 : memref<!tpu.dma_semaphore, #tpu.memory_space<semaphore_mem>>) src(%arg18 : memref<128xf32, #tpu.memory_space<vmem>>) dst(%dma_wait3A_108 : memref<10240xf32, #tpu.memory_space<vmem_shared>>)
        tpu.yield
      }) : () -> ()
      %add3A_67 = arith.constant 2 : i32
      %add3A_68 = arith.addi %add3A_54, %add3A_67 : i32
      %lt3A_69 = arith.cmpi slt, %add3A_68, %add3A : i32
      %convert_element_type3A_70 = arith.extui %lt3A_69 : i1 to i32
      %cond3A_71 = arith.constant 0 : i32
      %cond3A_72 = arith.cmpi ne, %convert_element_type3A_70, %cond3A_71 : i32
      scf.if %cond3A_72 {
        %add3A_99 = arith.constant 2 : i32
        %add3A_100 = arith.addi %add3A_54, %add3A_99 : i32
        %dma_start3A = arith.constant 0 : i32
        %dma_start3A_101 = arith.constant 0 : i32
        %dma_start3A_102 = tpu.memref_slice %arg6[%arg1, %add3A_100, %dma_start3A, %dma_start3A_101] : memref<16x160x2x128xi32, #tpu.memory_space<hbm>> -> memref<1x1x2x128xi32, #tpu.memory_space<hbm>>
        %dma_start3A_103 = tpu.memref_squeeze %dma_start3A_102 : memref<1x1x2x128xi32, #tpu.memory_space<hbm>> -> memref<2x128xi32, #tpu.memory_space<hbm>>
        %dma_start3A_104 = arith.constant 0 : i32
        %dma_start3A_105 = arith.constant 0 : i32
        %dma_start3A_106 = tpu.memref_slice %arg6[%arg1, %add3A_100, %dma_start3A_104, %dma_start3A_105] : memref<16x160x2x128xi32, #tpu.memory_space<hbm>> -> memref<1x1x2x128xi32, #tpu.memory_space<hbm>>
        %dma_start3A_107 = tpu.memref_squeeze %dma_start3A_106 : memref<1x1x2x128xi32, #tpu.memory_space<hbm>> -> memref<2x128xi32, #tpu.memory_space<hbm>>
        tpu.enqueue_dma source(%dma_start3A_107 : memref<2x128xi32, #tpu.memory_space<hbm>>) target(%arg9 : memref<2x128xi32, #tpu.memory_space<vmem>>) target_semaphore(%arg14 : memref<!tpu.dma_semaphore, #tpu.memory_space<semaphore_mem>>)
      } else {
      }
      %mul3A_73 = arith.constant 2 : i32
      %mul3A_74 = arith.muli %mul3A_73, %add3A_49 : i32
      %add3A_75 = arith.addi %select_n3A_3, %mul3A_74 : i32
      %add3A_76 = arith.constant 1 : i32
      %add3A_77 = arith.addi %add3A_75, %add3A_76 : i32
      %add3A_78 = arith.constant 1 : i32
      %add3A_79 = arith.addi %add3A_77, %add3A_78 : i32
      %lt3A_80 = arith.cmpi slt, %add3A_79, %add3A : i32
      %convert_element_type3A_81 = arith.extui %lt3A_80 : i1 to i32
      %cond3A_82 = arith.constant 0 : i32
      %cond3A_83 = arith.cmpi ne, %convert_element_type3A_81, %cond3A_82 : i32
      scf.if %cond3A_83 {
        %add3A_99 = arith.constant 1 : i32
        %add3A_100 = arith.addi %add3A_77, %add3A_99 : i32
        %dma_wait3A_101 = arith.constant 0 : i32
        %dma_wait3A_102 = arith.constant 0 : i32
        %dma_wait3A_103 = tpu.memref_slice %arg6[%arg1, %add3A_100, %dma_wait3A_101, %dma_wait3A_102] : memref<16x160x2x128xi32, #tpu.memory_space<hbm>> -> memref<1x1x2x128xi32, #tpu.memory_space<hbm>>
        %dma_wait3A_104 = tpu.memref_squeeze %dma_wait3A_103 : memref<1x1x2x128xi32, #tpu.memory_space<hbm>> -> memref<2x128xi32, #tpu.memory_space<hbm>>
        %dma_wait3A_105 = arith.constant 0 : i32
        %dma_wait3A_106 = arith.constant 0 : i32
        %dma_wait3A_107 = tpu.memref_slice %arg6[%arg1, %add3A_100, %dma_wait3A_105, %dma_wait3A_106] : memref<16x160x2x128xi32, #tpu.memory_space<hbm>> -> memref<1x1x2x128xi32, #tpu.memory_space<hbm>>
        %dma_wait3A_108 = tpu.memref_squeeze %dma_wait3A_107 : memref<1x1x2x128xi32, #tpu.memory_space<hbm>> -> memref<2x128xi32, #tpu.memory_space<hbm>>
        tpu.wait_dma2 semaphore(%arg14 : memref<!tpu.dma_semaphore, #tpu.memory_space<semaphore_mem>>) src(%dma_wait3A_108 : memref<2x128xi32, #tpu.memory_space<hbm>>) dst(%arg9 : memref<2x128xi32, #tpu.memory_space<vmem>>)
        %dma_start3A = arith.constant 0 : i32
        %dma_start3A_109 = arith.constant 0 : i32
        %dma_start3A_110 = tpu.memref_slice %arg9[%dma_start3A, %dma_start3A_109] : memref<2x128xi32, #tpu.memory_space<vmem>> -> memref<1x128xi32, #tpu.memory_space<vmem>>
        %dma_start3A_111 = tpu.memref_squeeze %dma_start3A_110 : memref<1x128xi32, #tpu.memory_space<vmem>> -> memref<128xi32, #tpu.memory_space<vmem>>
        %dma_start3A_112 = arith.constant 0 : i32
        %dma_start3A_113 = arith.constant 0 : i32
        %dma_start3A_114 = tpu.memref_slice %arg2[%dma_start3A_112, %dma_start3A_113] : memref<10240x128xf32, #tpu.memory_space<hbm>> -> memref<10240x128xf32, #tpu.memory_space<hbm>>
        tpu.enqueue_indirect_dma source(%dma_start3A_114 : memref<10240x128xf32, #tpu.memory_space<hbm>>) target(%arg11 : memref<128x128xf32, #tpu.memory_space<vmem>>) offsets(%dma_start3A_111 : memref<128xi32, #tpu.memory_space<vmem>>) semaphore(%arg16 : memref<!tpu.dma_semaphore, #tpu.memory_space<semaphore_mem>>)
      } else {
      }
      %dma_wait3A_84 = arith.constant 0 : i32
      %dma_wait3A_85 = arith.constant 0 : i32
      %dma_wait3A_86 = tpu.memref_slice %arg10[%dma_wait3A_84, %dma_wait3A_85] : memref<2x128xi32, #tpu.memory_space<vmem>> -> memref<1x128xi32, #tpu.memory_space<vmem>>
      %dma_wait3A_87 = tpu.memref_squeeze %dma_wait3A_86 : memref<1x128xi32, #tpu.memory_space<vmem>> -> memref<128xi32, #tpu.memory_space<vmem>>
      %dma_wait3A_88 = arith.constant 0 : i32
      %dma_wait3A_89 = arith.constant 0 : i32
      %dma_wait3A_90 = tpu.memref_slice %arg2[%dma_wait3A_88, %dma_wait3A_89] : memref<10240x128xf32, #tpu.memory_space<hbm>> -> memref<10240x128xf32, #tpu.memory_space<hbm>>
      tpu.wait_indirect_dma semaphore(%arg17 : memref<!tpu.dma_semaphore, #tpu.memory_space<semaphore_mem>>) src(%dma_wait3A_90 : memref<10240x128xf32, #tpu.memory_space<hbm>>) dst(%arg12 : memref<128x128xf32, #tpu.memory_space<vmem>>)
      %run_scoped3A_91 = arith.constant 1 : i32
      "tpu.region"() ({
        %run_scoped3A_99 = tpu.sem_alloc : memref<!tpu.dma_semaphore, #tpu.memory_space<semaphore_mem>>
        %dma_start3A = arith.constant 0 : i32
        %dma_start3A_100 = tpu.memref_slice %arg10[%run_scoped3A_91, %dma_start3A] : memref<2x128xi32, #tpu.memory_space<vmem>> -> memref<1x128xi32, #tpu.memory_space<vmem>>
        %dma_start3A_101 = tpu.memref_squeeze %dma_start3A_100 : memref<1x128xi32, #tpu.memory_space<vmem>> -> memref<128xi32, #tpu.memory_space<vmem>>
        %dma_start3A_102 = arith.constant 0 : i32
        %dma_start3A_103 = arith.constant 0 : i32
        %dma_start3A_104 = tpu.memref_slice %arg13[%dma_start3A_102, %dma_start3A_103] : memref<10240x128xf32, #tpu.memory_space<vmem_shared>> -> memref<10240x128xf32, #tpu.memory_space<vmem_shared>>
        tpu.enqueue_indirect_dma source(%arg12 : memref<128x128xf32, #tpu.memory_space<vmem>>) target(%dma_start3A_104 : memref<10240x128xf32, #tpu.memory_space<vmem_shared>>) offsets(%dma_start3A_101 : memref<128xi32, #tpu.memory_space<vmem>>) semaphore(%run_scoped3A_99 : memref<!tpu.dma_semaphore, #tpu.memory_space<semaphore_mem>>) {add = true}
        %dma_wait3A_105 = arith.constant 0 : i32
        %dma_wait3A_106 = tpu.memref_slice %arg10[%run_scoped3A_91, %dma_wait3A_105] : memref<2x128xi32, #tpu.memory_space<vmem>> -> memref<1x128xi32, #tpu.memory_space<vmem>>
        %dma_wait3A_107 = tpu.memref_squeeze %dma_wait3A_106 : memref<1x128xi32, #tpu.memory_space<vmem>> -> memref<128xi32, #tpu.memory_space<vmem>>
        %dma_wait3A_108 = arith.constant 0 : i32
        %dma_wait3A_109 = arith.constant 0 : i32
        %dma_wait3A_110 = tpu.memref_slice %arg13[%dma_wait3A_108, %dma_wait3A_109] : memref<10240x128xf32, #tpu.memory_space<vmem_shared>> -> memref<10240x128xf32, #tpu.memory_space<vmem_shared>>
        tpu.wait_indirect_dma semaphore(%run_scoped3A_99 : memref<!tpu.dma_semaphore, #tpu.memory_space<semaphore_mem>>) src(%arg12 : memref<128x128xf32, #tpu.memory_space<vmem>>) dst(%dma_wait3A_110 : memref<10240x128xf32, #tpu.memory_space<vmem_shared>>)
        tpu.yield
      }) : () -> ()
      %run_scoped3A_92 = arith.constant 1 : i32
      "tpu.region"() ({
        %run_scoped3A_99 = tpu.sem_alloc : memref<!tpu.dma_semaphore, #tpu.memory_space<semaphore_mem>>
        %dma_start3A = arith.constant 0 : i32
        %dma_start3A_100 = tpu.memref_slice %arg10[%run_scoped3A_92, %dma_start3A] : memref<2x128xi32, #tpu.memory_space<vmem>> -> memref<1x128xi32, #tpu.memory_space<vmem>>
        %dma_start3A_101 = tpu.memref_squeeze %dma_start3A_100 : memref<1x128xi32, #tpu.memory_space<vmem>> -> memref<128xi32, #tpu.memory_space<vmem>>
        %dma_start3A_102 = arith.constant 0 : i32
        %dma_start3A_103 = tpu.memref_slice %arg19[%dma_start3A_102] : memref<10240xf32, #tpu.memory_space<vmem_shared>> -> memref<10240xf32, #tpu.memory_space<vmem_shared>>
        tpu.enqueue_indirect_dma source(%arg18 : memref<128xf32, #tpu.memory_space<vmem>>) target(%dma_start3A_103 : memref<10240xf32, #tpu.memory_space<vmem_shared>>) offsets(%dma_start3A_101 : memref<128xi32, #tpu.memory_space<vmem>>) semaphore(%run_scoped3A_99 : memref<!tpu.dma_semaphore, #tpu.memory_space<semaphore_mem>>) {add = true}
        %dma_wait3A_104 = arith.constant 0 : i32
        %dma_wait3A_105 = tpu.memref_slice %arg10[%run_scoped3A_92, %dma_wait3A_104] : memref<2x128xi32, #tpu.memory_space<vmem>> -> memref<1x128xi32, #tpu.memory_space<vmem>>
        %dma_wait3A_106 = tpu.memref_squeeze %dma_wait3A_105 : memref<1x128xi32, #tpu.memory_space<vmem>> -> memref<128xi32, #tpu.memory_space<vmem>>
        %dma_wait3A_107 = arith.constant 0 : i32
        %dma_wait3A_108 = tpu.memref_slice %arg19[%dma_wait3A_107] : memref<10240xf32, #tpu.memory_space<vmem_shared>> -> memref<10240xf32, #tpu.memory_space<vmem_shared>>
        tpu.wait_indirect_dma semaphore(%run_scoped3A_99 : memref<!tpu.dma_semaphore, #tpu.memory_space<semaphore_mem>>) src(%arg18 : memref<128xf32, #tpu.memory_space<vmem>>) dst(%dma_wait3A_108 : memref<10240xf32, #tpu.memory_space<vmem_shared>>)
        tpu.yield
      }) : () -> ()
      %add3A_93 = arith.constant 2 : i32
      %add3A_94 = arith.addi %add3A_77, %add3A_93 : i32
      %lt3A_95 = arith.cmpi slt, %add3A_94, %add3A : i32
      %convert_element_type3A_96 = arith.extui %lt3A_95 : i1 to i32
      %cond3A_97 = arith.constant 0 : i32
      %cond3A_98 = arith.cmpi ne, %convert_element_type3A_96, %cond3A_97 : i32
      scf.if %cond3A_98 {
        %add3A_99 = arith.constant 2 : i32
        %add3A_100 = arith.addi %add3A_77, %add3A_99 : i32
        %dma_start3A = arith.constant 0 : i32
        %dma_start3A_101 = arith.constant 0 : i32
        %dma_start3A_102 = tpu.memref_slice %arg6[%arg1, %add3A_100, %dma_start3A, %dma_start3A_101] : memref<16x160x2x128xi32, #tpu.memory_space<hbm>> -> memref<1x1x2x128xi32, #tpu.memory_space<hbm>>
        %dma_start3A_103 = tpu.memref_squeeze %dma_start3A_102 : memref<1x1x2x128xi32, #tpu.memory_space<hbm>> -> memref<2x128xi32, #tpu.memory_space<hbm>>
        %dma_start3A_104 = arith.constant 0 : i32
        %dma_start3A_105 = arith.constant 0 : i32
        %dma_start3A_106 = tpu.memref_slice %arg6[%arg1, %add3A_100, %dma_start3A_104, %dma_start3A_105] : memref<16x160x2x128xi32, #tpu.memory_space<hbm>> -> memref<1x1x2x128xi32, #tpu.memory_space<hbm>>
        %dma_start3A_107 = tpu.memref_squeeze %dma_start3A_106 : memref<1x1x2x128xi32, #tpu.memory_space<hbm>> -> memref<2x128xi32, #tpu.memory_space<hbm>>
        tpu.enqueue_dma source(%dma_start3A_107 : memref<2x128xi32, #tpu.memory_space<hbm>>) target(%arg10 : memref<2x128xi32, #tpu.memory_space<vmem>>) target_semaphore(%arg15 : memref<!tpu.dma_semaphore, #tpu.memory_space<semaphore_mem>>)
      } else {
      }
    }
    %barrier3A_46 = arith.constant 0 : index
    tpu.barrier barrier_id(%barrier3A_46)
    "tpu.region"() ({
      %run_scoped3A = tpu.sem_alloc : memref<!tpu.dma_semaphore, #tpu.memory_space<semaphore_mem>>
      %dma_start3A = arith.constant 0 : i32
      %dma_start3A_47 = tpu.memref_slice %arg7[%arg0, %mul3A_0, %dma_start3A] : memref<2x10240x128xf32, #tpu.memory_space<hbm>> -> memref<1x640x128xf32, #tpu.memory_space<hbm>>
      %dma_start3A_48 = tpu.memref_squeeze %dma_start3A_47 : memref<1x640x128xf32, #tpu.memory_space<hbm>> -> memref<640x128xf32, #tpu.memory_space<hbm>>
      %dma_start3A_49 = arith.constant 0 : i32
      %dma_start3A_50 = tpu.memref_slice %arg13[%mul3A_0, %dma_start3A_49] : memref<10240x128xf32, #tpu.memory_space<vmem_shared>> -> memref<640x128xf32, #tpu.memory_space<vmem_shared>>
      tpu.enqueue_dma source(%dma_start3A_50 : memref<640x128xf32, #tpu.memory_space<vmem_shared>>) target(%dma_start3A_48 : memref<640x128xf32, #tpu.memory_space<hbm>>) target_semaphore(%run_scoped3A : memref<!tpu.dma_semaphore, #tpu.memory_space<semaphore_mem>>)
      %dma_wait3A = arith.constant 0 : i32
      %dma_wait3A_51 = tpu.memref_slice %arg7[%arg0, %mul3A_0, %dma_wait3A] : memref<2x10240x128xf32, #tpu.memory_space<hbm>> -> memref<1x640x128xf32, #tpu.memory_space<hbm>>
      %dma_wait3A_52 = tpu.memref_squeeze %dma_wait3A_51 : memref<1x640x128xf32, #tpu.memory_space<hbm>> -> memref<640x128xf32, #tpu.memory_space<hbm>>
      %dma_wait3A_53 = arith.constant 0 : i32
      %dma_wait3A_54 = tpu.memref_slice %arg13[%mul3A_0, %dma_wait3A_53] : memref<10240x128xf32, #tpu.memory_space<vmem_shared>> -> memref<640x128xf32, #tpu.memory_space<vmem_shared>>
      tpu.wait_dma2 semaphore(%run_scoped3A : memref<!tpu.dma_semaphore, #tpu.memory_space<semaphore_mem>>) src(%dma_wait3A_54 : memref<640x128xf32, #tpu.memory_space<vmem_shared>>) dst(%dma_wait3A_52 : memref<640x128xf32, #tpu.memory_space<hbm>>)
      tpu.yield
    }) : () -> ()
    "tpu.region"() ({
      %run_scoped3A = tpu.sem_alloc : memref<!tpu.dma_semaphore, #tpu.memory_space<semaphore_mem>>
      %dma_start3A = tpu.memref_slice %arg8[%arg0, %mul3A_0] : memref<2x10240xf32, #tpu.memory_space<hbm>> -> memref<1x640xf32, #tpu.memory_space<hbm>>
      %dma_start3A_47 = tpu.memref_squeeze %dma_start3A : memref<1x640xf32, #tpu.memory_space<hbm>> -> memref<640xf32, #tpu.memory_space<hbm>>
      %dma_start3A_48 = tpu.memref_slice %arg19[%mul3A_0] : memref<10240xf32, #tpu.memory_space<vmem_shared>> -> memref<640xf32, #tpu.memory_space<vmem_shared>>
      tpu.enqueue_dma source(%dma_start3A_48 : memref<640xf32, #tpu.memory_space<vmem_shared>>) target(%dma_start3A_47 : memref<640xf32, #tpu.memory_space<hbm>>) target_semaphore(%run_scoped3A : memref<!tpu.dma_semaphore, #tpu.memory_space<semaphore_mem>>)
      %dma_wait3A = tpu.memref_slice %arg8[%arg0, %mul3A_0] : memref<2x10240xf32, #tpu.memory_space<hbm>> -> memref<1x640xf32, #tpu.memory_space<hbm>>
      %dma_wait3A_49 = tpu.memref_squeeze %dma_wait3A : memref<1x640xf32, #tpu.memory_space<hbm>> -> memref<640xf32, #tpu.memory_space<hbm>>
      %dma_wait3A_50 = tpu.memref_slice %arg19[%mul3A_0] : memref<10240xf32, #tpu.memory_space<vmem_shared>> -> memref<640xf32, #tpu.memory_space<vmem_shared>>
      tpu.wait_dma2 semaphore(%run_scoped3A : memref<!tpu.dma_semaphore, #tpu.memory_space<semaphore_mem>>) src(%dma_wait3A_50 : memref<640xf32, #tpu.memory_space<vmem_shared>>) dst(%dma_wait3A_49 : memref<640xf32, #tpu.memory_space<hbm>>)
      tpu.yield
    }) : () -> ()
    return
  }
}

module attributes {stable_mosaic.version = 14 : i64} {
  func.func @_combine1_body(%arg0: memref<2x10240x128xf32, #tpu.memory_space<vmem>>, %arg1: memref<2x10240x1xf32, #tpu.memory_space<vmem>>, %arg2: memref<10240x128xf32, #tpu.memory_space<vmem>>, %arg3: memref<10240x128xf32, #tpu.memory_space<vmem>>, %arg4: memref<10240x1xf32, #tpu.memory_space<vmem>>) attributes {dimension_semantics = [], scalar_prefetch = 0 : i64, scratch_operands = 0 : i64, tpu.core_type = #tpu.core_type<tc>} {
    %get3A = arith.constant 0 : index
    %get3A_0 = arith.constant 0 : index
    %get3A_1 = arith.constant 0 : index
    %get3A_2 = vector.load %arg1[%get3A, %get3A_0, %get3A_1] : memref<2x10240x1xf32, #tpu.memory_space<vmem>>, vector<1x10240x1xf32>
    %get3A_3 = vector.shape_cast %get3A_2 : vector<1x10240x1xf32> to vector<10240x1xf32>
    %get3A_4 = arith.constant 1 : index
    %get3A_5 = arith.constant 0 : index
    %get3A_6 = arith.constant 0 : index
    %get3A_7 = vector.load %arg1[%get3A_4, %get3A_5, %get3A_6] : memref<2x10240x1xf32, #tpu.memory_space<vmem>>, vector<1x10240x1xf32>
    %get3A_8 = vector.shape_cast %get3A_7 : vector<1x10240x1xf32> to vector<10240x1xf32>
    %add3A = arith.addf %get3A_3, %get3A_8 : vector<10240x1xf32>
    %add3A_9 = arith.constant 1.000000e+00 : f32
    %add3A_10 = vector.broadcast %add3A_9 : f32 to vector<10240x1xf32>
    %add3A_11 = arith.addf %add3A, %add3A_10 : vector<10240x1xf32>
    %div3A = arith.constant 1.000000e+00 : f32
    %div3A_12 = vector.broadcast %div3A : f32 to vector<10240x1xf32>
    %div3A_13 = arith.divf %div3A_12, %add3A_11 : vector<10240x1xf32>
    %swap3A = arith.constant 0 : index
    %swap3A_14 = arith.constant 0 : index
    %swap3A_15 = vector.load %arg4[%swap3A, %swap3A_14] : memref<10240x1xf32, #tpu.memory_space<vmem>>, vector<10240x1xf32>
    tpu.vector_store %arg4[%swap3A, %swap3A_14], %div3A_13 {strides = array<i32>} : memref<10240x1xf32, #tpu.memory_space<vmem>>, vector<10240x1xf32>,
    %get3A_16 = arith.constant 0 : index
    %get3A_17 = arith.constant 0 : index
    %get3A_18 = arith.constant 0 : index
    %get3A_19 = vector.load %arg0[%get3A_16, %get3A_17, %get3A_18] : memref<2x10240x128xf32, #tpu.memory_space<vmem>>, vector<1x10240x128xf32>
    %get3A_20 = vector.shape_cast %get3A_19 : vector<1x10240x128xf32> to vector<10240x128xf32>
    %get3A_21 = arith.constant 1 : index
    %get3A_22 = arith.constant 0 : index
    %get3A_23 = arith.constant 0 : index
    %get3A_24 = vector.load %arg0[%get3A_21, %get3A_22, %get3A_23] : memref<2x10240x128xf32, #tpu.memory_space<vmem>>, vector<1x10240x128xf32>
    %get3A_25 = vector.shape_cast %get3A_24 : vector<1x10240x128xf32> to vector<10240x128xf32>
    %add3A_26 = arith.addf %get3A_20, %get3A_25 : vector<10240x128xf32>
    %get3A_27 = arith.constant 0 : index
    %get3A_28 = arith.constant 0 : index
    %get3A_29 = vector.load %arg2[%get3A_27, %get3A_28] : memref<10240x128xf32, #tpu.memory_space<vmem>>, vector<10240x128xf32>
    %add3A_30 = arith.addf %add3A_26, %get3A_29 : vector<10240x128xf32>
    %mul3A = vector.broadcast %div3A_13 : vector<10240x1xf32> to vector<10240x128xf32>
    %mul3A_31 = arith.mulf %add3A_30, %mul3A : vector<10240x128xf32>
    %swap3A_32 = arith.constant 0 : index
    %swap3A_33 = arith.constant 0 : index
    %swap3A_34 = vector.load %arg3[%swap3A_32, %swap3A_33] : memref<10240x128xf32, #tpu.memory_space<vmem>>, vector<10240x128xf32>
    tpu.vector_store %arg3[%swap3A_32, %swap3A_33], %mul3A_31 {strides = array<i32>} : memref<10240x128xf32, #tpu.memory_space<vmem>>, vector<10240x128xf32>,
    return
  }
}

module attributes {stable_mosaic.version = 14 : i64} {
  func.func @_combine_body(%arg0: memref<2x10240x128xf32, #tpu.memory_space<vmem>>, %arg1: memref<10240x1xf32, #tpu.memory_space<vmem>>, %arg2: memref<10240x128xf32, #tpu.memory_space<vmem>>, %arg3: memref<10240x128xf32, #tpu.memory_space<vmem>>) attributes {dimension_semantics = [], scalar_prefetch = 0 : i64, scratch_operands = 0 : i64, tpu.core_type = #tpu.core_type<tc>} {
    %get3A = arith.constant 0 : index
    %get3A_0 = arith.constant 0 : index
    %get3A_1 = arith.constant 0 : index
    %get3A_2 = vector.load %arg0[%get3A, %get3A_0, %get3A_1] : memref<2x10240x128xf32, #tpu.memory_space<vmem>>, vector<1x10240x128xf32>
    %get3A_3 = vector.shape_cast %get3A_2 : vector<1x10240x128xf32> to vector<10240x128xf32>
    %get3A_4 = arith.constant 1 : index
    %get3A_5 = arith.constant 0 : index
    %get3A_6 = arith.constant 0 : index
    %get3A_7 = vector.load %arg0[%get3A_4, %get3A_5, %get3A_6] : memref<2x10240x128xf32, #tpu.memory_space<vmem>>, vector<1x10240x128xf32>
    %get3A_8 = vector.shape_cast %get3A_7 : vector<1x10240x128xf32> to vector<10240x128xf32>
    %add3A = arith.addf %get3A_3, %get3A_8 : vector<10240x128xf32>
    %get3A_9 = arith.constant 0 : index
    %get3A_10 = arith.constant 0 : index
    %get3A_11 = vector.load %arg2[%get3A_9, %get3A_10] : memref<10240x128xf32, #tpu.memory_space<vmem>>, vector<10240x128xf32>
    %add3A_12 = arith.addf %add3A, %get3A_11 : vector<10240x128xf32>
    %get3A_13 = arith.constant 0 : index
    %get3A_14 = arith.constant 0 : index
    %get3A_15 = vector.load %arg1[%get3A_13, %get3A_14] : memref<10240x1xf32, #tpu.memory_space<vmem>>, vector<10240x1xf32>
    %mul3A = vector.broadcast %get3A_15 : vector<10240x1xf32> to vector<10240x128xf32>
    %mul3A_16 = arith.mulf %add3A_12, %mul3A : vector<10240x128xf32>
    %swap3A = arith.constant 0 : index
    %swap3A_17 = arith.constant 0 : index
    %swap3A_18 = vector.load %arg3[%swap3A, %swap3A_17] : memref<10240x128xf32, #tpu.memory_space<vmem>>, vector<10240x128xf32>
    tpu.vector_store %arg3[%swap3A, %swap3A_17], %mul3A_16 {strides = array<i32>} : memref<10240x128xf32, #tpu.memory_space<vmem>>, vector<10240x128xf32>,
    return
  }
}

module attributes {stable_mosaic.version = 14 : i64} {
  func.func @_head_body(%arg0: memref<2x10240x128xf32, #tpu.memory_space<vmem>>, %arg1: memref<10240x1xf32, #tpu.memory_space<vmem>>, %arg2: memref<10240x128xf32, #tpu.memory_space<vmem>>, %arg3: memref<10240x1xi32, #tpu.memory_space<vmem>>, %arg4: memref<128x128xf32, #tpu.memory_space<vmem>>, %arg5: memref<128xf32, #tpu.memory_space<vmem>>, %arg6: memref<128x128xf32, #tpu.memory_space<vmem>>, %arg7: memref<128xf32, #tpu.memory_space<vmem>>, %arg8: memref<10x128xf32, #tpu.memory_space<vmem>>, %arg9: memref<10xf32, #tpu.memory_space<vmem>>, %arg10: memref<64x10xf32, #tpu.memory_space<vmem>>) attributes {dimension_semantics = [], scalar_prefetch = 0 : i64, scratch_operands = 0 : i64, tpu.core_type = #tpu.core_type<tc>} {
    %get3A = arith.constant 0 : index
    %get3A_0 = arith.constant 0 : index
    %get3A_1 = arith.constant 0 : index
    %get3A_2 = vector.load %arg0[%get3A, %get3A_0, %get3A_1] : memref<2x10240x128xf32, #tpu.memory_space<vmem>>, vector<1x10240x128xf32>
    %get3A_3 = vector.shape_cast %get3A_2 : vector<1x10240x128xf32> to vector<10240x128xf32>
    %get3A_4 = arith.constant 1 : index
    %get3A_5 = arith.constant 0 : index
    %get3A_6 = arith.constant 0 : index
    %get3A_7 = vector.load %arg0[%get3A_4, %get3A_5, %get3A_6] : memref<2x10240x128xf32, #tpu.memory_space<vmem>>, vector<1x10240x128xf32>
    %get3A_8 = vector.shape_cast %get3A_7 : vector<1x10240x128xf32> to vector<10240x128xf32>
    %add3A = arith.addf %get3A_3, %get3A_8 : vector<10240x128xf32>
    %get3A_9 = arith.constant 0 : index
    %get3A_10 = arith.constant 0 : index
    %get3A_11 = vector.load %arg2[%get3A_9, %get3A_10] : memref<10240x128xf32, #tpu.memory_space<vmem>>, vector<10240x128xf32>
    %add3A_12 = arith.addf %add3A, %get3A_11 : vector<10240x128xf32>
    %get3A_13 = arith.constant 0 : index
    %get3A_14 = arith.constant 0 : index
    %get3A_15 = vector.load %arg1[%get3A_13, %get3A_14] : memref<10240x1xf32, #tpu.memory_space<vmem>>, vector<10240x1xf32>
    %mul3A = vector.broadcast %get3A_15 : vector<10240x1xf32> to vector<10240x128xf32>
    %mul3A_16 = arith.mulf %add3A_12, %mul3A : vector<10240x128xf32>
    %get3A_17 = arith.constant 0 : index
    %get3A_18 = arith.constant 0 : index
    %get3A_19 = vector.load %arg4[%get3A_17, %get3A_18] : memref<128x128xf32, #tpu.memory_space<vmem>>, vector<128x128xf32>
    %dot_general3A = arith.constant dense<0.000000e+00> : vector<10240x128xf32>
    %dot_general3A_20 = tpu.matmul %mul3A_16, %get3A_19, %dot_general3A {dimension_numbers = #tpu.dot_dimension_numbers<[1], [1], [0], [0], [0, 0, 1, 0], [], []>, transpose_lhs_hint = false} : vector<10240x128xf32>, vector<128x128xf32>, vector<10240x128xf32> -> vector<10240x128xf32>
    %get3A_21 = arith.constant 0 : index
    %get3A_22 = vector.load %arg5[%get3A_21] : memref<128xf32, #tpu.memory_space<vmem>>, vector<128xf32>
    %broadcast_in_dim3A = vector.shape_cast %get3A_22 : vector<128xf32> to vector<1x128xf32>
    %add3A_23 = vector.broadcast %broadcast_in_dim3A : vector<1x128xf32> to vector<10240x128xf32>
    %add3A_24 = arith.addf %dot_general3A_20, %add3A_23 : vector<10240x128xf32>
    %max3A = arith.constant 0.000000e+00 : f32
    %max3A_25 = vector.broadcast %max3A : f32 to vector<10240x128xf32>
    %max3A_26 = arith.maximumf %add3A_24, %max3A_25 : vector<10240x128xf32>
    %get3A_27 = arith.constant 0 : index
    %get3A_28 = arith.constant 0 : index
    %get3A_29 = vector.load %arg6[%get3A_27, %get3A_28] : memref<128x128xf32, #tpu.memory_space<vmem>>, vector<128x128xf32>
    %dot_general3A_30 = arith.constant dense<0.000000e+00> : vector<10240x128xf32>
    %dot_general3A_31 = tpu.matmul %max3A_26, %get3A_29, %dot_general3A_30 {dimension_numbers = #tpu.dot_dimension_numbers<[1], [1], [0], [0], [0, 0, 1, 0], [], []>, transpose_lhs_hint = false} : vector<10240x128xf32>, vector<128x128xf32>, vector<10240x128xf32> -> vector<10240x128xf32>
    %get3A_32 = arith.constant 0 : index
    %get3A_33 = vector.load %arg7[%get3A_32] : memref<128xf32, #tpu.memory_space<vmem>>, vector<128xf32>
    %broadcast_in_dim3A_34 = vector.shape_cast %get3A_33 : vector<128xf32> to vector<1x128xf32>
    %add3A_35 = vector.broadcast %broadcast_in_dim3A_34 : vector<1x128xf32> to vector<10240x128xf32>
    %add3A_36 = arith.addf %dot_general3A_31, %add3A_35 : vector<10240x128xf32>
    %get3A_37 = arith.constant 0 : index
    %get3A_38 = arith.constant 0 : index
    %get3A_39 = vector.load %arg3[%get3A_37, %get3A_38] : memref<10240x1xi32, #tpu.memory_space<vmem>>, vector<10240x1xi32>
    %iota3A = tpu.iota {dimensions = array<i32: 1>} : vector<1x64xi32>
    %eq3A = vector.broadcast %get3A_39 : vector<10240x1xi32> to vector<10240x64xi32>
    %eq3A_40 = vector.broadcast %iota3A : vector<1x64xi32> to vector<10240x64xi32>
    %eq3A_41 = arith.cmpi eq, %eq3A, %eq3A_40 : vector<10240x64xi32>
    %convert_element_type3A = arith.extui %eq3A_41 : vector<10240x64xi1> to vector<10240x64xi32>
    %convert_element_type3A_42 = arith.sitofp %convert_element_type3A : vector<10240x64xi32> to vector<10240x64xf32>
    %dot_general3A_43 = arith.constant dense<0.000000e+00> : vector<64x128xf32>
    %dot_general3A_44 = tpu.matmul %convert_element_type3A_42, %add3A_36, %dot_general3A_43 {dimension_numbers = #tpu.dot_dimension_numbers<[0], [0], [1], [1], [0, 1, 1, 1], [], []>, transpose_lhs_hint = false} : vector<10240x64xf32>, vector<10240x128xf32>, vector<64x128xf32> -> vector<64x128xf32>
    %broadcast_in_dim3A_45 = arith.constant 1.000000e+00 : f32
    %broadcast_in_dim3A_46 = vector.broadcast %broadcast_in_dim3A_45 : f32 to vector<10240x1xf32>
    %dot_general3A_47 = arith.constant dense<0.000000e+00> : vector<64x1xf32>
    %dot_general3A_48 = tpu.matmul %convert_element_type3A_42, %broadcast_in_dim3A_46, %dot_general3A_47 {dimension_numbers = #tpu.dot_dimension_numbers<[0], [0], [1], [1], [0, 1, 1, 1], [], []>, transpose_lhs_hint = false} : vector<10240x64xf32>, vector<10240x1xf32>, vector<64x1xf32> -> vector<64x1xf32>
    %max3A_49 = arith.constant 1.000000e+00 : f32
    %max3A_50 = vector.broadcast %max3A_49 : f32 to vector<64x1xf32>
    %max3A_51 = arith.maximumf %dot_general3A_48, %max3A_50 : vector<64x1xf32>
    %div3A = arith.constant 1.000000e+00 : f32
    %div3A_52 = vector.broadcast %div3A : f32 to vector<64x1xf32>
    %div3A_53 = arith.divf %div3A_52, %max3A_51 : vector<64x1xf32>
    %mul3A_54 = vector.broadcast %div3A_53 : vector<64x1xf32> to vector<64x128xf32>
    %mul3A_55 = arith.mulf %dot_general3A_44, %mul3A_54 : vector<64x128xf32>
    %get3A_56 = arith.constant 0 : index
    %get3A_57 = arith.constant 0 : index
    %get3A_58 = vector.load %arg8[%get3A_56, %get3A_57] : memref<10x128xf32, #tpu.memory_space<vmem>>, vector<10x128xf32>
    %dot_general3A_59 = arith.constant dense<0.000000e+00> : vector<64x10xf32>
    %dot_general3A_60 = tpu.matmul %mul3A_55, %get3A_58, %dot_general3A_59 {dimension_numbers = #tpu.dot_dimension_numbers<[1], [1], [0], [0], [0, 0, 1, 0], [], []>, transpose_lhs_hint = false} : vector<64x128xf32>, vector<10x128xf32>, vector<64x10xf32> -> vector<64x10xf32>
    %get3A_61 = arith.constant 0 : index
    %get3A_62 = vector.load %arg9[%get3A_61] : memref<10xf32, #tpu.memory_space<vmem>>, vector<10xf32>
    %broadcast_in_dim3A_63 = vector.shape_cast %get3A_62 : vector<10xf32> to vector<1x10xf32>
    %add3A_64 = vector.broadcast %broadcast_in_dim3A_63 : vector<1x10xf32> to vector<64x10xf32>
    %add3A_65 = arith.addf %dot_general3A_60, %add3A_64 : vector<64x10xf32>
    %swap3A = arith.constant 0 : index
    %swap3A_66 = arith.constant 0 : index
    %swap3A_67 = vector.load %arg10[%swap3A, %swap3A_66] : memref<64x10xf32, #tpu.memory_space<vmem>>, vector<64x10xf32>
    tpu.vector_store %arg10[%swap3A, %swap3A_66], %add3A_65 {strides = array<i32>} : memref<64x10xf32, #tpu.memory_space<vmem>>, vector<64x10xf32>,
    return
  }
}

</mosaic_0001>

<sc_bundles>
// kernel: kernel.11.cloned.1.call-start
scs
__scs_entry_jumppad:
0x0: {  	(pc) =	sbr.rel $0x88, $3  }
0x1: {  	(tag) =	ssettag $0x0;
	lr =	simm.s32 $0x1  }
0x2: {  	[smem:$0x3F98] =	sst lr;
	_ =	strace $0xD0000000  }
0x3: {  	_ = 	snop  }
0x4: {  	_ = 	snop  }
0x5: {  	_ = 	snop  }
0x6: {  	_ = 	snop  }
0x7: {  	_ = 	snop  }
__scs_overlays_trampoline_lowered:
0x8: {  	[smem:$0x3FA7] =	sst s0  }
0x9: {  	[smem:$0x3FA8] =	sst s1  }
0xa: {  	[smem:$0x3FA9] =	sst s2  }
0xb: {  	[smem:$0x3FAA] =	sst s3  }
0xc: {  	[smem:$0x3FAB] =	sst s4  }
0xd: {  	[smem:$0x3FAC] =	sst s5  }
0xe: {  	[smem:$0x3FAD] =	sst s6  }
0xf: {  	[smem:$0x3FAE] =	sst s7  }
0x10: {  	[smem:$0x3FAF] =	sst s8  }
0x11: {  	[smem:$0x3FB0] =	sst s9;
	s0 =	simm.s32 @!p0 $0x0  }
0x12: {  	s1 =	sld [smem:$0x3F96];
	s0 =	simm.s32 @p0 $0x1  }
0x13: {  	[smem:$0x3FB1] =	sst s0;
	s0 =	simm.s32 @!p1 $0x0  }
0x14: {  	s2 =	sld [smem:$0x3F95];
	s0 =	simm.s32 @p1 $0x1  }
0x15: {  	[smem:$0x3FB2] =	sst s0;
	s0 =	simm.s32 @!p2 $0x0  }
0x16: {  	s3 =	sld [smem:$0x3FDB];
	s0 =	simm.s32 @p2 $0x1  }
0x17: {  	s4 =	simm.s32 $0x1BF5;
	[smem:$0x3FB4] =	sst s0  }
0x18: {  	s0 =	sld [smem:$0x3F97];
	_ =	swait.ge [sflag:s4], $0x0  }
0x19: {  	s7 =	sld [smem:$0x3F98]  }
0x1a: {  	s8 =	sadd.s32 $0xFFFFE003, lr  }
0x1b: {  	s9 =	sadd.s32 $0xFFFFFEF7, lr;
	s5 =	simm.s32 $0xFFFFFFFF;
	p2 =	slt.u32 s8, $0xFFFFF086  }
0x1c: {  	p1 =	slt.u32 s9, $0xF7A;
	s5 =	simm.s32 @!p2 $0x0  }
0x1d: {  	s5 =	simm.s32 @p1 $0x1;
	p0 =	seq.s32 s7, s2  }
0x1e: {  	s7 =	smul.u32 @!p0 $0xF7A, s2;
	p2 =	seq.s32 @!p0 s5, $0x0  }
0x1f: {  	s9 =	smul.u32 $0xF7A, s1;
	s8 =	simm.s32 @!p0 $0x1BF5;
	p2 =	por !p2, p0  }
0x20: {  	[sflag:s8] =	ssyncset.s32 @!p0 $0xFFFFF086;
	s6 =	sadd.s32 @!p0 s3, s7;
	s7 =	simm.s32 @!p0 $0x108  }
0x21: {  	s3 =	sadd.s32 s3, s9;
	s6 =	sadd.s32 @!p0 $0x88, s6;
	s7 =	simm.s32 @p2 $0x1082  }
0x22: {  	[simem:s7], [sflag:s8] =	dma.local @!p0 [hbm:s6], $0xF7A  }
0x23: {  	s9 =	sor.u32 $0xD0000000, s2;
	s6 =	simm.s32 $0x108;
	_ =	swait.ge @!p0 [sflag:s8], $0x0  }
0x24: {  	s3 =	sadd.s32 $0x88, s3;
	s6 =	simm.s32 @!p1 $0x1082;
	[sflag:s4] =	ssyncset.s32 $0xFFFFF086  }
0x25: {  	[simem:s6], [sflag:s4] =	dma.local [hbm:s3], $0xF7A  }
0x26: {  	[smem:$0x3F98] =	sst s1;
	(tag) =	ssettag s2;
	_ =	strace s9  }
0x27: {  	s1 =	sld [smem:$0x3FA8]  }
0x28: {  	s2 =	sld [smem:$0x3FA9]  }
0x29: {  	s4 =	sld [smem:$0x3FAB]  }
0x2a: {  	p0 =	seq.s32 s5, $0x0;
	s5 =	sld [smem:$0x3FAC]  }
0x2b: {  	s6 =	sld [smem:$0x3FAD]  }
0x2c: {  	s7 =	sld [smem:$0x3FAE]  }
0x2d: {  	s3 =	simm.s32 $0x108;
	s8 =	sld [smem:$0x3FAF]  }
0x2e: {  	s3 =	simm.s32 @!p0 $0x1082;
	s9 =	sld [smem:$0x3FB0]  }
0x2f: {  	lr =	sadd.s32 s0, s3;
	s0 =	sld [smem:$0x3FA7]  }
0x30: {  	s3 =	sld [smem:$0x3FAA]  }
0x31: {  	[smem:$0x3FB3] =	sst s10  }
0x32: {  	s10 =	sld [smem:$0x3FB1];
	_ =	sdelay $0x3  }
0x33: {  	p0 =	seq.s32 s10, $0x1;
	s10 =	sld [smem:$0x3FB3];
	_ =	sdelay $0x3  }
0x34: {  	[smem:$0x3FB3] =	sst s10  }
0x35: {  	s10 =	sld [smem:$0x3FB2];
	_ =	sdelay $0x3  }
0x36: {  	p1 =	seq.s32 s10, $0x1;
	s10 =	sld [smem:$0x3FB3];
	_ =	sdelay $0x3  }
0x37: {  	[smem:$0x3FB3] =	sst s10  }
0x38: {  	s10 =	sld [smem:$0x3FB4]  }
0x39: {  	_ = 	snop;
	(pc) =	sbr.ind lr, $3  }
0x3a: {  	_ = 	snop  }
0x3b: {  	_ = 	snop  }
0x3c: {  	p2 =	seq.s32 s10, $0x1;
	s10 =	sld [smem:$0x3FB3]  }
0x3d: {  	_ =	shalt  }
0x3e: {  	_ =	shalt  }
0x3f: {  	_ =	shalt  }
0x40: {  	_ =	shalt  }
0x41: {  	_ =	shalt  }
0x42: {  	_ =	shalt  }
0x43: {  	_ =	shalt  }
0x44: {  	_ =	shalt  }
0x45: {  	_ =	shalt  }
0x46: {  	_ =	shalt  }
0x47: {  	_ =	shalt  }
0x48: {  	_ =	shalt  }
0x49: {  	_ =	shalt  }
0x4a: {  	_ =	shalt  }
0x4b: {  	_ =	shalt  }
0x4c: {  	_ =	shalt  }
0x4d: {  	_ =	shalt  }
0x4e: {  	_ =	shalt  }
0x4f: {  	_ =	shalt  }
0x50: {  	_ =	shalt  }
0x51: {  	_ =	shalt  }
0x52: {  	_ =	shalt  }
0x53: {  	_ =	shalt  }
0x54: {  	_ =	shalt  }
0x55: {  	_ =	shalt  }
0x56: {  	_ =	shalt  }
0x57: {  	_ =	shalt  }
0x58: {  	_ =	shalt  }
0x59: {  	_ =	shalt  }
0x5a: {  	_ =	shalt  }
0x5b: {  	_ =	shalt  }
0x5c: {  	_ =	shalt  }
0x5d: {  	_ =	shalt  }
0x5e: {  	_ =	shalt  }
0x5f: {  	_ =	shalt  }
0x60: {  	_ =	shalt  }
0x61: {  	_ =	shalt  }
0x62: {  	_ =	shalt  }
0x63: {  	_ =	shalt  }
0x64: {  	_ =	shalt  }
0x65: {  	_ =	shalt  }
0x66: {  	_ =	shalt  }
0x67: {  	_ =	shalt  }
0x68: {  	_ =	shalt  }
0x69: {  	_ =	shalt  }
0x6a: {  	_ =	shalt  }
0x6b: {  	_ =	shalt  }
0x6c: {  	_ =	shalt  }
0x6d: {  	_ =	shalt  }
0x6e: {  	_ =	shalt  }
0x6f: {  	_ =	shalt  }
0x70: {  	_ =	shalt  }
0x71: {  	_ =	shalt  }
0x72: {  	_ =	shalt  }
0x73: {  	_ =	shalt  }
0x74: {  	_ =	shalt  }
0x75: {  	_ =	shalt  }
0x76: {  	_ =	shalt  }
0x77: {  	_ =	shalt  }
0x78: {  	_ =	shalt  }
0x79: {  	_ =	shalt  }
0x7a: {  	_ =	shalt  }
0x7b: {  	_ =	shalt  }
0x7c: {  	_ =	shalt  }
0x7d: {  	_ =	shalt  }
0x7e: {  	_ =	shalt  }
0x7f: {  	_ =	shalt  }
0x80: {  	_ =	shalt  }
0x81: {  	_ =	shalt  }
0x82: {  	_ =	shalt  }
0x83: {  	_ =	shalt  }
0x84: {  	_ =	shalt  }
0x85: {  	_ =	shalt  }
0x86: {  	_ =	shalt  }
0x87: {  	_ =	shalt  }
.Lfunc_end0:
.L_simem_size_0:
called_computation.1_lowered:
.L_overlay_start_0:
0x88: {  	s2 =	sld [smem:$0x3FD9]  }
0x89: {  	s3 =	sld [smem:$0x3FFE];
	_ =	sdelay $0x1  }
0x8a: {  	s1 =	srdreg.scid  }
0x8b: {  	s0 =	sand.u32 $0x1, s1  }
0x8c: {  	s16 =	sshll.u32 s0, $0xA;
	s2 =	sadd.s32 s3, s2  }
0x8d: {  	s2 =	sadd.s32 s2, s16  }
0x8e: {  	[smem:$0x3FBF] =	sst s2  }
0x8f: {  	_ = 	snop  }
0x90: {  	(tm) =	ssettm $0x1  }
0x91: {  	s17 =	sld [smem:$0x3FFB];
	_ =	sdelay $0x3  }
0x92: {  	_ =	strace s17  }
0x93: {  	s2 =	sld [smem:$0x3FFC];
	_ =	sdelay $0x3  }
0x94: {  	_ =	strace s2  }
0x95: {  	s2 =	sld [smem:$0x3FFD];
	_ =	sdelay $0x3  }
0x96: {  	_ =	strace s2  }
0x97: {  	_ =	strace $0x8FFFFFFF  }
0x98: {  	s18 =	sld [smem:$0x3FDB];
	_ =	sdelay $0x1  }
0x99: {  	s19 =	simm.s32 $_scs_section_size  }
0x9a: {  	s4 =	simm.s32 $_size__tile_overlayer_lowered;
	s5 =	simm.s32 $_tile_overlayer_lowered  }
0x9b: {  	s22 =	simm.s32 $0x1BFF;
	s21 =	sshll.u32 s5, $0x1;
	s2 =	sadd.s32 s19, s18  }
0x9c: {  	s6 =	simm.s32 $0x0;
	s20 =	sshll.u32 s4, $0x1;
	s4 =	sadd.s32 s21, s2  }
0x9d: {  	[timem:s6], [sflag:s22] =	dma.local [hbm:s4], s20  }
0x9e: {  	_ =	swait.ge [sflag:s22], s20  }
0x9f: {  	s3 =	ssub.s32 $0x0, s20;
	[sflag:s22] =	ssyncset.done $0x0  }
0xa0: {  	[sflag:s22] =	ssyncadd.s32 s3;
	_ =	sdelay $0x1  }
0xa1: {  	s23 =	simm.s32 $0x1B8B  }
0xa2: {  	_ =	swait.ge [sflag:s23], $0x1  }
0xa3: {  	[sflag:s23] =	ssyncset.done $0x0  }
0xa4: {  	s25 =	simm.s32 $0x1B8E;
	s24 =	sld [smem:$0x3FFE];
	[sflag:s23] =	ssyncadd.s32 $0xFFFFFFFF  }
0xa5: {  	s26 =	simm.s32 $execute0_lowered;
	[smem:$0x3FD2] =	sst s25  }
0xa6: {  	s4 =	sshll.u32 s26, $0x1;
	_ =	strace $0x80000049;
	[dreg:$0x1] =	wrdreg $0xFFFFFFFF  }
0xa7: {  	s28 =	simm.s32 $_size_execute0_lowered;
	s2 =	sadd.s32 s2, s4;
	[dreg:$0x0] =	wrdreg $0x0  }
0xa8: {  	s4 =	sshll.u32 s28, $0x1;
	[dreg:$0x2] =	wrdreg s2  }
0xa9: {  	[dreg:$0x3] =	wrdreg s4  }
0xaa: {  	[dreg:$0x4] =	wrdreg $0xC0  }
0xab: {  	_ =	task [dreg:s6], $0x5FFFF  }
0xac: {  	[dreg:$0x1] =	wrdreg $0xFFFFFFFF  }
0xad: {  	[dreg:$0x0] =	wrdreg $0x60  }
0xae: {  	[dreg:$0x2] =	wrdreg s24  }
0xaf: {  	[dreg:$0x3] =	wrdreg $0x82000  }
0xb0: {  	[dreg:$0x4] =	wrdreg $0x9  }
0xb1: {  	_ =	task.clear_ibuf [dreg:s6], $0x5FFFF;
	_ =	strace $0x90000049  }
0xb2: {  	s29 =	simm.s32 $0x9;
	_ =	strace $0x8000004B  }
0xb3: {  	_ =	swait.ge [sflag:s29], $0x1  }
0xb4: {  	[sflag:s29] =	ssyncadd.s32 $0xFFFFFFFF  }
0xb5: {  	_ =	strace $0x9000004B  }
0xb6: {  	_ =	sfence  }
0xb7: {  	s30 =	sld [smem:$0x0];
	_ =	sdelay $0x2  }
0xb8: {  	s31 =	sshll.u32 s1, $0xD;
	s1 =	sshrl.u32 s1, $0x2  }
0xb9: {  	s3 =	sand.u32 $0x4000, s31;
	s1 =	sadd.s32 s1, s30  }
0xba: {  	s0 =	sor.u32 s3, s0;
	s1 =	sshll.u32 s1, $0x11  }
0xbb: {  	s0 =	sor.u32 s1, s0  }
0xbc: {  	s0 =	sadd.s32 $0x8F2B, s0  }
0xbd: {  	[sflag:s0] =	ssyncadd.remote.s32 $0x1  }
0xbe: {  	_ =	sfence.sel $0xFFFF  }
0xbf: {  	[dreg:$0x0] =	wrdreg $0xFFFFFFFF;
	(pc) =	sbr.abs _section_cstart, $3  }
0xc0: {  	[dreg:$0x1] =	wrdreg $0xFFFFFFFF  }
0xc1: {  	_ =	task.clear_ibuf [dreg:s6], $0x2FFFF;
	_ =	strace $0x9FFFFFFF  }
0xc2: {  	(tm) =	ssettm $0x7FFFFFFF  }
0xc3: {  	_ =	shalt  }
tec
execute0_lowered:
.L_overlay_start_1:
0x0: {  	(tag) =	ssettag $0x1  }
0x1: {  	s5 =	rddreg [dreg:$0x0]  }
0x2: {  	s0 =	stileid.u32;
	s1 =	srdreg.scid  }
0x3: {  	s2 =	rddreg [dreg:$0x1];
	s3 =	simm.s32 $0x0;
	s18 =	simm.s32 $0x80  }
0x4: {  	s19 =	simm.s32 $0x200;
	s20 =	simm.s32 $0x2;
	s4 =	smul.u32 $0x14000, s0  }
0x5: {  	s21 =	simm.s32 $0x4200;
	s22 =	simm.s32 $0x3;
	s9 =	smul.u32 $0x50000, s0  }
0x6: {  	s6 =	sand.u32 $0x1, s1;
	[smem:$0x7FF] =	sst s3;
	s25 =	smul.u32 $0xA000, s0  }
0x7: {  	s14 =	sadd.s32 $0x3800, s5;
	s29 =	sshll.u32 s0, $0x6;
	s7 =	smul.u32 $0x140000, s6  }
0x8: {  	_ =	strace $0x8000004A;
	s23 =	ssub.s32 $0x2, s6;
	s6 =	ssub.s32 $0x0, s6  }
0x9: {  	s8 =	sshrl.u32 s4, $0x3;
	s24 =	sshrl.u32 s23, $0x1;
	s13 =	sand.u32 $0x50, s6  }
0xa: {  	s26 =	sshrl.u32 s9, $0x2;
	s7 =	sadd.s32 s4, s7;
	s4 =	sadd.s32 $0x17800, s5  }
0xb: {  	s8 =	sadd.s32 s8, s5;
	s11 =	ssub.s32 s23, s24;
	s28 =	sshll.u32 s13, $0x8  }
0xc: {  	s15 =	sadd.s32 s26, s2;
	s23 =	simm.s32 $0x4;
	s24 =	simm.s32 $0x180  }
0xd: {  	s7 =	sshrl.u32 s7, $0x3;
	s6 =	sadd.s32 $0x3F800, s8;
	s12 =	sadd.s32 s25, s28  }
0xe: {  	s11 =	smax.u32 s11, $0x1;
	s15 =	sshrl.u32 s15, $0x3;
	s25 =	simm.s32 $0x0  }
0xf: {  	s10 =	sadd.s32 s7, s5;
	s5 =	sadd.s32 $0x50, s13;
	s30 =	sshrl.u32 s12, $0x3  }
0x10: {  	s9 =	sor.u32 $0x100, s12;
	s7 =	sor.u32 $0x1C05, s29;
	s16 =	sor.u32 $0x300, s12  }
0x11: {  	s17 =	sor.u32 $0x200, s12;
	s13 =	sor.u32 $0x3, s13;
	s8 =	sadd.s32 s14, s30  }
0x12: {  	s9 =	sshrl.u32 s9, $0x3;
	s10 =	sadd.s32 $0x67E00, s10;
	s16 =	sshrl.u32 s16, $0x3  }
0x13: {  	s31 =	sshrl.u32 s17, $0x3;
	s17 =	simm.s32 $0x100;
	s9 =	sadd.s32 s14, s9  }
0x14: {  	s12 =	sadd.s32 s16, s14;
	s14 =	sadd.s32 s31, s14;
	s16 =	simm.s32 $0x5  }
.LBB2_1:
0x15: {  	[spmem:s15], [sflag:s7] =	dma.local [hbm:s6], $0x2800  }
0x16: {  	_ =	swait.ge [sflag:s16], $0x2800  }
0x17: {  	[sflag:s16] =	ssyncset.done $0x0  }
0x18: {  	[sflag:s16] =	ssyncadd.s32 $0xFFFFD800  }
0x19: {  	[bflag:$0x0] =	sbarrier.arrive $0xFFFF  }
0x1a: {  	[tilespmem:s3], [sflag:$0x5] =	stream.linear.gather [hbm4b:s8+s3], $0x100, $0x38;
	[tilespmem:$0x1C200] =	vst v63  }
0x1b: {  	_ =	swait.ge [sflag:s16], $0x100  }
0x1c: {  	[sflag:s16] =	ssyncset.done $0x0  }
0x1d: {  	[sflag:s16] =	ssyncadd.s32 $0xFFFFFF00  }
0x1e: {  	[tilespmem:s17], [sflag:$0x2] =	stream.linear.gather [hbm4b:s9+s3], $0x100, $0x38;
	[tilespmem:$0x1C200] =	vst v63  }
0x1f: {  	_ = 	snop  }
0x20: {  	[tilespmem:s19], [sflag:$0x3] =	stream.indirect.gather [hbm4b:s4+s18], $0x80, s3, s18, $0xb8;
	[tilespmem:$0x1C200] =	vst v63  }
0x21: {  	_ =	swait.ge [sflag:s20], $0x100  }
0x22: {  	[sflag:s20] =	ssyncset.done $0x0  }
0x23: {  	[sflag:s20] =	ssyncadd.s32 $0xFFFFFF00  }
0x24: {  	[tilespmem:s21], [sflag:$0x4] =	stream.indirect.gather [hbm4b:s4+s18], $0x80, s17, s18, $0xb8;
	[tilespmem:$0x1C200] =	vst v63  }
0x25: {  	_ =	swait.ge [sflag:s22], $0x4000  }
0x26: {  	[sflag:s22] =	ssyncset.done $0x0  }
0x27: {  	s26 =	sadd.s32 $0xFFFFFFFF, s13;
	[sflag:s22] =	ssyncadd.s32 $0xFFFFC000  }
0x28: {  	[spmem:s2] =	stream.indirect.scatter.add.f32 [tilespmem:s19], [sflag:$0x5], $0x80, s18, s18, $0xb8;
	[tilespmem:$0x1C200] =	vst v63  }
0x29: {  	p0 =	sge.u32 s26, s5;
	_ =	swait.ge [sflag:s16], $0x4000  }
0x2a: {  	s26 =	sadd.s32 @!p0 $0x0, s14;
	[sflag:s16] =	ssyncset.done $0x0  }
0x2b: {  	s28 =	simm.s32 @!p0 $0x0;
	s29 =	simm.s32 @!p0 $0x1;
	[sflag:s16] =	ssyncadd.s32 $0xFFFFC000  }
0x2c: {  	[tilespmem:s28], [sflag:$0x1] =	stream.linear.gather @!p0 [hbm4b:s26+s28], $0x100, $0x38;
	[tilespmem:$0x1C200] =	vst v63  }
0x2d: {  	_ =	swait.ge @!p0 [sflag:s29], $0x100  }
0x2e: {  	[sflag:s29] =	ssyncset.done @!p0 $0x0  }
0x2f: {  	s30 =	simm.s32 @!p0 $0x200;
	s26 =	simm.s32 @!p0 $0x80;
	[sflag:s29] =	ssyncadd.s32 @!p0 $0xFFFFFF00  }
0x30: {  	[tilespmem:s30], [sflag:$0x3] =	stream.indirect.gather @!p0 [hbm4b:s4+s26], $0x80, s28, s26, $0xb8;
	[tilespmem:$0x1C200] =	vst v63  }
0x31: {  	_ =	swait.ge [sflag:s23], $0x4000  }
0x32: {  	[sflag:s23] =	ssyncset.done $0x0  }
0x33: {  	p1 =	sge.u32 s13, s5;
	[sflag:s23] =	ssyncadd.s32 $0xFFFFC000  }
0x34: {  	[spmem:s2] =	stream.indirect.scatter.add.f32 [tilespmem:s21], [sflag:$0x5], $0x80, s24, s18, $0xb8;
	[tilespmem:$0x1C200] =	vst v63  }
0x35: {  	s29 =	sadd.s32 @!p1 $0x0, s12;
	s26 =	simm.s32 $0x40;
	_ =	swait.ge [sflag:s16], $0x4000  }
0x36: {  	s28 =	sadd.s32 $0x2, s13;
	s30 =	simm.s32 @!p1 $0x100;
	[sflag:s16] =	ssyncset.done $0x0  }
.LBB2_2:
0x37: {  	[sflag:s16] =	ssyncadd.s32 $0xFFFFC000  }
0x38: {  	s31 =	simm.s32 @!p1 $0x0;
	s1 =	smov.u32 s26;
	s26 =	sadd.s32 $0x40, s26  }
0x39: {  	[tilespmem:s30], [sflag:$0x2] =	stream.linear.gather @!p1 [hbm4b:s29+s31], $0x100, $0x38;
	[tilespmem:$0x1C200] =	vst v63  }
0x3a: {  	p0 =	sne.s32 s26, $0x9C0;
	_ =	swait.ge [sflag:s20], $0x100  }
0x3b: {  	[sflag:s20] =	ssyncset.done $0x0  }
0x3c: {  	[sflag:s20] =	ssyncadd.s32 $0xFFFFFF00  }
0x3d: {  	[tilespmem:s21], [sflag:$0x4] =	stream.indirect.gather [hbm4b:s4+s18], $0x80, s17, s18, $0xb8;
	[tilespmem:$0x1C200] =	vst v63  }
0x3e: {  	_ =	swait.ge [sflag:s22], $0x4000  }
0x3f: {  	[sflag:s22] =	ssyncset.done $0x0  }
0x40: {  	s29 =	sadd.s32 $0xFFFFFFFF, s28;
	[sflag:s22] =	ssyncadd.s32 $0xFFFFC000  }
0x41: {  	[spmem:s2] =	stream.indirect.scatter.add.f32 [tilespmem:s19], [sflag:$0x5], $0x80, s18, s18, $0xb8;
	[tilespmem:$0x1C200] =	vst v63  }
0x42: {  	p1 =	sge.u32 s29, s5;
	_ =	swait.ge [sflag:s16], $0x4000  }
0x43: {  	s29 =	sadd.s32 @!p1 s1, s14;
	s30 =	simm.s32 @!p1 $0x0;
	[sflag:s16] =	ssyncset.done $0x0  }
0x44: {  	s31 =	simm.s32 @!p1 $0x1;
	[sflag:s16] =	ssyncadd.s32 $0xFFFFC000  }
0x45: {  	[tilespmem:s30], [sflag:$0x1] =	stream.linear.gather @!p1 [hbm4b:s29+s30], $0x100, $0x38;
	[tilespmem:$0x1C200] =	vst v63  }
0x46: {  	_ =	swait.ge @!p1 [sflag:s31], $0x100  }
0x47: {  	s0 =	simm.s32 @!p1 $0x200;
	s29 =	simm.s32 @!p1 $0x80;
	[sflag:s31] =	ssyncset.done @!p1 $0x0  }
0x48: {  	[sflag:s31] =	ssyncadd.s32 @!p1 $0xFFFFFF00  }
0x49: {  	[tilespmem:s0], [sflag:$0x3] =	stream.indirect.gather @!p1 [hbm4b:s4+s29], $0x80, s30, s29, $0xb8;
	[tilespmem:$0x1C200] =	vst v63  }
0x4a: {  	_ =	swait.ge [sflag:s23], $0x4000  }
.Ltmp0:
0x4b: {  	[sflag:s23] =	ssyncset.done $0x0;
	(pc) =	sbr.rel @p0 .LBB2_2-.Ltmp0, $4  }
0x4c: {  	[sflag:s23] =	ssyncadd.s32 $0xFFFFC000  }
0x4d: {  	[spmem:s2] =	stream.indirect.scatter.add.f32 [tilespmem:s21], [sflag:$0x5], $0x80, s24, s18, $0xb8;
	[tilespmem:$0x1C200] =	vst v63  }
0x4e: {  	p1 =	sge.u32 s28, s5;
	s28 =	sadd.s32 $0x2, s28;
	_ =	swait.ge [sflag:s16], $0x4000  }
0x4f: {  	s29 =	sadd.s32 @!p1 s1, s12;
	s30 =	simm.s32 @!p1 $0x100;
	[sflag:s16] =	ssyncset.done $0x0  }
0x50: {  	[sflag:s16] =	ssyncadd.s32 $0xFFFFC000;
	s0 =	simm.s32 @!p1 $0x0  }
0x51: {  	[tilespmem:s30], [sflag:$0x2] =	stream.linear.gather @!p1 [hbm4b:s29+s0], $0x100, $0x38;
	[tilespmem:$0x1C200] =	vst v63  }
0x52: {  	_ =	swait.ge [sflag:s20], $0x100  }
0x53: {  	[sflag:s20] =	ssyncset.done $0x0  }
0x54: {  	[sflag:s20] =	ssyncadd.s32 $0xFFFFFF00  }
0x55: {  	[tilespmem:s21], [sflag:$0x4] =	stream.indirect.gather [hbm4b:s4+s18], $0x80, s17, s18, $0xb8;
	[tilespmem:$0x1C200] =	vst v63  }
0x56: {  	_ =	swait.ge [sflag:s22], $0x4000  }
0x57: {  	[sflag:s22] =	ssyncset.done $0x0  }
0x58: {  	[sflag:s22] =	ssyncadd.s32 $0xFFFFC000  }
0x59: {  	[spmem:s2] =	stream.indirect.scatter.add.f32 [tilespmem:s19], [sflag:$0x5], $0x80, s18, s18, $0xb8;
	[tilespmem:$0x1C200] =	vst v63  }
0x5a: {  	_ =	swait.ge [sflag:s16], $0x4000  }
0x5b: {  	[sflag:s16] =	ssyncset.done $0x0  }
0x5c: {  	[sflag:s16] =	ssyncadd.s32 $0xFFFFC000  }
0x5d: {  	_ =	swait.ge [sflag:s23], $0x4000  }
0x5e: {  	[sflag:s23] =	ssyncset.done $0x0  }
0x5f: {  	[sflag:s23] =	ssyncadd.s32 $0xFFFFC000  }
0x60: {  	[spmem:s2] =	stream.indirect.scatter.add.f32 [tilespmem:s21], [sflag:$0x5], $0x80, s24, s18, $0xb8;
	[tilespmem:$0x1C200] =	vst v63  }
0x61: {  	_ =	swait.ge [sflag:s16], $0x4000  }
0x62: {  	s25 =	sadd.s32 $0x1, s25;
	[sflag:s16] =	ssyncset.done $0x0  }
0x63: {  	p0 =	sne.s32 s25, s11;
	[sflag:s16] =	ssyncadd.s32 $0xFFFFC000  }
.Ltmp1:
0x64: {  	[bflag:$0x0] =	sbarrier.arrive $0xFFFF;
	(pc) =	sbr.rel @p0 .LBB2_1-.Ltmp1, $4  }
0x65: {  	[hbm:s10], [sflag:s7] =	dma.local [spmem:s15], $0x2800  }
0x66: {  	_ =	swait.ge [sflag:s16], $0x2800  }
0x67: {  	[sflag:s16] =	ssyncset.done $0x0  }
0x68: {  	[sflag:s16] =	ssyncadd.s32 $0xFFFFD800  }
0x69: {  	_ =	sfence.sel $0x180000  }
0x6a: {  	[bflag:$0x0] =	sbarrier.arrive $0xFFFF  }
0x6b: {  	_ =	strace $0x9000004A  }
0x6c: {  	s0 =	stileid.u32;
	[bflag:$0x2] =	sbarrier.arrive $0xFFFF  }
0x6d: {  	p0 =	sne.s32 s0, $0x0;
	s0 =	rddreg [dreg:$0x2]  }
0x6e: {  	s0 =	sadd.s32 @!p0 $0x100000, s0  }
0x6f: {  	[sflag:s0] =	ssyncadd.tile.s32 @!p0 $0x1;
	_ =	shalt  }
.Lfunc_end2:
_tile_overlayer_lowered:
.L_overlay_start_2:
0x70: {  	(tag) =	ssettag $0x2  }
0x71: {  	s0 =	rddreg [dreg:$0x0];
	s2 =	stileid.u32  }
0x72: {  	s1 =	rddreg [dreg:$0x1];
	p0 =	sne.s32 s2, $0x0  }
0x73: {  	s3 =	rddreg [dreg:$0x2];
	[bflag:$0x3] =	sbarrier.arrive $0xFFFF;
	s2 =	simm.s32 @!p0 $0x1C05  }
0x74: {  	[timem:s3], [sflag:s2] =	dma.local @!p0 [hbm:s0], s1  }
0x75: {  	s0 =	simm.s32 @!p0 $0x5  }
0x76: {  	_ =	swait.ge @!p0 [sflag:s0], s1  }
0x77: {  	s1 =	ssub.s32 @!p0 $0x0, s1;
	[sflag:s0] =	ssyncset.done @!p0 $0x0  }
0x78: {  	[sflag:s0] =	ssyncadd.s32 @!p0 s1  }
0x79: {  	[bflag:$0x3] =	sbarrier.arrive $0xFFFF  }
0x7a: {  	_ =	shalt  }

// kernel: kernel.14.cloned.1.call-start
scs
__scs_entry_jumppad:
0x0: {  	(pc) =	sbr.rel $0x88, $3  }
0x1: {  	(tag) =	ssettag $0x0;
	lr =	simm.s32 $0x1  }
0x2: {  	[smem:$0x3F98] =	sst lr;
	_ =	strace $0xD0000000  }
0x3: {  	_ = 	snop  }
0x4: {  	_ = 	snop  }
0x5: {  	_ = 	snop  }
0x6: {  	_ = 	snop  }
0x7: {  	_ = 	snop  }
__scs_overlays_trampoline_lowered:
0x8: {  	[smem:$0x3FA7] =	sst s0  }
0x9: {  	[smem:$0x3FA8] =	sst s1  }
0xa: {  	[smem:$0x3FA9] =	sst s2  }
0xb: {  	[smem:$0x3FAA] =	sst s3  }
0xc: {  	[smem:$0x3FAB] =	sst s4  }
0xd: {  	[smem:$0x3FAC] =	sst s5  }
0xe: {  	[smem:$0x3FAD] =	sst s6  }
0xf: {  	[smem:$0x3FAE] =	sst s7  }
0x10: {  	[smem:$0x3FAF] =	sst s8  }
0x11: {  	[smem:$0x3FB0] =	sst s9;
	s0 =	simm.s32 @!p0 $0x0  }
0x12: {  	s1 =	sld [smem:$0x3F96];
	s0 =	simm.s32 @p0 $0x1  }
0x13: {  	[smem:$0x3FB1] =	sst s0;
	s0 =	simm.s32 @!p1 $0x0  }
0x14: {  	s2 =	sld [smem:$0x3F95];
	s0 =	simm.s32 @p1 $0x1  }
0x15: {  	[smem:$0x3FB2] =	sst s0;
	s0 =	simm.s32 @!p2 $0x0  }
0x16: {  	s3 =	sld [smem:$0x3FDB];
	s0 =	simm.s32 @p2 $0x1  }
0x17: {  	s4 =	simm.s32 $0x1BF5;
	[smem:$0x3FB4] =	sst s0  }
0x18: {  	s0 =	sld [smem:$0x3F97];
	_ =	swait.ge [sflag:s4], $0x0  }
0x19: {  	s7 =	sld [smem:$0x3F98]  }
0x1a: {  	s8 =	sadd.s32 $0xFFFFE003, lr  }
0x1b: {  	s9 =	sadd.s32 $0xFFFFFEF7, lr;
	s5 =	simm.s32 $0xFFFFFFFF;
	p2 =	slt.u32 s8, $0xFFFFF086  }
0x1c: {  	p1 =	slt.u32 s9, $0xF7A;
	s5 =	simm.s32 @!p2 $0x0  }
0x1d: {  	s5 =	simm.s32 @p1 $0x1;
	p0 =	seq.s32 s7, s2  }
0x1e: {  	s7 =	smul.u32 @!p0 $0xF7A, s2;
	p2 =	seq.s32 @!p0 s5, $0x0  }
0x1f: {  	s9 =	smul.u32 $0xF7A, s1;
	s8 =	simm.s32 @!p0 $0x1BF5;
	p2 =	por !p2, p0  }
0x20: {  	[sflag:s8] =	ssyncset.s32 @!p0 $0xFFFFF086;
	s6 =	sadd.s32 @!p0 s3, s7;
	s7 =	simm.s32 @!p0 $0x108  }
0x21: {  	s3 =	sadd.s32 s3, s9;
	s6 =	sadd.s32 @!p0 $0x88, s6;
	s7 =	simm.s32 @p2 $0x1082  }
0x22: {  	[simem:s7], [sflag:s8] =	dma.local @!p0 [hbm:s6], $0xF7A  }
0x23: {  	s9 =	sor.u32 $0xD0000000, s2;
	s6 =	simm.s32 $0x108;
	_ =	swait.ge @!p0 [sflag:s8], $0x0  }
0x24: {  	s3 =	sadd.s32 $0x88, s3;
	s6 =	simm.s32 @!p1 $0x1082;
	[sflag:s4] =	ssyncset.s32 $0xFFFFF086  }
0x25: {  	[simem:s6], [sflag:s4] =	dma.local [hbm:s3], $0xF7A  }
0x26: {  	[smem:$0x3F98] =	sst s1;
	(tag) =	ssettag s2;
	_ =	strace s9  }
0x27: {  	s1 =	sld [smem:$0x3FA8]  }
0x28: {  	s2 =	sld [smem:$0x3FA9]  }
0x29: {  	s4 =	sld [smem:$0x3FAB]  }
0x2a: {  	p0 =	seq.s32 s5, $0x0;
	s5 =	sld [smem:$0x3FAC]  }
0x2b: {  	s6 =	sld [smem:$0x3FAD]  }
0x2c: {  	s7 =	sld [smem:$0x3FAE]  }
0x2d: {  	s3 =	simm.s32 $0x108;
	s8 =	sld [smem:$0x3FAF]  }
0x2e: {  	s3 =	simm.s32 @!p0 $0x1082;
	s9 =	sld [smem:$0x3FB0]  }
0x2f: {  	lr =	sadd.s32 s0, s3;
	s0 =	sld [smem:$0x3FA7]  }
0x30: {  	s3 =	sld [smem:$0x3FAA]  }
0x31: {  	[smem:$0x3FB3] =	sst s10  }
0x32: {  	s10 =	sld [smem:$0x3FB1];
	_ =	sdelay $0x3  }
0x33: {  	p0 =	seq.s32 s10, $0x1;
	s10 =	sld [smem:$0x3FB3];
	_ =	sdelay $0x3  }
0x34: {  	[smem:$0x3FB3] =	sst s10  }
0x35: {  	s10 =	sld [smem:$0x3FB2];
	_ =	sdelay $0x3  }
0x36: {  	p1 =	seq.s32 s10, $0x1;
	s10 =	sld [smem:$0x3FB3];
	_ =	sdelay $0x3  }
0x37: {  	[smem:$0x3FB3] =	sst s10  }
0x38: {  	s10 =	sld [smem:$0x3FB4]  }
0x39: {  	_ = 	snop;
	(pc) =	sbr.ind lr, $3  }
0x3a: {  	_ = 	snop  }
0x3b: {  	_ = 	snop  }
0x3c: {  	p2 =	seq.s32 s10, $0x1;
	s10 =	sld [smem:$0x3FB3]  }
0x3d: {  	_ =	shalt  }
0x3e: {  	_ =	shalt  }
0x3f: {  	_ =	shalt  }
0x40: {  	_ =	shalt  }
0x41: {  	_ =	shalt  }
0x42: {  	_ =	shalt  }
0x43: {  	_ =	shalt  }
0x44: {  	_ =	shalt  }
0x45: {  	_ =	shalt  }
0x46: {  	_ =	shalt  }
0x47: {  	_ =	shalt  }
0x48: {  	_ =	shalt  }
0x49: {  	_ =	shalt  }
0x4a: {  	_ =	shalt  }
0x4b: {  	_ =	shalt  }
0x4c: {  	_ =	shalt  }
0x4d: {  	_ =	shalt  }
0x4e: {  	_ =	shalt  }
0x4f: {  	_ =	shalt  }
0x50: {  	_ =	shalt  }
0x51: {  	_ =	shalt  }
0x52: {  	_ =	shalt  }
0x53: {  	_ =	shalt  }
0x54: {  	_ =	shalt  }
0x55: {  	_ =	shalt  }
0x56: {  	_ =	shalt  }
0x57: {  	_ =	shalt  }
0x58: {  	_ =	shalt  }
0x59: {  	_ =	shalt  }
0x5a: {  	_ =	shalt  }
0x5b: {  	_ =	shalt  }
0x5c: {  	_ =	shalt  }
0x5d: {  	_ =	shalt  }
0x5e: {  	_ =	shalt  }
0x5f: {  	_ =	shalt  }
0x60: {  	_ =	shalt  }
0x61: {  	_ =	shalt  }
0x62: {  	_ =	shalt  }
0x63: {  	_ =	shalt  }
0x64: {  	_ =	shalt  }
0x65: {  	_ =	shalt  }
0x66: {  	_ =	shalt  }
0x67: {  	_ =	shalt  }
0x68: {  	_ =	shalt  }
0x69: {  	_ =	shalt  }
0x6a: {  	_ =	shalt  }
0x6b: {  	_ =	shalt  }
0x6c: {  	_ =	shalt  }
0x6d: {  	_ =	shalt  }
0x6e: {  	_ =	shalt  }
0x6f: {  	_ =	shalt  }
0x70: {  	_ =	shalt  }
0x71: {  	_ =	shalt  }
0x72: {  	_ =	shalt  }
0x73: {  	_ =	shalt  }
0x74: {  	_ =	shalt  }
0x75: {  	_ =	shalt  }
0x76: {  	_ =	shalt  }
0x77: {  	_ =	shalt  }
0x78: {  	_ =	shalt  }
0x79: {  	_ =	shalt  }
0x7a: {  	_ =	shalt  }
0x7b: {  	_ =	shalt  }
0x7c: {  	_ =	shalt  }
0x7d: {  	_ =	shalt  }
0x7e: {  	_ =	shalt  }
0x7f: {  	_ =	shalt  }
0x80: {  	_ =	shalt  }
0x81: {  	_ =	shalt  }
0x82: {  	_ =	shalt  }
0x83: {  	_ =	shalt  }
0x84: {  	_ =	shalt  }
0x85: {  	_ =	shalt  }
0x86: {  	_ =	shalt  }
0x87: {  	_ =	shalt  }
.Lfunc_end0:
.L_simem_size_0:
called_computation.2_lowered:
.L_overlay_start_0:
0x88: {  	s2 =	sld [smem:$0x3FD9]  }
0x89: {  	s3 =	sld [smem:$0x3FFE];
	_ =	sdelay $0x1  }
0x8a: {  	s1 =	srdreg.scid  }
0x8b: {  	s0 =	sand.u32 $0x1, s1  }
0x8c: {  	s16 =	sshll.u32 s0, $0xA;
	s2 =	sadd.s32 s3, s2  }
0x8d: {  	s2 =	sadd.s32 s2, s16  }
0x8e: {  	[smem:$0x3FBF] =	sst s2  }
0x8f: {  	_ = 	snop  }
0x90: {  	(tm) =	ssettm $0x1  }
0x91: {  	s17 =	sld [smem:$0x3FFB];
	_ =	sdelay $0x3  }
0x92: {  	_ =	strace s17  }
0x93: {  	s2 =	sld [smem:$0x3FFC];
	_ =	sdelay $0x3  }
0x94: {  	_ =	strace s2  }
0x95: {  	s2 =	sld [smem:$0x3FFD];
	_ =	sdelay $0x3  }
0x96: {  	_ =	strace s2  }
0x97: {  	_ =	strace $0x8FFFFFFF  }
0x98: {  	s18 =	sld [smem:$0x3FDB];
	_ =	sdelay $0x1  }
0x99: {  	s19 =	simm.s32 $_scs_section_size  }
0x9a: {  	s4 =	simm.s32 $_size__tile_overlayer_lowered;
	s5 =	simm.s32 $_tile_overlayer_lowered  }
0x9b: {  	s22 =	simm.s32 $0x1BFF;
	s21 =	sshll.u32 s5, $0x1;
	s2 =	sadd.s32 s19, s18  }
0x9c: {  	s6 =	simm.s32 $0x0;
	s20 =	sshll.u32 s4, $0x1;
	s4 =	sadd.s32 s21, s2  }
0x9d: {  	[timem:s6], [sflag:s22] =	dma.local [hbm:s4], s20  }
0x9e: {  	_ =	swait.ge [sflag:s22], s20  }
0x9f: {  	s3 =	ssub.s32 $0x0, s20;
	[sflag:s22] =	ssyncset.done $0x0  }
0xa0: {  	[sflag:s22] =	ssyncadd.s32 s3;
	_ =	sdelay $0x1  }
0xa1: {  	s23 =	simm.s32 $0x1B8B  }
0xa2: {  	_ =	swait.ge [sflag:s23], $0x1  }
0xa3: {  	[sflag:s23] =	ssyncset.done $0x0  }
0xa4: {  	s25 =	simm.s32 $0x1B8E;
	s24 =	sld [smem:$0x3FFE];
	[sflag:s23] =	ssyncadd.s32 $0xFFFFFFFF  }
0xa5: {  	s26 =	simm.s32 $execute0_lowered;
	[smem:$0x3FD2] =	sst s25  }
0xa6: {  	s4 =	sshll.u32 s26, $0x1;
	_ =	strace $0x8000004C;
	[dreg:$0x1] =	wrdreg $0xFFFFFFFF  }
0xa7: {  	s28 =	simm.s32 $_size_execute0_lowered;
	s2 =	sadd.s32 s2, s4;
	[dreg:$0x0] =	wrdreg $0x0  }
0xa8: {  	s4 =	sshll.u32 s28, $0x1;
	[dreg:$0x2] =	wrdreg s2  }
0xa9: {  	[dreg:$0x3] =	wrdreg s4  }
0xaa: {  	[dreg:$0x4] =	wrdreg $0xC0  }
0xab: {  	_ =	task [dreg:s6], $0x5FFFF  }
0xac: {  	[dreg:$0x1] =	wrdreg $0xFFFFFFFF  }
0xad: {  	[dreg:$0x0] =	wrdreg $0x60  }
0xae: {  	[dreg:$0x2] =	wrdreg s24  }
0xaf: {  	[dreg:$0x3] =	wrdreg $0x82000  }
0xb0: {  	[dreg:$0x4] =	wrdreg $0x9  }
0xb1: {  	_ =	task.clear_ibuf [dreg:s6], $0x5FFFF;
	_ =	strace $0x9000004C  }
0xb2: {  	s29 =	simm.s32 $0x9;
	_ =	strace $0x8000004E  }
0xb3: {  	_ =	swait.ge [sflag:s29], $0x1  }
0xb4: {  	[sflag:s29] =	ssyncadd.s32 $0xFFFFFFFF  }
0xb5: {  	_ =	strace $0x9000004E  }
0xb6: {  	_ =	sfence  }
0xb7: {  	s30 =	sld [smem:$0x0];
	_ =	sdelay $0x2  }
0xb8: {  	s31 =	sshll.u32 s1, $0xD;
	s1 =	sshrl.u32 s1, $0x2  }
0xb9: {  	s3 =	sand.u32 $0x4000, s31;
	s1 =	sadd.s32 s1, s30  }
0xba: {  	s0 =	sor.u32 s3, s0;
	s1 =	sshll.u32 s1, $0x11  }
0xbb: {  	s0 =	sor.u32 s1, s0  }
0xbc: {  	s0 =	sadd.s32 $0x8F2B, s0  }
0xbd: {  	[sflag:s0] =	ssyncadd.remote.s32 $0x1  }
0xbe: {  	_ =	sfence.sel $0xFFFF  }
0xbf: {  	[dreg:$0x0] =	wrdreg $0xFFFFFFFF;
	(pc) =	sbr.abs _section_cstart, $3  }
0xc0: {  	[dreg:$0x1] =	wrdreg $0xFFFFFFFF  }
0xc1: {  	_ =	task.clear_ibuf [dreg:s6], $0x2FFFF;
	_ =	strace $0x9FFFFFFF  }
0xc2: {  	(tm) =	ssettm $0x7FFFFFFF  }
0xc3: {  	_ =	shalt  }
tec
execute0_lowered:
.L_overlay_start_1:
0x0: {  	(tag) =	ssettag $0x1  }
0x1: {  	s5 =	rddreg [dreg:$0x0]  }
0x2: {  	s0 =	stileid.u32;
	s1 =	srdreg.scid  }
0x3: {  	s2 =	rddreg [dreg:$0x1];
	s3 =	simm.s32 $0x0;
	s18 =	simm.s32 $0x80  }
0x4: {  	s19 =	simm.s32 $0x200;
	s20 =	simm.s32 $0x2;
	s4 =	smul.u32 $0x14000, s0  }
0x5: {  	s21 =	simm.s32 $0x4200;
	s22 =	simm.s32 $0x3;
	s9 =	smul.u32 $0x50000, s0  }
0x6: {  	s6 =	sand.u32 $0x1, s1;
	[smem:$0x7FF] =	sst s3;
	s25 =	smul.u32 $0xA000, s0  }
0x7: {  	s14 =	sadd.s32 $0x3800, s5;
	s29 =	sshll.u32 s0, $0x6;
	s7 =	smul.u32 $0x140000, s6  }
0x8: {  	_ =	strace $0x8000004D;
	s23 =	ssub.s32 $0x2, s6;
	s6 =	ssub.s32 $0x0, s6  }
0x9: {  	s8 =	sshrl.u32 s4, $0x3;
	s24 =	sshrl.u32 s23, $0x1;
	s13 =	sand.u32 $0x50, s6  }
0xa: {  	s26 =	sshrl.u32 s9, $0x2;
	s7 =	sadd.s32 s4, s7;
	s4 =	sadd.s32 $0x17800, s5  }
0xb: {  	s8 =	sadd.s32 s8, s5;
	s11 =	ssub.s32 s23, s24;
	s28 =	sshll.u32 s13, $0x8  }
0xc: {  	s15 =	sadd.s32 s26, s2;
	s23 =	simm.s32 $0x4;
	s24 =	simm.s32 $0x180  }
0xd: {  	s7 =	sshrl.u32 s7, $0x3;
	s6 =	sadd.s32 $0x3F800, s8;
	s12 =	sadd.s32 s25, s28  }
0xe: {  	s11 =	smax.u32 s11, $0x1;
	s15 =	sshrl.u32 s15, $0x3;
	s25 =	simm.s32 $0x0  }
0xf: {  	s10 =	sadd.s32 s7, s5;
	s5 =	sadd.s32 $0x50, s13;
	s30 =	sshrl.u32 s12, $0x3  }
0x10: {  	s9 =	sor.u32 $0x100, s12;
	s7 =	sor.u32 $0x1C05, s29;
	s16 =	sor.u32 $0x300, s12  }
0x11: {  	s17 =	sor.u32 $0x200, s12;
	s13 =	sor.u32 $0x3, s13;
	s8 =	sadd.s32 s14, s30  }
0x12: {  	s9 =	sshrl.u32 s9, $0x3;
	s10 =	sadd.s32 $0x67E00, s10;
	s16 =	sshrl.u32 s16, $0x3  }
0x13: {  	s31 =	sshrl.u32 s17, $0x3;
	s17 =	simm.s32 $0x100;
	s9 =	sadd.s32 s14, s9  }
0x14: {  	s12 =	sadd.s32 s16, s14;
	s14 =	sadd.s32 s31, s14;
	s16 =	simm.s32 $0x5  }
.LBB2_1:
0x15: {  	[spmem:s15], [sflag:s7] =	dma.local [hbm:s6], $0x2800  }
0x16: {  	_ =	swait.ge [sflag:s16], $0x2800  }
0x17: {  	[sflag:s16] =	ssyncset.done $0x0  }
0x18: {  	[sflag:s16] =	ssyncadd.s32 $0xFFFFD800  }
0x19: {  	[bflag:$0x0] =	sbarrier.arrive $0xFFFF  }
0x1a: {  	[tilespmem:s3], [sflag:$0x5] =	stream.linear.gather [hbm4b:s8+s3], $0x100, $0x38;
	[tilespmem:$0x1C200] =	vst v63  }
0x1b: {  	_ =	swait.ge [sflag:s16], $0x100  }
0x1c: {  	[sflag:s16] =	ssyncset.done $0x0  }
0x1d: {  	[sflag:s16] =	ssyncadd.s32 $0xFFFFFF00  }
0x1e: {  	[tilespmem:s17], [sflag:$0x2] =	stream.linear.gather [hbm4b:s9+s3], $0x100, $0x38;
	[tilespmem:$0x1C200] =	vst v63  }
0x1f: {  	_ = 	snop  }
0x20: {  	[tilespmem:s19], [sflag:$0x3] =	stream.indirect.gather [hbm4b:s4+s18], $0x80, s3, s18, $0xb8;
	[tilespmem:$0x1C200] =	vst v63  }
0x21: {  	_ =	swait.ge [sflag:s20], $0x100  }
0x22: {  	[sflag:s20] =	ssyncset.done $0x0  }
0x23: {  	[sflag:s20] =	ssyncadd.s32 $0xFFFFFF00  }
0x24: {  	[tilespmem:s21], [sflag:$0x4] =	stream.indirect.gather [hbm4b:s4+s18], $0x80, s17, s18, $0xb8;
	[tilespmem:$0x1C200] =	vst v63  }
0x25: {  	_ =	swait.ge [sflag:s22], $0x4000  }
0x26: {  	[sflag:s22] =	ssyncset.done $0x0  }
0x27: {  	s26 =	sadd.s32 $0xFFFFFFFF, s13;
	[sflag:s22] =	ssyncadd.s32 $0xFFFFC000  }
0x28: {  	[spmem:s2] =	stream.indirect.scatter.add.f32 [tilespmem:s19], [sflag:$0x5], $0x80, s18, s18, $0xb8;
	[tilespmem:$0x1C200] =	vst v63  }
0x29: {  	p0 =	sge.u32 s26, s5;
	_ =	swait.ge [sflag:s16], $0x4000  }
0x2a: {  	s26 =	sadd.s32 @!p0 $0x0, s14;
	[sflag:s16] =	ssyncset.done $0x0  }
0x2b: {  	s28 =	simm.s32 @!p0 $0x0;
	s29 =	simm.s32 @!p0 $0x1;
	[sflag:s16] =	ssyncadd.s32 $0xFFFFC000  }
0x2c: {  	[tilespmem:s28], [sflag:$0x1] =	stream.linear.gather @!p0 [hbm4b:s26+s28], $0x100, $0x38;
	[tilespmem:$0x1C200] =	vst v63  }
0x2d: {  	_ =	swait.ge @!p0 [sflag:s29], $0x100  }
0x2e: {  	[sflag:s29] =	ssyncset.done @!p0 $0x0  }
0x2f: {  	s30 =	simm.s32 @!p0 $0x200;
	s26 =	simm.s32 @!p0 $0x80;
	[sflag:s29] =	ssyncadd.s32 @!p0 $0xFFFFFF00  }
0x30: {  	[tilespmem:s30], [sflag:$0x3] =	stream.indirect.gather @!p0 [hbm4b:s4+s26], $0x80, s28, s26, $0xb8;
	[tilespmem:$0x1C200] =	vst v63  }
0x31: {  	_ =	swait.ge [sflag:s23], $0x4000  }
0x32: {  	[sflag:s23] =	ssyncset.done $0x0  }
0x33: {  	p1 =	sge.u32 s13, s5;
	[sflag:s23] =	ssyncadd.s32 $0xFFFFC000  }
0x34: {  	[spmem:s2] =	stream.indirect.scatter.add.f32 [tilespmem:s21], [sflag:$0x5], $0x80, s24, s18, $0xb8;
	[tilespmem:$0x1C200] =	vst v63  }
0x35: {  	s29 =	sadd.s32 @!p1 $0x0, s12;
	s26 =	simm.s32 $0x40;
	_ =	swait.ge [sflag:s16], $0x4000  }
0x36: {  	s28 =	sadd.s32 $0x2, s13;
	s30 =	simm.s32 @!p1 $0x100;
	[sflag:s16] =	ssyncset.done $0x0  }
.LBB2_2:
0x37: {  	[sflag:s16] =	ssyncadd.s32 $0xFFFFC000  }
0x38: {  	s31 =	simm.s32 @!p1 $0x0;
	s1 =	smov.u32 s26;
	s26 =	sadd.s32 $0x40, s26  }
0x39: {  	[tilespmem:s30], [sflag:$0x2] =	stream.linear.gather @!p1 [hbm4b:s29+s31], $0x100, $0x38;
	[tilespmem:$0x1C200] =	vst v63  }
0x3a: {  	p0 =	sne.s32 s26, $0x9C0;
	_ =	swait.ge [sflag:s20], $0x100  }
0x3b: {  	[sflag:s20] =	ssyncset.done $0x0  }
0x3c: {  	[sflag:s20] =	ssyncadd.s32 $0xFFFFFF00  }
0x3d: {  	[tilespmem:s21], [sflag:$0x4] =	stream.indirect.gather [hbm4b:s4+s18], $0x80, s17, s18, $0xb8;
	[tilespmem:$0x1C200] =	vst v63  }
0x3e: {  	_ =	swait.ge [sflag:s22], $0x4000  }
0x3f: {  	[sflag:s22] =	ssyncset.done $0x0  }
0x40: {  	s29 =	sadd.s32 $0xFFFFFFFF, s28;
	[sflag:s22] =	ssyncadd.s32 $0xFFFFC000  }
0x41: {  	[spmem:s2] =	stream.indirect.scatter.add.f32 [tilespmem:s19], [sflag:$0x5], $0x80, s18, s18, $0xb8;
	[tilespmem:$0x1C200] =	vst v63  }
0x42: {  	p1 =	sge.u32 s29, s5;
	_ =	swait.ge [sflag:s16], $0x4000  }
0x43: {  	s29 =	sadd.s32 @!p1 s1, s14;
	s30 =	simm.s32 @!p1 $0x0;
	[sflag:s16] =	ssyncset.done $0x0  }
0x44: {  	s31 =	simm.s32 @!p1 $0x1;
	[sflag:s16] =	ssyncadd.s32 $0xFFFFC000  }
0x45: {  	[tilespmem:s30], [sflag:$0x1] =	stream.linear.gather @!p1 [hbm4b:s29+s30], $0x100, $0x38;
	[tilespmem:$0x1C200] =	vst v63  }
0x46: {  	_ =	swait.ge @!p1 [sflag:s31], $0x100  }
0x47: {  	s0 =	simm.s32 @!p1 $0x200;
	s29 =	simm.s32 @!p1 $0x80;
	[sflag:s31] =	ssyncset.done @!p1 $0x0  }
0x48: {  	[sflag:s31] =	ssyncadd.s32 @!p1 $0xFFFFFF00  }
0x49: {  	[tilespmem:s0], [sflag:$0x3] =	stream.indirect.gather @!p1 [hbm4b:s4+s29], $0x80, s30, s29, $0xb8;
	[tilespmem:$0x1C200] =	vst v63  }
0x4a: {  	_ =	swait.ge [sflag:s23], $0x4000  }
.Ltmp0:
0x4b: {  	[sflag:s23] =	ssyncset.done $0x0;
	(pc) =	sbr.rel @p0 .LBB2_2-.Ltmp0, $4  }
0x4c: {  	[sflag:s23] =	ssyncadd.s32 $0xFFFFC000  }
0x4d: {  	[spmem:s2] =	stream.indirect.scatter.add.f32 [tilespmem:s21], [sflag:$0x5], $0x80, s24, s18, $0xb8;
	[tilespmem:$0x1C200] =	vst v63  }
0x4e: {  	p1 =	sge.u32 s28, s5;
	s28 =	sadd.s32 $0x2, s28;
	_ =	swait.ge [sflag:s16], $0x4000  }
0x4f: {  	s29 =	sadd.s32 @!p1 s1, s12;
	s30 =	simm.s32 @!p1 $0x100;
	[sflag:s16] =	ssyncset.done $0x0  }
0x50: {  	[sflag:s16] =	ssyncadd.s32 $0xFFFFC000;
	s0 =	simm.s32 @!p1 $0x0  }
0x51: {  	[tilespmem:s30], [sflag:$0x2] =	stream.linear.gather @!p1 [hbm4b:s29+s0], $0x100, $0x38;
	[tilespmem:$0x1C200] =	vst v63  }
0x52: {  	_ =	swait.ge [sflag:s20], $0x100  }
0x53: {  	[sflag:s20] =	ssyncset.done $0x0  }
0x54: {  	[sflag:s20] =	ssyncadd.s32 $0xFFFFFF00  }
0x55: {  	[tilespmem:s21], [sflag:$0x4] =	stream.indirect.gather [hbm4b:s4+s18], $0x80, s17, s18, $0xb8;
	[tilespmem:$0x1C200] =	vst v63  }
0x56: {  	_ =	swait.ge [sflag:s22], $0x4000  }
0x57: {  	[sflag:s22] =	ssyncset.done $0x0  }
0x58: {  	[sflag:s22] =	ssyncadd.s32 $0xFFFFC000  }
0x59: {  	[spmem:s2] =	stream.indirect.scatter.add.f32 [tilespmem:s19], [sflag:$0x5], $0x80, s18, s18, $0xb8;
	[tilespmem:$0x1C200] =	vst v63  }
0x5a: {  	_ =	swait.ge [sflag:s16], $0x4000  }
0x5b: {  	[sflag:s16] =	ssyncset.done $0x0  }
0x5c: {  	[sflag:s16] =	ssyncadd.s32 $0xFFFFC000  }
0x5d: {  	_ =	swait.ge [sflag:s23], $0x4000  }
0x5e: {  	[sflag:s23] =	ssyncset.done $0x0  }
0x5f: {  	[sflag:s23] =	ssyncadd.s32 $0xFFFFC000  }
0x60: {  	[spmem:s2] =	stream.indirect.scatter.add.f32 [tilespmem:s21], [sflag:$0x5], $0x80, s24, s18, $0xb8;
	[tilespmem:$0x1C200] =	vst v63  }
0x61: {  	_ =	swait.ge [sflag:s16], $0x4000  }
0x62: {  	s25 =	sadd.s32 $0x1, s25;
	[sflag:s16] =	ssyncset.done $0x0  }
0x63: {  	p0 =	sne.s32 s25, s11;
	[sflag:s16] =	ssyncadd.s32 $0xFFFFC000  }
.Ltmp1:
0x64: {  	[bflag:$0x0] =	sbarrier.arrive $0xFFFF;
	(pc) =	sbr.rel @p0 .LBB2_1-.Ltmp1, $4  }
0x65: {  	[hbm:s10], [sflag:s7] =	dma.local [spmem:s15], $0x2800  }
0x66: {  	_ =	swait.ge [sflag:s16], $0x2800  }
0x67: {  	[sflag:s16] =	ssyncset.done $0x0  }
0x68: {  	[sflag:s16] =	ssyncadd.s32 $0xFFFFD800  }
0x69: {  	_ =	sfence.sel $0x180000  }
0x6a: {  	[bflag:$0x0] =	sbarrier.arrive $0xFFFF  }
0x6b: {  	_ =	strace $0x9000004D  }
0x6c: {  	s0 =	stileid.u32;
	[bflag:$0x2] =	sbarrier.arrive $0xFFFF  }
0x6d: {  	p0 =	sne.s32 s0, $0x0;
	s0 =	rddreg [dreg:$0x2]  }
0x6e: {  	s0 =	sadd.s32 @!p0 $0x100000, s0  }
0x6f: {  	[sflag:s0] =	ssyncadd.tile.s32 @!p0 $0x1;
	_ =	shalt  }
.Lfunc_end2:
_tile_overlayer_lowered:
.L_overlay_start_2:
0x70: {  	(tag) =	ssettag $0x2  }
0x71: {  	s0 =	rddreg [dreg:$0x0];
	s2 =	stileid.u32  }
0x72: {  	s1 =	rddreg [dreg:$0x1];
	p0 =	sne.s32 s2, $0x0  }
0x73: {  	s3 =	rddreg [dreg:$0x2];
	[bflag:$0x3] =	sbarrier.arrive $0xFFFF;
	s2 =	simm.s32 @!p0 $0x1C05  }
0x74: {  	[timem:s3], [sflag:s2] =	dma.local @!p0 [hbm:s0], s1  }
0x75: {  	s0 =	simm.s32 @!p0 $0x5  }
0x76: {  	_ =	swait.ge @!p0 [sflag:s0], s1  }
0x77: {  	s1 =	ssub.s32 @!p0 $0x0, s1;
	[sflag:s0] =	ssyncset.done @!p0 $0x0  }
0x78: {  	[sflag:s0] =	ssyncadd.s32 @!p0 s1  }
0x79: {  	[bflag:$0x3] =	sbarrier.arrive $0xFFFF  }
0x7a: {  	_ =	shalt  }

// kernel: kernel.8.cloned.1.call-start
scs
__scs_entry_jumppad:
0x0: {  	(pc) =	sbr.rel $0x88, $3  }
0x1: {  	(tag) =	ssettag $0x0;
	lr =	simm.s32 $0x1  }
0x2: {  	[smem:$0x3F98] =	sst lr;
	_ =	strace $0xD0000000  }
0x3: {  	_ = 	snop  }
0x4: {  	_ = 	snop  }
0x5: {  	_ = 	snop  }
0x6: {  	_ = 	snop  }
0x7: {  	_ = 	snop  }
__scs_overlays_trampoline_lowered:
0x8: {  	[smem:$0x3FA7] =	sst s0  }
0x9: {  	[smem:$0x3FA8] =	sst s1  }
0xa: {  	[smem:$0x3FA9] =	sst s2  }
0xb: {  	[smem:$0x3FAA] =	sst s3  }
0xc: {  	[smem:$0x3FAB] =	sst s4  }
0xd: {  	[smem:$0x3FAC] =	sst s5  }
0xe: {  	[smem:$0x3FAD] =	sst s6  }
0xf: {  	[smem:$0x3FAE] =	sst s7  }
0x10: {  	[smem:$0x3FAF] =	sst s8  }
0x11: {  	[smem:$0x3FB0] =	sst s9;
	s0 =	simm.s32 @!p0 $0x0  }
0x12: {  	s1 =	sld [smem:$0x3F96];
	s0 =	simm.s32 @p0 $0x1  }
0x13: {  	[smem:$0x3FB1] =	sst s0;
	s0 =	simm.s32 @!p1 $0x0  }
0x14: {  	s2 =	sld [smem:$0x3F95];
	s0 =	simm.s32 @p1 $0x1  }
0x15: {  	[smem:$0x3FB2] =	sst s0;
	s0 =	simm.s32 @!p2 $0x0  }
0x16: {  	s3 =	sld [smem:$0x3FDB];
	s0 =	simm.s32 @p2 $0x1  }
0x17: {  	s4 =	simm.s32 $0x1BF5;
	[smem:$0x3FB4] =	sst s0  }
0x18: {  	s0 =	sld [smem:$0x3F97];
	_ =	swait.ge [sflag:s4], $0x0  }
0x19: {  	s7 =	sld [smem:$0x3F98]  }
0x1a: {  	s8 =	sadd.s32 $0xFFFFE003, lr  }
0x1b: {  	s9 =	sadd.s32 $0xFFFFFEF7, lr;
	s5 =	simm.s32 $0xFFFFFFFF;
	p2 =	slt.u32 s8, $0xFFFFF086  }
0x1c: {  	p1 =	slt.u32 s9, $0xF7A;
	s5 =	simm.s32 @!p2 $0x0  }
0x1d: {  	s5 =	simm.s32 @p1 $0x1;
	p0 =	seq.s32 s7, s2  }
0x1e: {  	s7 =	smul.u32 @!p0 $0xF7A, s2;
	p2 =	seq.s32 @!p0 s5, $0x0  }
0x1f: {  	s9 =	smul.u32 $0xF7A, s1;
	s8 =	simm.s32 @!p0 $0x1BF5;
	p2 =	por !p2, p0  }
0x20: {  	[sflag:s8] =	ssyncset.s32 @!p0 $0xFFFFF086;
	s6 =	sadd.s32 @!p0 s3, s7;
	s7 =	simm.s32 @!p0 $0x108  }
0x21: {  	s3 =	sadd.s32 s3, s9;
	s6 =	sadd.s32 @!p0 $0x88, s6;
	s7 =	simm.s32 @p2 $0x1082  }
0x22: {  	[simem:s7], [sflag:s8] =	dma.local @!p0 [hbm:s6], $0xF7A  }
0x23: {  	s9 =	sor.u32 $0xD0000000, s2;
	s6 =	simm.s32 $0x108;
	_ =	swait.ge @!p0 [sflag:s8], $0x0  }
0x24: {  	s3 =	sadd.s32 $0x88, s3;
	s6 =	simm.s32 @!p1 $0x1082;
	[sflag:s4] =	ssyncset.s32 $0xFFFFF086  }
0x25: {  	[simem:s6], [sflag:s4] =	dma.local [hbm:s3], $0xF7A  }
0x26: {  	[smem:$0x3F98] =	sst s1;
	(tag) =	ssettag s2;
	_ =	strace s9  }
0x27: {  	s1 =	sld [smem:$0x3FA8]  }
0x28: {  	s2 =	sld [smem:$0x3FA9]  }
0x29: {  	s4 =	sld [smem:$0x3FAB]  }
0x2a: {  	p0 =	seq.s32 s5, $0x0;
	s5 =	sld [smem:$0x3FAC]  }
0x2b: {  	s6 =	sld [smem:$0x3FAD]  }
0x2c: {  	s7 =	sld [smem:$0x3FAE]  }
0x2d: {  	s3 =	simm.s32 $0x108;
	s8 =	sld [smem:$0x3FAF]  }
0x2e: {  	s3 =	simm.s32 @!p0 $0x1082;
	s9 =	sld [smem:$0x3FB0]  }
0x2f: {  	lr =	sadd.s32 s0, s3;
	s0 =	sld [smem:$0x3FA7]  }
0x30: {  	s3 =	sld [smem:$0x3FAA]  }
0x31: {  	[smem:$0x3FB3] =	sst s10  }
0x32: {  	s10 =	sld [smem:$0x3FB1];
	_ =	sdelay $0x3  }
0x33: {  	p0 =	seq.s32 s10, $0x1;
	s10 =	sld [smem:$0x3FB3];
	_ =	sdelay $0x3  }
0x34: {  	[smem:$0x3FB3] =	sst s10  }
0x35: {  	s10 =	sld [smem:$0x3FB2];
	_ =	sdelay $0x3  }
0x36: {  	p1 =	seq.s32 s10, $0x1;
	s10 =	sld [smem:$0x3FB3];
	_ =	sdelay $0x3  }
0x37: {  	[smem:$0x3FB3] =	sst s10  }
0x38: {  	s10 =	sld [smem:$0x3FB4]  }
0x39: {  	_ = 	snop;
	(pc) =	sbr.ind lr, $3  }
0x3a: {  	_ = 	snop  }
0x3b: {  	_ = 	snop  }
0x3c: {  	p2 =	seq.s32 s10, $0x1;
	s10 =	sld [smem:$0x3FB3]  }
0x3d: {  	_ =	shalt  }
0x3e: {  	_ =	shalt  }
0x3f: {  	_ =	shalt  }
0x40: {  	_ =	shalt  }
0x41: {  	_ =	shalt  }
0x42: {  	_ =	shalt  }
0x43: {  	_ =	shalt  }
0x44: {  	_ =	shalt  }
0x45: {  	_ =	shalt  }
0x46: {  	_ =	shalt  }
0x47: {  	_ =	shalt  }
0x48: {  	_ =	shalt  }
0x49: {  	_ =	shalt  }
0x4a: {  	_ =	shalt  }
0x4b: {  	_ =	shalt  }
0x4c: {  	_ =	shalt  }
0x4d: {  	_ =	shalt  }
0x4e: {  	_ =	shalt  }
0x4f: {  	_ =	shalt  }
0x50: {  	_ =	shalt  }
0x51: {  	_ =	shalt  }
0x52: {  	_ =	shalt  }
0x53: {  	_ =	shalt  }
0x54: {  	_ =	shalt  }
0x55: {  	_ =	shalt  }
0x56: {  	_ =	shalt  }
0x57: {  	_ =	shalt  }
0x58: {  	_ =	shalt  }
0x59: {  	_ =	shalt  }
0x5a: {  	_ =	shalt  }
0x5b: {  	_ =	shalt  }
0x5c: {  	_ =	shalt  }
0x5d: {  	_ =	shalt  }
0x5e: {  	_ =	shalt  }
0x5f: {  	_ =	shalt  }
0x60: {  	_ =	shalt  }
0x61: {  	_ =	shalt  }
0x62: {  	_ =	shalt  }
0x63: {  	_ =	shalt  }
0x64: {  	_ =	shalt  }
0x65: {  	_ =	shalt  }
0x66: {  	_ =	shalt  }
0x67: {  	_ =	shalt  }
0x68: {  	_ =	shalt  }
0x69: {  	_ =	shalt  }
0x6a: {  	_ =	shalt  }
0x6b: {  	_ =	shalt  }
0x6c: {  	_ =	shalt  }
0x6d: {  	_ =	shalt  }
0x6e: {  	_ =	shalt  }
0x6f: {  	_ =	shalt  }
0x70: {  	_ =	shalt  }
0x71: {  	_ =	shalt  }
0x72: {  	_ =	shalt  }
0x73: {  	_ =	shalt  }
0x74: {  	_ =	shalt  }
0x75: {  	_ =	shalt  }
0x76: {  	_ =	shalt  }
0x77: {  	_ =	shalt  }
0x78: {  	_ =	shalt  }
0x79: {  	_ =	shalt  }
0x7a: {  	_ =	shalt  }
0x7b: {  	_ =	shalt  }
0x7c: {  	_ =	shalt  }
0x7d: {  	_ =	shalt  }
0x7e: {  	_ =	shalt  }
0x7f: {  	_ =	shalt  }
0x80: {  	_ =	shalt  }
0x81: {  	_ =	shalt  }
0x82: {  	_ =	shalt  }
0x83: {  	_ =	shalt  }
0x84: {  	_ =	shalt  }
0x85: {  	_ =	shalt  }
0x86: {  	_ =	shalt  }
0x87: {  	_ =	shalt  }
.Lfunc_end0:
.L_simem_size_0:
called_computation_lowered:
.L_overlay_start_0:
0x88: {  	s2 =	sld [smem:$0x3FD9]  }
0x89: {  	s3 =	sld [smem:$0x3FFE];
	_ =	sdelay $0x1  }
0x8a: {  	s1 =	srdreg.scid  }
0x8b: {  	s0 =	sand.u32 $0x1, s1  }
0x8c: {  	s17 =	sshll.u32 s0, $0xA;
	s2 =	sadd.s32 s3, s2  }
0x8d: {  	s2 =	sadd.s32 s2, s17  }
0x8e: {  	[smem:$0x3FBF] =	sst s2  }
0x8f: {  	_ = 	snop  }
0x90: {  	s2 =	sld [smem:$0x3FD0];
	(tm) =	ssettm $0x1  }
0x91: {  	s18 =	sld [smem:$0x3FFB];
	_ =	sdelay $0x3  }
0x92: {  	_ =	strace s18  }
0x93: {  	s3 =	sld [smem:$0x3FFC];
	_ =	sdelay $0x3  }
0x94: {  	_ =	strace s3  }
0x95: {  	s3 =	sld [smem:$0x3FFD];
	_ =	sdelay $0x3  }
0x96: {  	_ =	strace s3  }
0x97: {  	_ =	strace $0x8FFFFFFF  }
0x98: {  	s19 =	sld [smem:$0x3FDB];
	_ =	sdelay $0x1  }
0x99: {  	s4 =	simm.s32 $_scs_section_size  }
0x9a: {  	s5 =	simm.s32 $_size__tile_overlayer_lowered;
	s6 =	simm.s32 $_tile_overlayer_lowered  }
0x9b: {  	s22 =	simm.s32 $0x1BFF;
	s21 =	sshll.u32 s6, $0x1;
	s3 =	sadd.s32 s4, s19  }
0x9c: {  	s7 =	simm.s32 $0x0;
	s20 =	sshll.u32 s5, $0x1;
	s5 =	sadd.s32 s21, s3  }
0x9d: {  	[timem:s7], [sflag:s22] =	dma.local [hbm:s5], s20  }
0x9e: {  	_ =	swait.ge [sflag:s22], s20  }
0x9f: {  	s4 =	ssub.s32 $0x0, s20;
	[sflag:s22] =	ssyncset.done $0x0  }
0xa0: {  	[sflag:s22] =	ssyncadd.s32 s4;
	_ =	sdelay $0x1  }
0xa1: {  	s23 =	simm.s32 $0x1B8B  }
0xa2: {  	_ =	swait.ge [sflag:s23], $0x1  }
0xa3: {  	[sflag:s23] =	ssyncset.done $0x0  }
0xa4: {  	s25 =	simm.s32 $0x1B8E;
	s24 =	sld [smem:$0x3FFE];
	[sflag:s23] =	ssyncadd.s32 $0xFFFFFFFF  }
0xa5: {  	s26 =	simm.s32 $execute0_lowered;
	[smem:$0x3FD2] =	sst s25  }
0xa6: {  	s5 =	sshll.u32 s26, $0x1;
	_ =	strace $0x80000046;
	[dreg:$0x1] =	wrdreg $0xFFFFFFFF  }
0xa7: {  	s28 =	simm.s32 $_size_execute0_lowered;
	s3 =	sadd.s32 s3, s5;
	[dreg:$0x0] =	wrdreg $0x0  }
0xa8: {  	s5 =	sshll.u32 s28, $0x1;
	[dreg:$0x2] =	wrdreg s3  }
0xa9: {  	[dreg:$0x3] =	wrdreg s5  }
0xaa: {  	[dreg:$0x4] =	wrdreg $0xC0  }
0xab: {  	_ =	task [dreg:s7], $0x5FFFF  }
0xac: {  	[dreg:$0x1] =	wrdreg $0xFFFFFFFF  }
0xad: {  	[dreg:$0x0] =	wrdreg $0x60  }
0xae: {  	[dreg:$0x2] =	wrdreg s24  }
0xaf: {  	[dreg:$0x3] =	wrdreg s2  }
0xb0: {  	[dreg:$0x4] =	wrdreg $0x82000  }
0xb1: {  	[dreg:$0x5] =	wrdreg $0x1C2800  }
0xb2: {  	[dreg:$0x6] =	wrdreg $0x9  }
0xb3: {  	_ =	task.clear_ibuf [dreg:s7], $0x7FFFF;
	_ =	strace $0x90000046  }
0xb4: {  	s29 =	simm.s32 $0x9;
	_ =	strace $0x80000048  }
0xb5: {  	_ =	swait.ge [sflag:s29], $0x1  }
0xb6: {  	[sflag:s29] =	ssyncadd.s32 $0xFFFFFFFF  }
0xb7: {  	_ =	strace $0x90000048  }
0xb8: {  	_ =	sfence  }
0xb9: {  	s30 =	sld [smem:$0x0];
	_ =	sdelay $0x2  }
0xba: {  	s31 =	sshll.u32 s1, $0xD;
	s1 =	sshrl.u32 s1, $0x2  }
0xbb: {  	s3 =	sand.u32 $0x4000, s31;
	s1 =	sadd.s32 s1, s30  }
0xbc: {  	s0 =	sor.u32 s3, s0;
	s1 =	sshll.u32 s1, $0x11  }
0xbd: {  	s0 =	sor.u32 s1, s0  }
0xbe: {  	s0 =	sadd.s32 $0x8F2B, s0  }
0xbf: {  	[sflag:s0] =	ssyncadd.remote.s32 $0x1  }
0xc0: {  	_ =	sfence.sel $0xFFFF  }
0xc1: {  	[dreg:$0x0] =	wrdreg $0xFFFFFFFF;
	(pc) =	sbr.abs _section_cstart, $3  }
0xc2: {  	[dreg:$0x1] =	wrdreg $0xFFFFFFFF  }
0xc3: {  	_ =	task.clear_ibuf [dreg:s7], $0x2FFFF;
	_ =	strace $0x9FFFFFFF  }
0xc4: {  	(tm) =	ssettm $0x7FFFFFFF  }
0xc5: {  	_ =	shalt  }
tec
execute0_lowered:
.L_overlay_start_1:
0x0: {  	(tag) =	ssettag $0x1  }
0x1: {  	s0 =	rddreg [dreg:$0x0]  }
0x2: {  	s3 =	rddreg [dreg:$0x2]  }
0x3: {  	s4 =	rddreg [dreg:$0x3];
	s15 =	stileid.u32  }
0x4: {  	s5 =	simm.s32 $0x0;
	s2 =	srdreg.scid;
	s28 =	simm.s32 $0x4200  }
0x5: {  	s29 =	simm.s32 $0x3;
	s30 =	simm.s32 $0x4;
	s1 =	smul.u32 $0x14000, s15  }
0x6: {  	s31 =	simm.s32 $0x180;
	[smem:$0x7FF] =	sst s5;
	s8 =	smul.u32 $0x280, s15  }
0x7: {  	s2 =	sand.u32 $0x1, s2;
	s6 =	sadd.s32 $0x17800, s0;
	s13 =	smul.u32 $0x500, s15  }
0x8: {  	s18 =	smul.u32 $0xA000, s15;
	s21 =	sshll.u32 s15, $0x6;
	_ =	strace $0x80000047  }
0x9: {  	s9 =	smul.u32 $0x140000, s2;
	s14 =	sshll.u32 s2, $0x7;
	s16 =	ssub.s32 $0x2, s2  }
0xa: {  	s2 =	ssub.s32 $0x0, s2;
	s7 =	sshrl.u32 s1, $0x3;
	s12 =	sshrl.u32 s8, $0x3  }
0xb: {  	s2 =	sand.u32 $0x50, s2;
	s8 =	sadd.s32 s8, s4;
	s10 =	sadd.s32 s7, s0  }
0xc: {  	s11 =	sadd.s32 s12, s0;
	s1 =	sadd.s32 s1, s9;
	s12 =	sadd.s32 $0x3800, s0  }
0xd: {  	s7 =	sor.u32 s14, s13;
	s13 =	sshrl.u32 s16, $0x1;
	s14 =	smul.u32 $0x50000, s15  }
0xe: {  	s19 =	sshll.u32 s2, $0x8;
	s9 =	sor.u32 $0x1C05, s21;
	[dreg:$0x6] =	wrdreg s8  }
0xf: {  	s21 =	simm.s32 $0x5;
	s1 =	sshrl.u32 s1, $0x3;
	s7 =	sshrl.u32 s7, $0x3  }
0x10: {  	s16 =	ssub.s32 s16, s13;
	s10 =	sadd.s32 $0x3F800, s10;
	s23 =	sadd.s32 $0x67800, s11  }
0x11: {  	s1 =	sadd.s32 s1, s0;
	s0 =	sadd.s32 s7, s0;
	[dreg:$0x5] =	wrdreg s10  }
0x12: {  	s17 =	sshrl.u32 s14, $0x2;
	s7 =	sadd.s32 $0x50, s2;
	[dreg:$0x7] =	wrdreg s23  }
0x13: {  	s16 =	smax.u32 s16, $0x1;
	s23 =	simm.s32 $0x100;
	s20 =	sadd.s32 s17, s3  }
0x14: {  	s17 =	sadd.s32 s18, s19;
	s1 =	sadd.s32 $0x68800, s1;
	s15 =	sadd.s32 $0x67E00, s0  }
0x15: {  	s18 =	sor.u32 $0x3, s2;
	s22 =	sor.u32 $0x100, s17;
	s24 =	sshrl.u32 s17, $0x3  }
0x16: {  	[dreg:$0xa] =	wrdreg s1;
	s25 =	sor.u32 $0x300, s17;
	s26 =	sor.u32 $0x200, s17  }
0x17: {  	s20 =	sshrl.u32 s20, $0x3;
	s8 =	sshrl.u32 s22, $0x3;
	s10 =	sadd.s32 s12, s24  }
0x18: {  	s0 =	sshrl.u32 s25, $0x3;
	s1 =	sshrl.u32 s26, $0x3;
	s22 =	simm.s32 $0x1C200  }
0x19: {  	s24 =	simm.s32 $0x80;
	s25 =	simm.s32 $0x200;
	s26 =	simm.s32 $0x2  }
0x1a: {  	[dreg:$0x8] =	wrdreg s10;
	s8 =	sadd.s32 s12, s8;
	s17 =	sadd.s32 s0, s12  }
0x1b: {  	s19 =	sadd.s32 s1, s12;
	s0 =	simm.s32 $0x0;
	[dreg:$0x9] =	wrdreg s8  }
.LBB2_1:
0x1c: {  	s1 =	rddreg [dreg:$0x5]  }
0x1d: {  	[spmem:s20], [sflag:s9] =	dma.local [hbm:s1], $0x2800  }
0x1e: {  	_ =	swait.ge [sflag:s21], $0x2800  }
0x1f: {  	[sflag:s21] =	ssyncset.done $0x0;
	s10 =	rddreg [dreg:$0x6]  }
0x20: {  	s2 =	rddreg [dreg:$0x7];
	[sflag:s21] =	ssyncadd.s32 $0xFFFFD800;
	s1 =	sshrl.u32 s10, $0x3  }
0x21: {  	[spmem:s1], [sflag:s9] =	dma.local [hbm:s2], $0x50  }
0x22: {  	_ =	swait.ge [sflag:s21], $0x50  }
0x23: {  	[sflag:s21] =	ssyncset.done $0x0  }
0x24: {  	[sflag:s21] =	ssyncadd.s32 $0xFFFFFFB0  }
0x25: {  	s11 =	rddreg [dreg:$0x1]  }
0x26: {  	[tilespmem:s22], [sflag:$0x5] =	stream.linear.gather [hbm4b:s11+s5], $0x80, $0x38;
	[tilespmem:$0x1C500] =	vst v63  }
0x27: {  	_ =	swait.ge [sflag:s21], $0x80  }
0x28: {  	[sflag:s21] =	ssyncset.done $0x0  }
0x29: {  	[sflag:s21] =	ssyncadd.s32 $0xFFFFFF80  }
0x2a: {  	[bflag:$0x0] =	sbarrier.arrive $0xFFFF  }
0x2b: {  	s12 =	rddreg [dreg:$0x8]  }
0x2c: {  	[tilespmem:s5], [sflag:$0x5] =	stream.linear.gather [hbm4b:s12+s5], $0x100, $0x38;
	[tilespmem:$0x1C500] =	vst v63  }
0x2d: {  	_ =	swait.ge [sflag:s21], $0x100  }
0x2e: {  	[sflag:s21] =	ssyncset.done $0x0  }
0x2f: {  	s13 =	rddreg [dreg:$0x9];
	[sflag:s21] =	ssyncadd.s32 $0xFFFFFF00  }
0x30: {  	[tilespmem:s23], [sflag:$0x2] =	stream.linear.gather [hbm4b:s13+s5], $0x100, $0x38;
	[tilespmem:$0x1C500] =	vst v63  }
0x31: {  	_ = 	snop  }
0x32: {  	[tilespmem:s25], [sflag:$0x3] =	stream.indirect.gather [hbm4b:s6+s24], $0x80, s5, s24, $0xb8;
	[tilespmem:$0x1C500] =	vst v63  }
0x33: {  	_ =	swait.ge [sflag:s26], $0x100  }
0x34: {  	[sflag:s26] =	ssyncset.done $0x0  }
0x35: {  	[sflag:s26] =	ssyncadd.s32 $0xFFFFFF00  }
0x36: {  	[tilespmem:s28], [sflag:$0x4] =	stream.indirect.gather [hbm4b:s6+s24], $0x80, s23, s24, $0xb8;
	[tilespmem:$0x1C500] =	vst v63  }
0x37: {  	_ =	swait.ge [sflag:s29], $0x4000  }
0x38: {  	[sflag:s29] =	ssyncset.done $0x0  }
0x39: {  	[sflag:s29] =	ssyncadd.s32 $0xFFFFC000  }
0x3a: {  	[spmem:s3] =	stream.indirect.scatter.add.f32 [tilespmem:s25], [sflag:$0x5], $0x80, s24, s24, $0xb8;
	[tilespmem:$0x1C500] =	vst v63  }
0x3b: {  	_ =	swait.ge [sflag:s21], $0x4000  }
0x3c: {  	[sflag:s21] =	ssyncset.done $0x0  }
0x3d: {  	s14 =	sadd.s32 $0xFFFFFFFF, s18;
	[sflag:s21] =	ssyncadd.s32 $0xFFFFC000  }
0x3e: {  	[spmem:s4] =	stream.indirect.scatter.add.f32 [tilespmem:s22], [sflag:$0x5], $0x1, s24, s24, $0xb8;
	[tilespmem:$0x1C500] =	vst v63  }
0x3f: {  	p0 =	sge.u32 s14, s7;
	_ =	swait.ge [sflag:s21], $0x80  }
0x40: {  	s8 =	simm.s32 @!p0 $0x0;
	[sflag:s21] =	ssyncset.done $0x0  }
0x41: {  	s10 =	simm.s32 @!p0 $0x1;
	s2 =	sadd.s32 @!p0 $0x0, s19;
	[sflag:s21] =	ssyncadd.s32 $0xFFFFFF80  }
0x42: {  	[tilespmem:s8], [sflag:$0x1] =	stream.linear.gather @!p0 [hbm4b:s2+s8], $0x100, $0x38;
	[tilespmem:$0x1C500] =	vst v63  }
0x43: {  	_ =	swait.ge @!p0 [sflag:s10], $0x100  }
0x44: {  	[sflag:s10] =	ssyncset.done @!p0 $0x0  }
0x45: {  	s11 =	simm.s32 @!p0 $0x200;
	s2 =	simm.s32 @!p0 $0x80;
	[sflag:s10] =	ssyncadd.s32 @!p0 $0xFFFFFF00  }
0x46: {  	[tilespmem:s11], [sflag:$0x3] =	stream.indirect.gather @!p0 [hbm4b:s6+s2], $0x80, s8, s2, $0xb8;
	[tilespmem:$0x1C500] =	vst v63  }
0x47: {  	_ =	swait.ge [sflag:s30], $0x4000  }
0x48: {  	[sflag:s30] =	ssyncset.done $0x0  }
0x49: {  	[sflag:s30] =	ssyncadd.s32 $0xFFFFC000  }
0x4a: {  	[spmem:s3] =	stream.indirect.scatter.add.f32 [tilespmem:s28], [sflag:$0x5], $0x80, s31, s24, $0xb8;
	[tilespmem:$0x1C500] =	vst v63  }
0x4b: {  	_ =	swait.ge [sflag:s21], $0x4000  }
0x4c: {  	[sflag:s21] =	ssyncset.done $0x0  }
0x4d: {  	p1 =	sge.u32 s18, s7;
	[sflag:s21] =	ssyncadd.s32 $0xFFFFC000  }
0x4e: {  	[spmem:s4] =	stream.indirect.scatter.add.f32 [tilespmem:s22], [sflag:$0x5], $0x1, s31, s24, $0xb8;
	[tilespmem:$0x1C500] =	vst v63  }
0x4f: {  	s12 =	simm.s32 @!p1 $0x100;
	s2 =	simm.s32 $0x40;
	_ =	swait.ge [sflag:s21], $0x80  }
0x50: {  	s8 =	sadd.s32 $0x2, s18;
	s11 =	sadd.s32 @!p1 $0x0, s17;
	[sflag:s21] =	ssyncset.done $0x0  }
.LBB2_2:
0x51: {  	[sflag:s21] =	ssyncadd.s32 $0xFFFFFF80  }
0x52: {  	s13 =	simm.s32 @!p1 $0x0;
	s10 =	smov.u32 s2;
	s2 =	sadd.s32 $0x40, s2  }
0x53: {  	[tilespmem:s12], [sflag:$0x2] =	stream.linear.gather @!p1 [hbm4b:s11+s13], $0x100, $0x38;
	[tilespmem:$0x1C500] =	vst v63  }
0x54: {  	p0 =	sne.s32 s2, $0x9C0;
	_ =	swait.ge [sflag:s26], $0x100  }
0x55: {  	[sflag:s26] =	ssyncset.done $0x0  }
0x56: {  	[sflag:s26] =	ssyncadd.s32 $0xFFFFFF00  }
0x57: {  	[tilespmem:s28], [sflag:$0x4] =	stream.indirect.gather [hbm4b:s6+s24], $0x80, s23, s24, $0xb8;
	[tilespmem:$0x1C500] =	vst v63  }
0x58: {  	_ =	swait.ge [sflag:s29], $0x4000  }
0x59: {  	[sflag:s29] =	ssyncset.done $0x0  }
0x5a: {  	[sflag:s29] =	ssyncadd.s32 $0xFFFFC000  }
0x5b: {  	[spmem:s3] =	stream.indirect.scatter.add.f32 [tilespmem:s25], [sflag:$0x5], $0x80, s24, s24, $0xb8;
	[tilespmem:$0x1C500] =	vst v63  }
0x5c: {  	_ =	swait.ge [sflag:s21], $0x4000  }
0x5d: {  	[sflag:s21] =	ssyncset.done $0x0  }
0x5e: {  	s11 =	sadd.s32 $0xFFFFFFFF, s8;
	[sflag:s21] =	ssyncadd.s32 $0xFFFFC000  }
0x5f: {  	[spmem:s4] =	stream.indirect.scatter.add.f32 [tilespmem:s22], [sflag:$0x5], $0x1, s24, s24, $0xb8;
	[tilespmem:$0x1C500] =	vst v63  }
0x60: {  	p1 =	sge.u32 s11, s7;
	_ =	swait.ge [sflag:s21], $0x80  }
0x61: {  	s11 =	sadd.s32 @!p1 s10, s19;
	s12 =	simm.s32 @!p1 $0x0;
	[sflag:s21] =	ssyncset.done $0x0  }
0x62: {  	s13 =	simm.s32 @!p1 $0x1;
	[sflag:s21] =	ssyncadd.s32 $0xFFFFFF80  }
0x63: {  	[tilespmem:s12], [sflag:$0x1] =	stream.linear.gather @!p1 [hbm4b:s11+s12], $0x100, $0x38;
	[tilespmem:$0x1C500] =	vst v63  }
0x64: {  	_ =	swait.ge @!p1 [sflag:s13], $0x100  }
0x65: {  	s14 =	simm.s32 @!p1 $0x200;
	s11 =	simm.s32 @!p1 $0x80;
	[sflag:s13] =	ssyncset.done @!p1 $0x0  }
0x66: {  	[sflag:s13] =	ssyncadd.s32 @!p1 $0xFFFFFF00  }
0x67: {  	[tilespmem:s14], [sflag:$0x3] =	stream.indirect.gather @!p1 [hbm4b:s6+s11], $0x80, s12, s11, $0xb8;
	[tilespmem:$0x1C500] =	vst v63  }
0x68: {  	_ =	swait.ge [sflag:s30], $0x4000  }
0x69: {  	[sflag:s30] =	ssyncset.done $0x0  }
0x6a: {  	[sflag:s30] =	ssyncadd.s32 $0xFFFFC000  }
0x6b: {  	[spmem:s3] =	stream.indirect.scatter.add.f32 [tilespmem:s28], [sflag:$0x5], $0x80, s31, s24, $0xb8;
	[tilespmem:$0x1C500] =	vst v63  }
0x6c: {  	_ =	swait.ge [sflag:s21], $0x4000  }
.Ltmp0:
0x6d: {  	[sflag:s21] =	ssyncset.done $0x0;
	(pc) =	sbr.rel @p0 .LBB2_2-.Ltmp0, $4  }
0x6e: {  	[sflag:s21] =	ssyncadd.s32 $0xFFFFC000  }
0x6f: {  	[spmem:s4] =	stream.indirect.scatter.add.f32 [tilespmem:s22], [sflag:$0x5], $0x1, s31, s24, $0xb8;
	[tilespmem:$0x1C500] =	vst v63  }
0x70: {  	p1 =	sge.u32 s8, s7;
	s8 =	sadd.s32 $0x2, s8;
	_ =	swait.ge [sflag:s21], $0x80  }
0x71: {  	s11 =	sadd.s32 @!p1 s10, s17;
	s12 =	simm.s32 @!p1 $0x100;
	[sflag:s21] =	ssyncset.done $0x0  }
0x72: {  	[sflag:s21] =	ssyncadd.s32 $0xFFFFFF80;
	s2 =	simm.s32 @!p1 $0x0  }
0x73: {  	[tilespmem:s12], [sflag:$0x2] =	stream.linear.gather @!p1 [hbm4b:s11+s2], $0x100, $0x38;
	[tilespmem:$0x1C500] =	vst v63  }
0x74: {  	_ =	swait.ge [sflag:s26], $0x100  }
0x75: {  	[sflag:s26] =	ssyncset.done $0x0  }
0x76: {  	[sflag:s26] =	ssyncadd.s32 $0xFFFFFF00  }
0x77: {  	[tilespmem:s28], [sflag:$0x4] =	stream.indirect.gather [hbm4b:s6+s24], $0x80, s23, s24, $0xb8;
	[tilespmem:$0x1C500] =	vst v63  }
0x78: {  	_ =	swait.ge [sflag:s29], $0x4000  }
0x79: {  	[sflag:s29] =	ssyncset.done $0x0  }
0x7a: {  	[sflag:s29] =	ssyncadd.s32 $0xFFFFC000  }
0x7b: {  	[spmem:s3] =	stream.indirect.scatter.add.f32 [tilespmem:s25], [sflag:$0x5], $0x80, s24, s24, $0xb8;
	[tilespmem:$0x1C500] =	vst v63  }
0x7c: {  	_ =	swait.ge [sflag:s21], $0x4000  }
0x7d: {  	[sflag:s21] =	ssyncset.done $0x0  }
0x7e: {  	[sflag:s21] =	ssyncadd.s32 $0xFFFFC000  }
0x7f: {  	[spmem:s4] =	stream.indirect.scatter.add.f32 [tilespmem:s22], [sflag:$0x5], $0x1, s24, s24, $0xb8;
	[tilespmem:$0x1C500] =	vst v63  }
0x80: {  	_ =	swait.ge [sflag:s21], $0x80  }
0x81: {  	[sflag:s21] =	ssyncset.done $0x0  }
0x82: {  	[sflag:s21] =	ssyncadd.s32 $0xFFFFFF80  }
0x83: {  	_ =	swait.ge [sflag:s30], $0x4000  }
0x84: {  	[sflag:s30] =	ssyncset.done $0x0  }
0x85: {  	[sflag:s30] =	ssyncadd.s32 $0xFFFFC000  }
0x86: {  	[spmem:s3] =	stream.indirect.scatter.add.f32 [tilespmem:s28], [sflag:$0x5], $0x80, s31, s24, $0xb8;
	[tilespmem:$0x1C500] =	vst v63  }
0x87: {  	_ =	swait.ge [sflag:s21], $0x4000  }
0x88: {  	[sflag:s21] =	ssyncset.done $0x0  }
0x89: {  	[sflag:s21] =	ssyncadd.s32 $0xFFFFC000  }
0x8a: {  	[spmem:s4] =	stream.indirect.scatter.add.f32 [tilespmem:s22], [sflag:$0x5], $0x1, s31, s24, $0xb8;
	[tilespmem:$0x1C500] =	vst v63  }
0x8b: {  	_ =	swait.ge [sflag:s21], $0x80  }
0x8c: {  	[sflag:s21] =	ssyncset.done $0x0  }
0x8d: {  	[sflag:s21] =	ssyncadd.s32 $0xFFFFFF80  }
0x8e: {  	[bflag:$0x0] =	sbarrier.arrive $0xFFFF  }
0x8f: {  	s13 =	rddreg [dreg:$0xa]  }
0x90: {  	[hbm:s13], [sflag:s9] =	dma.local [spmem:s20], $0x2800  }
0x91: {  	s14 =	simm.s32 $0x1;
	s0 =	sadd.s32 $0x1, s0;
	_ =	swait.ge [sflag:s21], $0x2800  }
0x92: {  	s8 =	simm.s32 $0x20;
	p0 =	sne.s32 s0, s16;
	[sflag:s21] =	ssyncset.done $0x0  }
.Ltmp1:
0x93: {  	s10 =	simm.s32 $0x10;
	[sflag:s21] =	ssyncadd.s32 $0xFFFFD800;
	(pc) =	sbr.rel @p0 .LBB2_1-.Ltmp1, $4  }
0x94: {  	[hbm:s15@s8], [sflag:s9] =	dma.strided [spmem:s1@s10], $0x50, s14, $0x10   }
0x95: {  	_ =	swait.ge [sflag:s21], $0x50  }
0x96: {  	[sflag:s21] =	ssyncset.done $0x0  }
0x97: {  	[sflag:s21] =	ssyncadd.s32 $0xFFFFFFB0  }
0x98: {  	_ =	sfence.sel $0x180000  }
0x99: {  	[bflag:$0x0] =	sbarrier.arrive $0xFFFF  }
0x9a: {  	_ =	strace $0x90000047  }
0x9b: {  	s0 =	stileid.u32;
	[bflag:$0x2] =	sbarrier.arrive $0xFFFF  }
0x9c: {  	p0 =	sne.s32 s0, $0x0;
	s0 =	rddreg [dreg:$0x4]  }
0x9d: {  	s0 =	sadd.s32 @!p0 $0x100000, s0  }
0x9e: {  	[sflag:s0] =	ssyncadd.tile.s32 @!p0 $0x1;
	_ =	shalt  }
.Lfunc_end2:
_tile_overlayer_lowered:
.L_overlay_start_2:
0x9f: {  	(tag) =	ssettag $0x2  }
0xa0: {  	s0 =	rddreg [dreg:$0x0];
	s2 =	stileid.u32  }
0xa1: {  	s1 =	rddreg [dreg:$0x1];
	p0 =	sne.s32 s2, $0x0  }
0xa2: {  	s3 =	rddreg [dreg:$0x2];
	[bflag:$0x3] =	sbarrier.arrive $0xFFFF;
	s2 =	simm.s32 @!p0 $0x1C05  }
0xa3: {  	[timem:s3], [sflag:s2] =	dma.local @!p0 [hbm:s0], s1  }
0xa4: {  	s0 =	simm.s32 @!p0 $0x5  }
0xa5: {  	_ =	swait.ge @!p0 [sflag:s0], s1  }
0xa6: {  	s1 =	ssub.s32 @!p0 $0x0, s1;
	[sflag:s0] =	ssyncset.done @!p0 $0x0  }
0xa7: {  	[sflag:s0] =	ssyncadd.s32 @!p0 s1  }
0xa8: {  	[bflag:$0x3] =	sbarrier.arrive $0xFFFF  }
0xa9: {  	_ =	shalt  }

</sc_bundles>
